<compile_context>
chip_gen: v7x
topology: tpu7x:2x2x1
jax: 0.10.2.dev20260603
libtpu: 0.0.44.dev20260713+nightly
codegen_flags: <defaults>
</compile_context>

<pallas_src>
import functools

import jax
import jax.numpy as jnp
from jax import lax
from jax.experimental import pallas as pl
from jax.experimental.pallas import tpu as pltpu, tpu_sc as plsc

F32 = jnp.float32

_NC = 2
_NS = 16
_NW = _NC * _NS


def _node_body(x_ref, w_ref, as_ref, ad_ref, xl_ref, u_ref, v_ref, o_ref):
    i = pl.program_id(0)
    xl = jnp.dot(x_ref[...], w_ref[...], preferred_element_type=F32)
    xl_ref[...] = xl
    u = jnp.dot(xl, as_ref[...], preferred_element_type=F32)
    u_ref[...] = u
    v_ref[...] = jnp.dot(xl, ad_ref[...], preferred_element_type=F32)
    m = jnp.max(u, axis=0, keepdims=True)
    col = lax.broadcasted_iota(jnp.int32, (16, 16), 1)
    row = lax.broadcasted_iota(jnp.int32, (16, 16), 0)
    tmat = (col % 4 == row).astype(F32)
    mt = jnp.dot(m, tmat, preferred_element_type=F32)

    @pl.when(i == 0)
    def _():
        o_ref[...] = mt

    @pl.when(i > 0)
    def _():
        o_ref[...] = jnp.maximum(o_ref[...], mt)


def _edge_mlp_body(ea_ref, w1_ref, b1_ref, w2_ref, b2_ref,
                   a1_ref, ab1_ref, a2_ref, ab2_ref, pe_ref, lg_ref, mx_ref):
    i = pl.program_id(0)
    t = jnp.dot(ea_ref[...], w1_ref[...], preferred_element_type=F32)
    t = jnp.maximum(t + b1_ref[...], 0.0)
    pe = jnp.dot(t, w2_ref[...], preferred_element_type=F32) + b2_ref[...]
    pe_ref[...] = pe
    q = jnp.dot(pe, a1_ref[...], preferred_element_type=F32)
    q = jnp.maximum(q + ab1_ref[...], 0.0)
    lg = jnp.dot(q, a2_ref[...], preferred_element_type=F32) + ab2_ref[...]
    lg_ref[...] = lg.reshape(1, 1, lg.shape[0])
    m = jnp.max(lg).reshape(1, 1)

    @pl.when(i == 0)
    def _():
        mx_ref[...] = m

    @pl.when(i > 0)
    def _():
        mx_ref[...] = jnp.maximum(mx_ref[...], m)


def _expsum_body(lg_ref, m_ref, w_ref, s_ref):
    i = pl.program_id(0)
    w = jnp.exp(lg_ref[...] - m_ref[...])
    w_ref[...] = w
    s = jnp.sum(w).reshape(1, 1)

    @pl.when(i == 0)
    def _():
        s_ref[...] = s

    @pl.when(i > 0)
    def _():
        s_ref[...] = s_ref[...] + s


def _sc_conv_body(xl_hbm, src_hbm, dst_hbm, u_hbm, v_hbm, m16_hbm,
                  numer_hbm, denom_hbm,
                  sidx0, didx0, dscat0, rows0, ubuf0, vbuf0, aebuf0,
                  sidx1, didx1, dscat1, rows1, ubuf1, vbuf1, aebuf1,
                  m16buf,
                  semi0, semuv0, semr0, semsc0, semi1, semuv1, semr1, semsc1,
                  numer_sp, denom_sp,
                  *, n_nodes, e_per_w, k_chunk):
    c = lax.axis_index("c")
    s = lax.axis_index("s")
    wid = c * _NS + s
    n_stripe = n_nodes // _NS
    sbase = s * n_stripe
    kc = k_chunk

    slots = ((sidx0, didx0, rows0, ubuf0, vbuf0, aebuf0, semi0, semuv0, semr0,
              dscat0, semsc0),
             (sidx1, didx1, rows1, ubuf1, vbuf1, aebuf1, semi1, semuv1, semr1,
              dscat1, semsc1))

    def _zrow(k, _):
        for j in range(8):
            rows0[k, pl.ds(16 * j, 16)] = jnp.zeros((16,), F32)
        aebuf0[k, pl.ds(0, 16)] = jnp.zeros((16,), F32)
        aebuf1[k, pl.ds(0, 16)] = jnp.zeros((16,), F32)
        return 0

    lax.fori_loop(0, kc, _zrow, 0)

    nz_full = n_stripe // kc
    nz_rem = n_stripe - nz_full * kc

    def _zsp(j, _):
        pltpu.sync_copy(rows0, numer_sp.at[pl.ds(sbase + j * kc, kc)])
        pltpu.sync_copy(aebuf0, denom_sp.at[pl.ds(sbase + j * kc, kc)])
        return 0

    lax.fori_loop(0, nz_full, _zsp, 0)
    if nz_rem:
        pltpu.sync_copy(rows0.at[pl.ds(0, nz_rem)],
                        numer_sp.at[pl.ds(sbase + nz_full * kc, nz_rem)])
        pltpu.sync_copy(aebuf0.at[pl.ds(0, nz_rem)],
                        denom_sp.at[pl.ds(sbase + nz_full * kc, nz_rem)])

    pltpu.sync_copy(m16_hbm, m16buf)
    plsc.subcore_barrier()

    mvec = m16buf[0, :]
    lane = lax.iota(jnp.int32, 16)
    rseq = lax.shift_right_logical(lane, 2)
    cseq = lax.bitwise_and(lane, 3)

    ebase = wid * e_per_w
    n_chunks = e_per_w // kc

    def fire_idx(i, sl):
        base = ebase + i * kc
        pltpu.async_copy(src_hbm.at[pl.ds(base, kc)], sl[0], sl[6])
        pltpu.async_copy(dst_hbm.at[pl.ds(base, kc)], sl[1], sl[6])

    def wait_idx(sl):
        pltpu.make_async_copy(src_hbm.at[pl.ds(0, kc)], sl[0], sl[6]).wait()
        pltpu.make_async_copy(dst_hbm.at[pl.ds(0, kc)], sl[1], sl[6]).wait()

    def fire_gathers(sl):
        pltpu.async_copy(u_hbm.at[sl[0]], sl[3], sl[7])
        pltpu.async_copy(v_hbm.at[sl[1]], sl[4], sl[7])
        pltpu.async_copy(xl_hbm.at[sl[0]], sl[2], sl[8])

    def wait_uv(sl):
        pltpu.make_async_copy(u_hbm.at[pl.ds(0, kc)], sl[3], sl[7]).wait()
        pltpu.make_async_copy(v_hbm.at[pl.ds(0, kc)], sl[4], sl[7]).wait()

    def wait_rows(sl):
        pltpu.make_async_copy(xl_hbm.at[pl.ds(0, kc)], sl[2], sl[8]).wait()

    def fire_scatter(sl):
        def _cpi(j, _):
            sl[9][pl.ds(16 * j, 16)] = sl[1][pl.ds(16 * j, 16)]
            return 0

        lax.fori_loop(0, kc // 16, _cpi, 0)
        pltpu.async_copy(sl[2], numer_sp.at[sl[9]], sl[10], add=True)
        pltpu.async_copy(sl[5], denom_sp.at[sl[9]], sl[10], add=True)

    def wait_scatter(sl):
        pltpu.make_async_copy(sl[2], numer_sp.at[pl.ds(0, kc)], sl[10]).wait()
        pltpu.make_async_copy(sl[5], denom_sp.at[pl.ds(0, kc)], sl[10]).wait()

    def compute_ae(sl):
        ubuf, vbuf, aebuf = sl[3], sl[4], sl[5]

        def _ae(j, rj):
            ue = plsc.load_gather(ubuf, [rj, cseq])
            ve = plsc.load_gather(vbuf, [rj, cseq])
            su = ue + ve
            al = jnp.maximum(su, 0.2 * su)
            tb = mvec + ve
            bb = jnp.maximum(tb, 0.2 * tb)
            plsc.store_scatter(aebuf, [rj, cseq], jnp.exp(al - bb))
            return rj + 4

        lax.fori_loop(0, kc // 4, _ae, rseq)

    def scale_rows(sl):
        rows, aebuf = sl[2], sl[5]

        def _scale(k2, _):
            for b2 in range(2):
                k = 2 * k2 + b2
                for h in range(4):
                    ae_s = plsc.load_gather(
                        aebuf, [jnp.full((16,), k, jnp.int32),
                                jnp.full((16,), h, jnp.int32)])
                    for j2 in range(2):
                        off = 32 * h + 16 * j2
                        rows[k, pl.ds(off, 16)] = rows[k, pl.ds(off, 16)] * ae_s
            return 0

        lax.fori_loop(0, kc // 2, _scale, 0)

    pltpu.sync_copy(src_hbm.at[pl.ds(ebase, kc)], sidx0)
    pltpu.sync_copy(dst_hbm.at[pl.ds(ebase, kc)], didx0)
    fire_gathers(slots[0])
    fire_idx(1, slots[1])

    def _pair(m, _):
        for b in range(2):
            i2 = 2 * m + b
            sl = slots[b]
            nx = slots[1 - b]

            @pl.when(i2 < n_chunks)
            def _():
                wait_uv(sl)
                compute_ae(sl)
                wait_rows(sl)

                @pl.when(i2 > 0)
                def _():
                    wait_scatter(nx)

                @pl.when(i2 + 1 < n_chunks)
                def _():
                    wait_idx(nx)
                    fire_gathers(nx)

                scale_rows(sl)
                fire_scatter(sl)

                @pl.when(i2 + 2 < n_chunks)
                def _():
                    fire_idx(i2 + 2, sl)
        return 0

    lax.fori_loop(0, (n_chunks + 1) // 2, _pair, 0)
    wait_scatter(slots[(n_chunks - 1) % 2])
    plsc.subcore_barrier()

    pltpu.sync_copy(numer_sp.at[pl.ds(sbase, n_stripe)], numer_hbm.at[c, s])
    pltpu.sync_copy(denom_sp.at[pl.ds(sbase, n_stripe)], denom_hbm.at[c, s])


def _sc_agg_body(pe_hbm, src_hbm, w_hbm,
                 agg_hbm,
                 sidx0, rows0, wbuf0, sidx1, rows1, wbuf1,
                 sem0, sem1, semsc0, semsc1, agg_sp,
                 *, n_nodes, e_per_w, k_chunk):
    c = lax.axis_index("c")
    s = lax.axis_index("s")
    wid = c * _NS + s
    n_stripe = n_nodes // _NS
    sbase = s * n_stripe
    kc = k_chunk

    slots = ((sidx0, rows0, wbuf0, sem0, semsc0),
             (sidx1, rows1, wbuf1, sem1, semsc1))

    def _zrow(k, _):
        for j in range(8):
            rows0[k, pl.ds(16 * j, 16)] = jnp.zeros((16,), F32)
        return 0

    lax.fori_loop(0, kc, _zrow, 0)

    nz_full = n_stripe // kc
    nz_rem = n_stripe - nz_full * kc

    def _zagg(j, _):
        pltpu.sync_copy(rows0, agg_sp.at[pl.ds(sbase + j * kc, kc)])
        return 0

    lax.fori_loop(0, nz_full, _zagg, 0)
    if nz_rem:
        pltpu.sync_copy(rows0.at[pl.ds(0, nz_rem)],
                        agg_sp.at[pl.ds(sbase + nz_full * kc, nz_rem)])

    plsc.subcore_barrier()

    ebase = wid * e_per_w
    n_chunks = e_per_w // kc

    def fire_loads(i, sl):
        base = ebase + i * kc
        pltpu.async_copy(src_hbm.at[pl.ds(base, kc)], sl[0], sl[3])
        pltpu.async_copy(pe_hbm.at[pl.ds(base, kc)], sl[1], sl[3])
        pltpu.async_copy(w_hbm.at[pl.ds(base, kc)], sl[2], sl[3])

    def wait_loads(sl):
        pltpu.make_async_copy(src_hbm.at[pl.ds(0, kc)], sl[0], sl[3]).wait()
        pltpu.make_async_copy(pe_hbm.at[pl.ds(0, kc)], sl[1], sl[3]).wait()
        pltpu.make_async_copy(w_hbm.at[pl.ds(0, kc)], sl[2], sl[3]).wait()

    fire_loads(0, slots[0])

    def _pair(m, _):
        for b in range(2):
            i2 = 2 * m + b
            sl = slots[b]
            nx = slots[1 - b]

            @pl.when(i2 < n_chunks)
            def _():
                wait_loads(sl)

                @pl.when(i2 > 0)
                def _():
                    pltpu.make_async_copy(
                        nx[1], agg_sp.at[pl.ds(0, kc)], nx[4]).wait()

                @pl.when(i2 + 1 < n_chunks)
                def _():
                    fire_loads(i2 + 1, nx)

                rows, wbuf = sl[1], sl[2]

                def _scale(k2, _):
                    for b2 in range(2):
                        k = 2 * k2 + b2
                        w_s = plsc.load_gather(
                            wbuf, [jnp.full((16,), k, jnp.int32)])
                        for j in range(8):
                            rows[k, pl.ds(16 * j, 16)] = (
                                rows[k, pl.ds(16 * j, 16)] * w_s)
                    return 0

                lax.fori_loop(0, kc // 2, _scale, 0)
                pltpu.async_copy(rows, agg_sp.at[sl[0]], sl[4], add=True)
        return 0

    lax.fori_loop(0, (n_chunks + 1) // 2, _pair, 0)
    pltpu.make_async_copy(slots[(n_chunks - 1) % 2][1],
                          agg_sp.at[pl.ds(0, kc)],
                          slots[(n_chunks - 1) % 2][4]).wait()
    plsc.subcore_barrier()

    pltpu.sync_copy(agg_sp.at[pl.ds(sbase, n_stripe)], agg_hbm.at[c, s])


def _combine_body(numer_ref, denom_ref, agg_ref, xl_ref, u_ref, v_ref,
                  m_ref, bg_ref, s_ref, r_ref, b_ref, fcw_ref, fcb_ref,
                  out_ref, acc_ref, cnt_ref, *, n_steps):
    i = pl.program_id(0)
    u = u_ref[:, :4]
    v = v_ref[:, :4]
    mx = m_ref[:, :4]
    tb = mx + v
    bb = jnp.maximum(tb, 0.2 * tb)
    su = u + v
    al = jnp.maximum(su, 0.2 * su)
    aes = jnp.exp(al - bb)
    dn = denom_ref[0, :, :4] + denom_ref[1, :, :4] + aes
    r = r_ref[...]
    xl = xl_ref[...]
    nm = (numer_ref[0] + numer_ref[1]
          + jnp.dot(aes, r, preferred_element_type=F32) * xl)
    dnr = jnp.dot(dn, r, preferred_element_type=F32)
    conv = nm / dnr + bg_ref[...]
    h = jnp.where(conv > 0, conv, jnp.exp(jnp.minimum(conv, 0.0)) - 1.0)
    h = h + (agg_ref[0] + agg_ref[1]) / s_ref[...]

    g8 = lax.iota(jnp.int32, 8)[None, :]
    m8 = (b_ref[...] == g8).astype(F32)
    upd = lax.dot_general(m8, h, (((0,), (0,)), ((), ())),
                          preferred_element_type=F32)
    updc = jnp.sum(m8, axis=0, keepdims=True)

    @pl.when(i == 0)
    def _():
        acc_ref[...] = upd
        cnt_ref[...] = updc

    @pl.when(i > 0)
    def _():
        acc_ref[...] = acc_ref[...] + upd
        cnt_ref[...] = cnt_ref[...] + updc

    @pl.when(i == n_steps - 1)
    def _():
        cnt = jnp.maximum(cnt_ref[...], 1.0)
        ii = lax.broadcasted_iota(jnp.int32, (8, 8), 0)
        jj = lax.broadcasted_iota(jnp.int32, (8, 8), 1)
        dmat = jnp.where(ii == jj, 1.0 / cnt, 0.0)
        pooled = jnp.dot(dmat, acc_ref[...], preferred_element_type=F32)
        out_ref[...] = (jnp.dot(pooled, fcw_ref[...],
                                preferred_element_type=F32) + fcb_ref[...])


def _run_sc_conv(xl, src, dst, u, v, m16, n, e, hc, heads):
    e_per_w = e // _NW
    k_chunk = 80
    mesh = plsc.VectorSubcoreMesh(core_axis_name="c", subcore_axis_name="s",
                                  num_cores=_NC, num_subcores=_NS)
    numer, denom = pl.kernel(
        functools.partial(_sc_conv_body, n_nodes=n, e_per_w=e_per_w,
                          k_chunk=k_chunk),
        out_type=[
            jax.ShapeDtypeStruct((_NC, _NS, n // _NS, hc), F32),
            jax.ShapeDtypeStruct((_NC, _NS, n // _NS, 16), F32),
        ],
        mesh=mesh,
        compiler_params=pltpu.CompilerParams(needs_layout_passes=False,
                                             use_tc_tiling_on_sc=False),
        scratch_types=(
            [pltpu.VMEM((k_chunk,), jnp.int32),
             pltpu.VMEM((k_chunk,), jnp.int32),
             pltpu.VMEM((k_chunk,), jnp.int32),
             pltpu.VMEM((k_chunk, hc), F32),
             pltpu.VMEM((k_chunk, 16), F32),
             pltpu.VMEM((k_chunk, 16), F32),
             pltpu.VMEM((k_chunk, 16), F32)] * 2
            + [pltpu.VMEM((1, 16), F32)]
            + [pltpu.SemaphoreType.DMA] * 8
            + [pltpu.VMEM_SHARED((n, hc), F32),
               pltpu.VMEM_SHARED((n, 16), F32)]),
    )(xl, src, dst, u, v, m16)
    return numer.reshape(_NC, n, hc), denom.reshape(_NC, n, 16)


def _run_sc_agg(pe, src, w_flat, n, e, hc):
    e_per_w = e // _NW
    k_chunk = 80
    mesh = plsc.VectorSubcoreMesh(core_axis_name="c", subcore_axis_name="s",
                                  num_cores=_NC, num_subcores=_NS)
    agg = pl.kernel(
        functools.partial(_sc_agg_body, n_nodes=n, e_per_w=e_per_w,
                          k_chunk=k_chunk),
        out_type=jax.ShapeDtypeStruct((_NC, _NS, n // _NS, hc), F32),
        mesh=mesh,
        compiler_params=pltpu.CompilerParams(needs_layout_passes=False,
                                             use_tc_tiling_on_sc=False),
        scratch_types=(
            [pltpu.VMEM((k_chunk,), jnp.int32),
             pltpu.VMEM((k_chunk, hc), F32),
             pltpu.VMEM((k_chunk,), F32)] * 2
            + [pltpu.SemaphoreType.DMA] * 4
            + [pltpu.VMEM_SHARED((n, hc), F32)]),
    )(pe, src, w_flat)
    return agg.reshape(_NC, n, hc)


def kernel(x, edge_index, edge_attr, batch, W_gat, att_src, att_dst, b_gat,
           em_w1, em_b1, em_w2, em_b2, ea_w1, ea_b1, ea_w2, ea_b2, fc_w, fc_b):
    n, df = x.shape
    e = edge_attr.shape[0]
    de = edge_attr.shape[1]
    hc = W_gat.shape[1]
    heads = att_src.shape[1]
    ch = att_src.shape[2]
    hid = em_w1.shape[1]
    hid2 = ea_w1.shape[1]
    out_d = fc_w.shape[1]
    g = 8

    eyeh = jnp.eye(heads, dtype=F32)
    a_s = (eyeh[:, None, :] * att_src[0][:, :, None]).reshape(hc, heads)
    a_d = (eyeh[:, None, :] * att_dst[0][:, :, None]).reshape(hc, heads)
    a_s = jnp.pad(a_s, ((0, 0), (0, 16 - heads)))
    a_d = jnp.pad(a_d, ((0, 0), (0, 16 - heads)))
    rmat = jnp.repeat(eyeh, ch, axis=1)

    nt = 400
    n_steps = n // nt

    xl = pl.pallas_call(
        _node_body,
        grid=(n_steps,),
        in_specs=[
            pl.BlockSpec((nt, df), lambda i: (i, 0)),
            pl.BlockSpec((df, hc), lambda i: (0, 0)),
            pl.BlockSpec((hc, 16), lambda i: (0, 0)),
            pl.BlockSpec((hc, 16), lambda i: (0, 0)),
        ],
        out_specs=[
            pl.BlockSpec((nt, hc), lambda i: (i, 0)),
            pl.BlockSpec((nt, 16), lambda i: (i, 0)),
            pl.BlockSpec((nt, 16), lambda i: (i, 0)),
            pl.BlockSpec((1, 16), lambda i: (0, 0)),
        ],
        out_shape=[
            jax.ShapeDtypeStruct((n, hc), F32),
            jax.ShapeDtypeStruct((n, 16), F32),
            jax.ShapeDtypeStruct((n, 16), F32),
            jax.ShapeDtypeStruct((1, 16), F32),
        ],
    )(x, W_gat, a_s, a_d)
    xl, u, v, m16 = xl

    et = 1280
    e_steps = e // et
    pe, logits, lmax = pl.pallas_call(
        _edge_mlp_body,
        grid=(e_steps,),
        in_specs=[
            pl.BlockSpec((et, de), lambda i: (i, 0)),
            pl.BlockSpec((de, hid), lambda i: (0, 0)),
            pl.BlockSpec((1, hid), lambda i: (0, 0)),
            pl.BlockSpec((hid, hid), lambda i: (0, 0)),
            pl.BlockSpec((1, hid), lambda i: (0, 0)),
            pl.BlockSpec((hid, hid2), lambda i: (0, 0)),
            pl.BlockSpec((1, hid2), lambda i: (0, 0)),
            pl.BlockSpec((hid2, 1), lambda i: (0, 0)),
            pl.BlockSpec((1, 1), lambda i: (0, 0)),
        ],
        out_specs=[
            pl.BlockSpec((et, hid), lambda i: (i, 0)),
            pl.BlockSpec((1, 1, et), lambda i: (i, 0, 0)),
            pl.BlockSpec((1, 1), lambda i: (0, 0)),
        ],
        out_shape=[
            jax.ShapeDtypeStruct((e, hid), F32),
            jax.ShapeDtypeStruct((e_steps, 1, et), F32),
            jax.ShapeDtypeStruct((1, 1), F32),
        ],
    )(edge_attr, em_w1, em_b1.reshape(1, hid), em_w2, em_b2.reshape(1, hid),
      ea_w1, ea_b1.reshape(1, hid2), ea_w2, ea_b2.reshape(1, 1))

    w_e, s_sum = pl.pallas_call(
        _expsum_body,
        grid=(1,),
        in_specs=[
            pl.BlockSpec((e_steps, et), lambda i: (0, 0)),
            pl.BlockSpec((1, 1), lambda i: (0, 0)),
        ],
        out_specs=[
            pl.BlockSpec((e_steps, et), lambda i: (0, 0)),
            pl.BlockSpec((1, 1), lambda i: (0, 0)),
        ],
        out_shape=[
            jax.ShapeDtypeStruct((e_steps, et), F32),
            jax.ShapeDtypeStruct((1, 1), F32),
        ],
    )(logits.reshape(e_steps, et), lmax)

    src = edge_index[0]
    dst = edge_index[1]
    numer, denom = _run_sc_conv(xl, src, dst, u, v, m16, n, e, hc, heads)
    agg = _run_sc_agg(pe, src, w_e.reshape(e), n, e, hc)

    out = pl.pallas_call(
        functools.partial(_combine_body, n_steps=n_steps),
        grid=(n_steps,),
        in_specs=[
            pl.BlockSpec((_NC, nt, hc), lambda i: (0, i, 0)),
            pl.BlockSpec((_NC, nt, 16), lambda i: (0, i, 0)),
            pl.BlockSpec((_NC, nt, hc), lambda i: (0, i, 0)),
            pl.BlockSpec((nt, hc), lambda i: (i, 0)),
            pl.BlockSpec((nt, 16), lambda i: (i, 0)),
            pl.BlockSpec((nt, 16), lambda i: (i, 0)),
            pl.BlockSpec((1, 4 * heads), lambda i: (0, 0)),
            pl.BlockSpec((1, hc), lambda i: (0, 0)),
            pl.BlockSpec((1, 1), lambda i: (0, 0)),
            pl.BlockSpec((heads, hc), lambda i: (0, 0)),
            pl.BlockSpec((nt, 1), lambda i: (i, 0)),
            pl.BlockSpec((hc, out_d), lambda i: (0, 0)),
            pl.BlockSpec((1, out_d), lambda i: (0, 0)),
        ],
        out_specs=pl.BlockSpec((g, out_d), lambda i: (0, 0)),
        out_shape=jax.ShapeDtypeStruct((g, out_d), F32),
        scratch_shapes=[
            pltpu.VMEM((g, hc), F32),
            pltpu.VMEM((1, g), F32),
        ],
    )(numer, denom, agg, xl, u, v, m16, b_gat.reshape(1, hc), s_sum, rmat,
      batch.reshape(n, 1), fc_w, fc_b.reshape(1, out_d))

    return out.reshape(-1)

# --- scband reference (transcript-rebuilt; emitter-appended) ---
"""Pipeline reference for scband-variant1-5970004542120 (READ-ONLY COPY).

The authoritative reference and input builder live on the scoring server;
editing this copy changes nothing except your own understanding.
"""

import jax, jax.numpy as jnp
import numpy as np

N = 10000
E = 320000
DF = 128
DE = 16
H = 4
C = 32
HID = 128
OUT = 64
G = 8

def setup_inputs(seed: int = 0):
    key = jax.random.key(seed)
    ks = jax.random.split(key, 18)
    x = jax.random.normal(ks[0], (N, DF), dtype=jnp.float32)
    edge_index = jax.random.randint(ks[1], (2, E), 0, N, dtype=jnp.int32)
    edge_attr = jax.random.normal(ks[2], (E, DE), dtype=jnp.float32)
    batch = jnp.sort(jax.random.randint(ks[3], (N,), 0, G, dtype=jnp.int32))
    W_gat = jax.random.normal(ks[4], (DF, H * C), dtype=jnp.float32) * (1.0 / np.sqrt(DF))
    att_src = jax.random.normal(ks[5], (1, H, C), dtype=jnp.float32) * (1.0 / np.sqrt(C))
    att_dst = jax.random.normal(ks[6], (1, H, C), dtype=jnp.float32) * (1.0 / np.sqrt(C))
    b_gat = jnp.zeros((H * C,), dtype=jnp.float32)
    em_w1 = jax.random.normal(ks[7], (DE, HID), dtype=jnp.float32) * (1.0 / np.sqrt(DE))
    em_b1 = jnp.zeros((HID,), dtype=jnp.float32)
    em_w2 = jax.random.normal(ks[8], (HID, HID), dtype=jnp.float32) * (1.0 / np.sqrt(HID))
    em_b2 = jnp.zeros((HID,), dtype=jnp.float32)
    ea_w1 = jax.random.normal(ks[9], (HID, HID // 2), dtype=jnp.float32) * (1.0 / np.sqrt(HID))
    ea_b1 = jnp.zeros((HID // 2,), dtype=jnp.float32)
    ea_w2 = jax.random.normal(ks[10], (HID // 2, 1), dtype=jnp.float32) * (1.0 / np.sqrt(HID // 2))
    ea_b2 = jnp.zeros((1,), dtype=jnp.float32)
    fc_w = jax.random.normal(ks[11], (HID, OUT), dtype=jnp.float32) * (1.0 / np.sqrt(HID))
    fc_b = jnp.zeros((OUT,), dtype=jnp.float32)
    return {"x": x, "edge_index": edge_index, "edge_attr": edge_attr, "batch": batch, "W_gat": W_gat, "att_src": att_src, "att_dst": att_dst, "b_gat": b_gat, "em_w1": em_w1, "em_b1": em_b1, "em_w2": em_w2, "em_b2": em_b2, "ea_w1": ea_w1, "ea_b1": ea_b1, "ea_w2": ea_w2, "ea_b2": ea_b2, "fc_w": fc_w, "fc_b": fc_b}

def reference(x, edge_index, edge_attr, batch, W_gat, att_src, att_dst, b_gat, em_w1, em_b1, em_w2, em_b2, ea_w1, ea_b1, ea_w2, ea_b2, fc_w, fc_b):
    # edge MLP
    pe = jnp.maximum(edge_attr @ em_w1 + em_b1, 0.0) @ em_w2 + em_b2
    # edge attention weights: softmax over ALL edges (dim=0), matching torch code
    logits = (jnp.maximum(pe @ ea_w1 + ea_b1, 0.0) @ ea_w2 + ea_b2).squeeze(-1)
    ew = jax.nn.softmax(logits, axis=0)
    row = edge_index[0]
    col = edge_index[1]
    # add self loops for GATConv
    loop = jnp.arange(N, dtype=edge_index.dtype)
    src = jnp.concatenate([row, loop])
    dst = jnp.concatenate([col, loop])
    # GATConv (PyG semantics: messages flow src->dst, softmax per dst node)
    xl = (x @ W_gat).reshape(N, H, C)
    a_src = jnp.sum(xl * att_src, axis=-1)
    a_dst = jnp.sum(xl * att_dst, axis=-1)
    alpha = jax.nn.leaky_relu(a_src[src] + a_dst[dst], negative_slope=0.2)
    amax = jax.ops.segment_max(alpha, dst, num_segments=N)
    ae = jnp.exp(alpha - amax[dst])
    denom = jax.ops.segment_sum(ae, dst, num_segments=N)
    att = ae / denom[dst]
    msg = att[:, :, None] * xl[src]
    conv = jax.ops.segment_sum(msg, dst, num_segments=N).reshape(N, H * C) + b_gat
    h = jax.nn.elu(conv)
    # scatter-add of attention-weighted edge features to source (row) nodes
    agg = jnp.zeros_like(h).at[row].add(ew[:, None] * pe)
    h = h + agg
    # global mean pool over batch
    counts = jax.ops.segment_sum(jnp.ones((N,), jnp.float32), batch, num_segments=G)
    sums = jax.ops.segment_sum(h, batch, num_segments=G)
    pooled = sums / jnp.maximum(counts, 1.0)[:, None]
    out = pooled @ fc_w + fc_b
    return out.reshape(-1)

if __name__ == "__main__":
    import jax
    _d = setup_inputs()
    print(jax.jit(kernel)(*tuple(_d.values())))

</pallas_src>

<mosaic_0001>
#map = affine_map<(d0, d1) -> (0, 0)>
#map1 = affine_map<(d0, d1) -> (0)>
#map2 = affine_map<(d0, d1) -> (0, 0, 0, 0)>
module attributes {stable_mosaic.version = 14 : i64} {
  func.func @_sc_agg_body(%arg0: i32, %arg1: i32, %arg2: memref<320000x128xf32, #tpu.memory_space<hbm>>, %arg3: memref<320000xi32, #tpu.memory_space<hbm>>, %arg4: memref<320000xf32, #tpu.memory_space<hbm>>, %arg5: memref<2x16x625x128xf32, #tpu.memory_space<hbm>>, %arg6: memref<80xi32, #tpu.memory_space<vmem>>, %arg7: memref<80x128xf32, #tpu.memory_space<vmem>>, %arg8: memref<80xf32, #tpu.memory_space<vmem>>, %arg9: memref<80xi32, #tpu.memory_space<vmem>>, %arg10: memref<80x128xf32, #tpu.memory_space<vmem>>, %arg11: memref<80xf32, #tpu.memory_space<vmem>>, %arg12: memref<!tpu.dma_semaphore, #tpu.memory_space<semaphore_mem>>, %arg13: memref<!tpu.dma_semaphore, #tpu.memory_space<semaphore_mem>>, %arg14: memref<!tpu.dma_semaphore, #tpu.memory_space<semaphore_mem>>, %arg15: memref<!tpu.dma_semaphore, #tpu.memory_space<semaphore_mem>>, %arg16: memref<10000x128xf32, #tpu.memory_space<vmem_shared>>) attributes {dimension_semantics = [#tpu.dimension_semantics<core_parallel>, #tpu.dimension_semantics<subcore_parallel>], iteration_bounds = array<i64: 2, 16>, scalar_prefetch = 0 : i64, scratch_operands = 11 : i64, tpu.core_type = #tpu.core_type<sc_vector_subcore>, window_params = [{transform_indices = #map}, {transform_indices = #map1}, {transform_indices = #map1}, {transform_indices = #map2}]} {
    %mul3A = arith.constant 16 : i32
    %mul3A_0 = arith.muli %arg0, %mul3A : i32
    %add3A = arith.addi %mul3A_0, %arg1 : i32
    %mul3A_1 = arith.constant 625 : i32
    %mul3A_2 = arith.muli %arg1, %mul3A_1 : i32
    %scan3A = arith.constant 0 : i32
    %scan3A_3 = arith.constant 0 : i32
    %scan3A_4 = arith.constant 80 : i32
    %scan3A_5 = arith.addi %scan3A_3, %scan3A_4 : i32
    %scan3A_6 = arith.constant 1 : i32
    %scan3A_7 = scf.for %scan3A_42 = %scan3A_3 to %scan3A_5 step %scan3A_6 iter_args(%scan3A_43 = %scan3A) -> (i32)  : i32 {
      %broadcast_in_dim3A = arith.constant 0.000000e+00 : f32
      %broadcast_in_dim3A_44 = vector.broadcast %broadcast_in_dim3A : f32 to vector<16xf32>
      %swap3A = arith.index_cast %scan3A_42 : i32 to index
      %swap3A_45 = arith.constant 0 : index
      %swap3A_46 = tpu.vector_load %arg7[%swap3A, %swap3A_45] {strides = array<i32>} : memref<80x128xf32, #tpu.memory_space<vmem>>, vector<16xf32>,
      tpu.vector_store %arg7[%swap3A, %swap3A_45], %broadcast_in_dim3A_44 {strides = array<i32>} : memref<80x128xf32, #tpu.memory_space<vmem>>, vector<16xf32>,
      %broadcast_in_dim3A_47 = arith.constant 0.000000e+00 : f32
      %broadcast_in_dim3A_48 = vector.broadcast %broadcast_in_dim3A_47 : f32 to vector<16xf32>
      %swap3A_49 = arith.index_cast %scan3A_42 : i32 to index
      %swap3A_50 = arith.constant 16 : index
      %swap3A_51 = tpu.vector_load %arg7[%swap3A_49, %swap3A_50] {strides = array<i32>} : memref<80x128xf32, #tpu.memory_space<vmem>>, vector<16xf32>,
      tpu.vector_store %arg7[%swap3A_49, %swap3A_50], %broadcast_in_dim3A_48 {strides = array<i32>} : memref<80x128xf32, #tpu.memory_space<vmem>>, vector<16xf32>,
      %broadcast_in_dim3A_52 = arith.constant 0.000000e+00 : f32
      %broadcast_in_dim3A_53 = vector.broadcast %broadcast_in_dim3A_52 : f32 to vector<16xf32>
      %swap3A_54 = arith.index_cast %scan3A_42 : i32 to index
      %swap3A_55 = arith.constant 32 : index
      %swap3A_56 = tpu.vector_load %arg7[%swap3A_54, %swap3A_55] {strides = array<i32>} : memref<80x128xf32, #tpu.memory_space<vmem>>, vector<16xf32>,
      tpu.vector_store %arg7[%swap3A_54, %swap3A_55], %broadcast_in_dim3A_53 {strides = array<i32>} : memref<80x128xf32, #tpu.memory_space<vmem>>, vector<16xf32>,
      %broadcast_in_dim3A_57 = arith.constant 0.000000e+00 : f32
      %broadcast_in_dim3A_58 = vector.broadcast %broadcast_in_dim3A_57 : f32 to vector<16xf32>
      %swap3A_59 = arith.index_cast %scan3A_42 : i32 to index
      %swap3A_60 = arith.constant 48 : index
      %swap3A_61 = tpu.vector_load %arg7[%swap3A_59, %swap3A_60] {strides = array<i32>} : memref<80x128xf32, #tpu.memory_space<vmem>>, vector<16xf32>,
      tpu.vector_store %arg7[%swap3A_59, %swap3A_60], %broadcast_in_dim3A_58 {strides = array<i32>} : memref<80x128xf32, #tpu.memory_space<vmem>>, vector<16xf32>,
      %broadcast_in_dim3A_62 = arith.constant 0.000000e+00 : f32
      %broadcast_in_dim3A_63 = vector.broadcast %broadcast_in_dim3A_62 : f32 to vector<16xf32>
      %swap3A_64 = arith.index_cast %scan3A_42 : i32 to index
      %swap3A_65 = arith.constant 64 : index
      %swap3A_66 = tpu.vector_load %arg7[%swap3A_64, %swap3A_65] {strides = array<i32>} : memref<80x128xf32, #tpu.memory_space<vmem>>, vector<16xf32>,
      tpu.vector_store %arg7[%swap3A_64, %swap3A_65], %broadcast_in_dim3A_63 {strides = array<i32>} : memref<80x128xf32, #tpu.memory_space<vmem>>, vector<16xf32>,
      %broadcast_in_dim3A_67 = arith.constant 0.000000e+00 : f32
      %broadcast_in_dim3A_68 = vector.broadcast %broadcast_in_dim3A_67 : f32 to vector<16xf32>
      %swap3A_69 = arith.index_cast %scan3A_42 : i32 to index
      %swap3A_70 = arith.constant 80 : index
      %swap3A_71 = tpu.vector_load %arg7[%swap3A_69, %swap3A_70] {strides = array<i32>} : memref<80x128xf32, #tpu.memory_space<vmem>>, vector<16xf32>,
      tpu.vector_store %arg7[%swap3A_69, %swap3A_70], %broadcast_in_dim3A_68 {strides = array<i32>} : memref<80x128xf32, #tpu.memory_space<vmem>>, vector<16xf32>,
      %broadcast_in_dim3A_72 = arith.constant 0.000000e+00 : f32
      %broadcast_in_dim3A_73 = vector.broadcast %broadcast_in_dim3A_72 : f32 to vector<16xf32>
      %swap3A_74 = arith.index_cast %scan3A_42 : i32 to index
      %swap3A_75 = arith.constant 96 : index
      %swap3A_76 = tpu.vector_load %arg7[%swap3A_74, %swap3A_75] {strides = array<i32>} : memref<80x128xf32, #tpu.memory_space<vmem>>, vector<16xf32>,
      tpu.vector_store %arg7[%swap3A_74, %swap3A_75], %broadcast_in_dim3A_73 {strides = array<i32>} : memref<80x128xf32, #tpu.memory_space<vmem>>, vector<16xf32>,
      %broadcast_in_dim3A_77 = arith.constant 0.000000e+00 : f32
      %broadcast_in_dim3A_78 = vector.broadcast %broadcast_in_dim3A_77 : f32 to vector<16xf32>
      %swap3A_79 = arith.index_cast %scan3A_42 : i32 to index
      %swap3A_80 = arith.constant 112 : index
      %swap3A_81 = tpu.vector_load %arg7[%swap3A_79, %swap3A_80] {strides = array<i32>} : memref<80x128xf32, #tpu.memory_space<vmem>>, vector<16xf32>,
      tpu.vector_store %arg7[%swap3A_79, %swap3A_80], %broadcast_in_dim3A_78 {strides = array<i32>} : memref<80x128xf32, #tpu.memory_space<vmem>>, vector<16xf32>,
      %scan3A_82 = arith.constant 0 : i32
      scf.yield %scan3A_82 : i32
    }
    %scan3A_8 = arith.constant 80 : i32
    %scan3A_9 = arith.constant 0 : i32
    %scan3A_10 = arith.constant 0 : i32
    %scan3A_11 = arith.constant 7 : i32
    %scan3A_12 = arith.addi %scan3A_10, %scan3A_11 : i32
    %scan3A_13 = arith.constant 1 : i32
    %scan3A_14 = scf.for %scan3A_42 = %scan3A_10 to %scan3A_12 step %scan3A_13 iter_args(%scan3A_43 = %scan3A_9) -> (i32)  : i32 {
      %mul3A_44 = arith.constant 80 : i32
      %mul3A_45 = arith.muli %scan3A_42, %mul3A_44 : i32
      %add3A_46 = arith.addi %mul3A_2, %mul3A_45 : i32
      "tpu.region"() ({
        %run_scoped3A = tpu.sem_alloc : memref<!tpu.dma_semaphore, #tpu.memory_space<semaphore_mem>>
        %dma_start3A_48 = arith.constant 0 : i32
        %dma_start3A_49 = tpu.memref_slice %arg16[%add3A_46, %dma_start3A_48] : memref<10000x128xf32, #tpu.memory_space<vmem_shared>> -> memref<80x128xf32, #tpu.memory_space<vmem_shared>>
        %dma_start3A_50 = arith.constant 0 : i32
        %dma_start3A_51 = tpu.memref_slice %arg16[%add3A_46, %dma_start3A_50] : memref<10000x128xf32, #tpu.memory_space<vmem_shared>> -> memref<80x128xf32, #tpu.memory_space<vmem_shared>>
        tpu.enqueue_dma source(%arg7 : memref<80x128xf32, #tpu.memory_space<vmem>>) target(%dma_start3A_51 : memref<80x128xf32, #tpu.memory_space<vmem_shared>>) target_semaphore(%run_scoped3A : memref<!tpu.dma_semaphore, #tpu.memory_space<semaphore_mem>>)
        %dma_wait3A_52 = arith.constant 0 : i32
        %dma_wait3A_53 = tpu.memref_slice %arg16[%add3A_46, %dma_wait3A_52] : memref<10000x128xf32, #tpu.memory_space<vmem_shared>> -> memref<80x128xf32, #tpu.memory_space<vmem_shared>>
        %dma_wait3A_54 = arith.constant 0 : i32
        %dma_wait3A_55 = tpu.memref_slice %arg16[%add3A_46, %dma_wait3A_54] : memref<10000x128xf32, #tpu.memory_space<vmem_shared>> -> memref<80x128xf32, #tpu.memory_space<vmem_shared>>
        tpu.wait_dma2 semaphore(%run_scoped3A : memref<!tpu.dma_semaphore, #tpu.memory_space<semaphore_mem>>) src(%arg7 : memref<80x128xf32, #tpu.memory_space<vmem>>) dst(%dma_wait3A_55 : memref<80x128xf32, #tpu.memory_space<vmem_shared>>)
        tpu.yield
      }) : () -> ()
      %scan3A_47 = arith.constant 0 : i32
      scf.yield %scan3A_47 : i32
    }
    %scan3A_15 = arith.constant 7 : i32
    %add3A_16 = arith.constant 560 : i32
    %add3A_17 = arith.addi %mul3A_2, %add3A_16 : i32
    "tpu.region"() ({
      %run_scoped3A = tpu.sem_alloc : memref<!tpu.dma_semaphore, #tpu.memory_space<semaphore_mem>>
      %dma_start3A_42 = arith.constant 0 : i32
      %dma_start3A_43 = arith.constant 0 : i32
      %dma_start3A_44 = tpu.memref_slice %arg7[%dma_start3A_42, %dma_start3A_43] : memref<80x128xf32, #tpu.memory_space<vmem>> -> memref<65x128xf32, #tpu.memory_space<vmem>>
      %dma_start3A_45 = arith.constant 0 : i32
      %dma_start3A_46 = tpu.memref_slice %arg16[%add3A_17, %dma_start3A_45] : memref<10000x128xf32, #tpu.memory_space<vmem_shared>> -> memref<65x128xf32, #tpu.memory_space<vmem_shared>>
      %dma_start3A_47 = arith.constant 0 : i32
      %dma_start3A_48 = tpu.memref_slice %arg16[%add3A_17, %dma_start3A_47] : memref<10000x128xf32, #tpu.memory_space<vmem_shared>> -> memref<65x128xf32, #tpu.memory_space<vmem_shared>>
      %dma_start3A_49 = arith.constant 0 : i32
      %dma_start3A_50 = arith.constant 0 : i32
      %dma_start3A_51 = tpu.memref_slice %arg7[%dma_start3A_49, %dma_start3A_50] : memref<80x128xf32, #tpu.memory_space<vmem>> -> memref<65x128xf32, #tpu.memory_space<vmem>>
      tpu.enqueue_dma source(%dma_start3A_51 : memref<65x128xf32, #tpu.memory_space<vmem>>) target(%dma_start3A_48 : memref<65x128xf32, #tpu.memory_space<vmem_shared>>) target_semaphore(%run_scoped3A : memref<!tpu.dma_semaphore, #tpu.memory_space<semaphore_mem>>)
      %dma_wait3A_52 = arith.constant 0 : i32
      %dma_wait3A_53 = arith.constant 0 : i32
      %dma_wait3A_54 = tpu.memref_slice %arg7[%dma_wait3A_52, %dma_wait3A_53] : memref<80x128xf32, #tpu.memory_space<vmem>> -> memref<65x128xf32, #tpu.memory_space<vmem>>
      %dma_wait3A_55 = arith.constant 0 : i32
      %dma_wait3A_56 = tpu.memref_slice %arg16[%add3A_17, %dma_wait3A_55] : memref<10000x128xf32, #tpu.memory_space<vmem_shared>> -> memref<65x128xf32, #tpu.memory_space<vmem_shared>>
      %dma_wait3A_57 = arith.constant 0 : i32
      %dma_wait3A_58 = tpu.memref_slice %arg16[%add3A_17, %dma_wait3A_57] : memref<10000x128xf32, #tpu.memory_space<vmem_shared>> -> memref<65x128xf32, #tpu.memory_space<vmem_shared>>
      %dma_wait3A_59 = arith.constant 0 : i32
      %dma_wait3A_60 = arith.constant 0 : i32
      %dma_wait3A_61 = tpu.memref_slice %arg7[%dma_wait3A_59, %dma_wait3A_60] : memref<80x128xf32, #tpu.memory_space<vmem>> -> memref<65x128xf32, #tpu.memory_space<vmem>>
      tpu.wait_dma2 semaphore(%run_scoped3A : memref<!tpu.dma_semaphore, #tpu.memory_space<semaphore_mem>>) src(%dma_wait3A_61 : memref<65x128xf32, #tpu.memory_space<vmem>>) dst(%dma_wait3A_58 : memref<65x128xf32, #tpu.memory_space<vmem_shared>>)
      tpu.yield
    }) : () -> ()
    %barrier3A = arith.constant 0 : index
    tpu.barrier barrier_id(%barrier3A)
    %mul3A_18 = arith.constant 10000 : i32
    %mul3A_19 = arith.muli %add3A, %mul3A_18 : i32
    %add3A_20 = arith.constant 0 : i32
    %add3A_21 = arith.addi %mul3A_19, %add3A_20 : i32
    %dma_start3A = tpu.memref_slice %arg3[%add3A_21] : memref<320000xi32, #tpu.memory_space<hbm>> -> memref<80xi32, #tpu.memory_space<hbm>>
    %dma_start3A_22 = tpu.memref_slice %arg3[%add3A_21] : memref<320000xi32, #tpu.memory_space<hbm>> -> memref<80xi32, #tpu.memory_space<hbm>>
    tpu.enqueue_dma source(%dma_start3A_22 : memref<80xi32, #tpu.memory_space<hbm>>) target(%arg6 : memref<80xi32, #tpu.memory_space<vmem>>) target_semaphore(%arg12 : memref<!tpu.dma_semaphore, #tpu.memory_space<semaphore_mem>>)
    %dma_start3A_23 = arith.constant 0 : i32
    %dma_start3A_24 = tpu.memref_slice %arg2[%add3A_21, %dma_start3A_23] : memref<320000x128xf32, #tpu.memory_space<hbm>> -> memref<80x128xf32, #tpu.memory_space<hbm>>
    %dma_start3A_25 = arith.constant 0 : i32
    %dma_start3A_26 = tpu.memref_slice %arg2[%add3A_21, %dma_start3A_25] : memref<320000x128xf32, #tpu.memory_space<hbm>> -> memref<80x128xf32, #tpu.memory_space<hbm>>
    tpu.enqueue_dma source(%dma_start3A_26 : memref<80x128xf32, #tpu.memory_space<hbm>>) target(%arg7 : memref<80x128xf32, #tpu.memory_space<vmem>>) target_semaphore(%arg12 : memref<!tpu.dma_semaphore, #tpu.memory_space<semaphore_mem>>)
    %dma_start3A_27 = tpu.memref_slice %arg4[%add3A_21] : memref<320000xf32, #tpu.memory_space<hbm>> -> memref<80xf32, #tpu.memory_space<hbm>>
    %dma_start3A_28 = tpu.memref_slice %arg4[%add3A_21] : memref<320000xf32, #tpu.memory_space<hbm>> -> memref<80xf32, #tpu.memory_space<hbm>>
    tpu.enqueue_dma source(%dma_start3A_28 : memref<80xf32, #tpu.memory_space<hbm>>) target(%arg8 : memref<80xf32, #tpu.memory_space<vmem>>) target_semaphore(%arg12 : memref<!tpu.dma_semaphore, #tpu.memory_space<semaphore_mem>>)
    %scan3A_29 = arith.constant 0 : i32
    %scan3A_30 = arith.constant 0 : i32
    %scan3A_31 = arith.constant 63 : i32
    %scan3A_32 = arith.addi %scan3A_30, %scan3A_31 : i32
    %scan3A_33 = arith.constant 1 : i32
    %scan3A_34 = scf.for %scan3A_42 = %scan3A_30 to %scan3A_32 step %scan3A_33 iter_args(%scan3A_43 = %scan3A_29) -> (i32)  : i32 {
      %mul3A_44 = arith.constant 2 : i32
      %mul3A_45 = arith.muli %mul3A_44, %scan3A_42 : i32
      %add3A_46 = arith.constant 0 : i32
      %add3A_47 = arith.addi %mul3A_45, %add3A_46 : i32
      %lt3A = arith.constant 125 : i32
      %lt3A_48 = arith.cmpi slt, %add3A_47, %lt3A : i32
      %convert_element_type3A = arith.extui %lt3A_48 : i1 to i32
      %cond3A = arith.constant 0 : i32
      %cond3A_49 = arith.cmpi ne, %convert_element_type3A, %cond3A : i32
      scf.if %cond3A_49 {
        %dma_wait3A_60 = arith.constant 0 : i32
        %dma_wait3A_61 = tpu.memref_slice %arg3[%dma_wait3A_60] : memref<320000xi32, #tpu.memory_space<hbm>> -> memref<80xi32, #tpu.memory_space<hbm>>
        %dma_wait3A_62 = arith.constant 0 : i32
        %dma_wait3A_63 = tpu.memref_slice %arg3[%dma_wait3A_62] : memref<320000xi32, #tpu.memory_space<hbm>> -> memref<80xi32, #tpu.memory_space<hbm>>
        tpu.wait_dma2 semaphore(%arg12 : memref<!tpu.dma_semaphore, #tpu.memory_space<semaphore_mem>>) src(%dma_wait3A_63 : memref<80xi32, #tpu.memory_space<hbm>>) dst(%arg6 : memref<80xi32, #tpu.memory_space<vmem>>)
        %dma_wait3A_64 = arith.constant 0 : i32
        %dma_wait3A_65 = arith.constant 0 : i32
        %dma_wait3A_66 = tpu.memref_slice %arg2[%dma_wait3A_64, %dma_wait3A_65] : memref<320000x128xf32, #tpu.memory_space<hbm>> -> memref<80x128xf32, #tpu.memory_space<hbm>>
        %dma_wait3A_67 = arith.constant 0 : i32
        %dma_wait3A_68 = arith.constant 0 : i32
        %dma_wait3A_69 = tpu.memref_slice %arg2[%dma_wait3A_67, %dma_wait3A_68] : memref<320000x128xf32, #tpu.memory_space<hbm>> -> memref<80x128xf32, #tpu.memory_space<hbm>>
        tpu.wait_dma2 semaphore(%arg12 : memref<!tpu.dma_semaphore, #tpu.memory_space<semaphore_mem>>) src(%dma_wait3A_69 : memref<80x128xf32, #tpu.memory_space<hbm>>) dst(%arg7 : memref<80x128xf32, #tpu.memory_space<vmem>>)
        %dma_wait3A_70 = arith.constant 0 : i32
        %dma_wait3A_71 = tpu.memref_slice %arg4[%dma_wait3A_70] : memref<320000xf32, #tpu.memory_space<hbm>> -> memref<80xf32, #tpu.memory_space<hbm>>
        %dma_wait3A_72 = arith.constant 0 : i32
        %dma_wait3A_73 = tpu.memref_slice %arg4[%dma_wait3A_72] : memref<320000xf32, #tpu.memory_space<hbm>> -> memref<80xf32, #tpu.memory_space<hbm>>
        tpu.wait_dma2 semaphore(%arg12 : memref<!tpu.dma_semaphore, #tpu.memory_space<semaphore_mem>>) src(%dma_wait3A_73 : memref<80xf32, #tpu.memory_space<hbm>>) dst(%arg8 : memref<80xf32, #tpu.memory_space<vmem>>)
        %gt3A = arith.constant 0 : i32
        %gt3A_74 = arith.cmpi sgt, %add3A_47, %gt3A : i32
        %convert_element_type3A_75 = arith.extui %gt3A_74 : i1 to i32
        %cond3A_76 = arith.constant 0 : i32
        %cond3A_77 = arith.cmpi ne, %convert_element_type3A_75, %cond3A_76 : i32
        scf.if %cond3A_77 {
          %dma_wait3A_95 = arith.constant 0 : i32
          %dma_wait3A_96 = arith.constant 0 : i32
          %dma_wait3A_97 = tpu.memref_slice %arg16[%dma_wait3A_95, %dma_wait3A_96] : memref<10000x128xf32, #tpu.memory_space<vmem_shared>> -> memref<80x128xf32, #tpu.memory_space<vmem_shared>>
          %dma_wait3A_98 = arith.constant 0 : i32
          %dma_wait3A_99 = arith.constant 0 : i32
          %dma_wait3A_100 = tpu.memref_slice %arg16[%dma_wait3A_98, %dma_wait3A_99] : memref<10000x128xf32, #tpu.memory_space<vmem_shared>> -> memref<80x128xf32, #tpu.memory_space<vmem_shared>>
          tpu.wait_dma2 semaphore(%arg15 : memref<!tpu.dma_semaphore, #tpu.memory_space<semaphore_mem>>) src(%arg10 : memref<80x128xf32, #tpu.memory_space<vmem>>) dst(%dma_wait3A_100 : memref<80x128xf32, #tpu.memory_space<vmem_shared>>)
        } else {
        }
        %add3A_78 = arith.constant 1 : i32
        %add3A_79 = arith.addi %add3A_47, %add3A_78 : i32
        %lt3A_80 = arith.constant 125 : i32
        %lt3A_81 = arith.cmpi slt, %add3A_79, %lt3A_80 : i32
        %convert_element_type3A_82 = arith.extui %lt3A_81 : i1 to i32
        %cond3A_83 = arith.constant 0 : i32
        %cond3A_84 = arith.cmpi ne, %convert_element_type3A_82, %cond3A_83 : i32
        scf.if %cond3A_84 {
          %add3A_95 = arith.constant 1 : i32
          %add3A_96 = arith.addi %add3A_47, %add3A_95 : i32
          %mul3A_97 = arith.constant 80 : i32
          %mul3A_98 = arith.muli %add3A_96, %mul3A_97 : i32
          %add3A_99 = arith.addi %mul3A_19, %mul3A_98 : i32
          %dma_start3A_100 = tpu.memref_slice %arg3[%add3A_99] : memref<320000xi32, #tpu.memory_space<hbm>> -> memref<80xi32, #tpu.memory_space<hbm>>
          %dma_start3A_101 = tpu.memref_slice %arg3[%add3A_99] : memref<320000xi32, #tpu.memory_space<hbm>> -> memref<80xi32, #tpu.memory_space<hbm>>
          tpu.enqueue_dma source(%dma_start3A_101 : memref<80xi32, #tpu.memory_space<hbm>>) target(%arg9 : memref<80xi32, #tpu.memory_space<vmem>>) target_semaphore(%arg13 : memref<!tpu.dma_semaphore, #tpu.memory_space<semaphore_mem>>)
          %dma_start3A_102 = arith.constant 0 : i32
          %dma_start3A_103 = tpu.memref_slice %arg2[%add3A_99, %dma_start3A_102] : memref<320000x128xf32, #tpu.memory_space<hbm>> -> memref<80x128xf32, #tpu.memory_space<hbm>>
          %dma_start3A_104 = arith.constant 0 : i32
          %dma_start3A_105 = tpu.memref_slice %arg2[%add3A_99, %dma_start3A_104] : memref<320000x128xf32, #tpu.memory_space<hbm>> -> memref<80x128xf32, #tpu.memory_space<hbm>>
          tpu.enqueue_dma source(%dma_start3A_105 : memref<80x128xf32, #tpu.memory_space<hbm>>) target(%arg10 : memref<80x128xf32, #tpu.memory_space<vmem>>) target_semaphore(%arg13 : memref<!tpu.dma_semaphore, #tpu.memory_space<semaphore_mem>>)
          %dma_start3A_106 = tpu.memref_slice %arg4[%add3A_99] : memref<320000xf32, #tpu.memory_space<hbm>> -> memref<80xf32, #tpu.memory_space<hbm>>
          %dma_start3A_107 = tpu.memref_slice %arg4[%add3A_99] : memref<320000xf32, #tpu.memory_space<hbm>> -> memref<80xf32, #tpu.memory_space<hbm>>
          tpu.enqueue_dma source(%dma_start3A_107 : memref<80xf32, #tpu.memory_space<hbm>>) target(%arg11 : memref<80xf32, #tpu.memory_space<vmem>>) target_semaphore(%arg13 : memref<!tpu.dma_semaphore, #tpu.memory_space<semaphore_mem>>)
        } else {
        }
        %scan3A_85 = arith.constant 0 : i32
        %scan3A_86 = arith.constant 0 : i32
        %scan3A_87 = arith.constant 40 : i32
        %scan3A_88 = arith.addi %scan3A_86, %scan3A_87 : i32
        %scan3A_89 = arith.constant 1 : i32
        %scan3A_90 = scf.for %scan3A_95 = %scan3A_86 to %scan3A_88 step %scan3A_89 iter_args(%scan3A_96 = %scan3A_85) -> (i32)  : i32 {
          %mul3A_97 = arith.constant 2 : i32
          %mul3A_98 = arith.muli %mul3A_97, %scan3A_95 : i32
          %add3A_99 = arith.constant 0 : i32
          %add3A_100 = arith.addi %mul3A_98, %add3A_99 : i32
          %broadcast_in_dim3A = vector.broadcast %add3A_100 : i32 to vector<16xi32>
          %gather3A = tpu.vector_load_idx %arg8[%broadcast_in_dim3A] : memref<80xf32, #tpu.memory_space<vmem>>[vector<16xi32>], vector<16xf32>,
          %get3A = arith.index_cast %add3A_100 : i32 to index
          %get3A_101 = arith.constant 0 : index
          %get3A_102 = tpu.vector_load %arg7[%get3A, %get3A_101] {strides = array<i32>} : memref<80x128xf32, #tpu.memory_space<vmem>>, vector<16xf32>,
          %mul3A_103 = arith.mulf %get3A_102, %gather3A : vector<16xf32>
          %swap3A = arith.index_cast %add3A_100 : i32 to index
          %swap3A_104 = arith.constant 0 : index
          %swap3A_105 = tpu.vector_load %arg7[%swap3A, %swap3A_104] {strides = array<i32>} : memref<80x128xf32, #tpu.memory_space<vmem>>, vector<16xf32>,
          tpu.vector_store %arg7[%swap3A, %swap3A_104], %mul3A_103 {strides = array<i32>} : memref<80x128xf32, #tpu.memory_space<vmem>>, vector<16xf32>,
          %get3A_106 = arith.index_cast %add3A_100 : i32 to index
          %get3A_107 = arith.constant 16 : index
          %get3A_108 = tpu.vector_load %arg7[%get3A_106, %get3A_107] {strides = array<i32>} : memref<80x128xf32, #tpu.memory_space<vmem>>, vector<16xf32>,
          %mul3A_109 = arith.mulf %get3A_108, %gather3A : vector<16xf32>
          %swap3A_110 = arith.index_cast %add3A_100 : i32 to index
          %swap3A_111 = arith.constant 16 : index
          %swap3A_112 = tpu.vector_load %arg7[%swap3A_110, %swap3A_111] {strides = array<i32>} : memref<80x128xf32, #tpu.memory_space<vmem>>, vector<16xf32>,
          tpu.vector_store %arg7[%swap3A_110, %swap3A_111], %mul3A_109 {strides = array<i32>} : memref<80x128xf32, #tpu.memory_space<vmem>>, vector<16xf32>,
          %get3A_113 = arith.index_cast %add3A_100 : i32 to index
          %get3A_114 = arith.constant 32 : index
          %get3A_115 = tpu.vector_load %arg7[%get3A_113, %get3A_114] {strides = array<i32>} : memref<80x128xf32, #tpu.memory_space<vmem>>, vector<16xf32>,
          %mul3A_116 = arith.mulf %get3A_115, %gather3A : vector<16xf32>
          %swap3A_117 = arith.index_cast %add3A_100 : i32 to index
          %swap3A_118 = arith.constant 32 : index
          %swap3A_119 = tpu.vector_load %arg7[%swap3A_117, %swap3A_118] {strides = array<i32>} : memref<80x128xf32, #tpu.memory_space<vmem>>, vector<16xf32>,
          tpu.vector_store %arg7[%swap3A_117, %swap3A_118], %mul3A_116 {strides = array<i32>} : memref<80x128xf32, #tpu.memory_space<vmem>>, vector<16xf32>,
          %get3A_120 = arith.index_cast %add3A_100 : i32 to index
          %get3A_121 = arith.constant 48 : index
          %get3A_122 = tpu.vector_load %arg7[%get3A_120, %get3A_121] {strides = array<i32>} : memref<80x128xf32, #tpu.memory_space<vmem>>, vector<16xf32>,
          %mul3A_123 = arith.mulf %get3A_122, %gather3A : vector<16xf32>
          %swap3A_124 = arith.index_cast %add3A_100 : i32 to index
          %swap3A_125 = arith.constant 48 : index
          %swap3A_126 = tpu.vector_load %arg7[%swap3A_124, %swap3A_125] {strides = array<i32>} : memref<80x128xf32, #tpu.memory_space<vmem>>, vector<16xf32>,
          tpu.vector_store %arg7[%swap3A_124, %swap3A_125], %mul3A_123 {strides = array<i32>} : memref<80x128xf32, #tpu.memory_space<vmem>>, vector<16xf32>,
          %get3A_127 = arith.index_cast %add3A_100 : i32 to index
          %get3A_128 = arith.constant 64 : index
          %get3A_129 = tpu.vector_load %arg7[%get3A_127, %get3A_128] {strides = array<i32>} : memref<80x128xf32, #tpu.memory_space<vmem>>, vector<16xf32>,
          %mul3A_130 = arith.mulf %get3A_129, %gather3A : vector<16xf32>
          %swap3A_131 = arith.index_cast %add3A_100 : i32 to index
          %swap3A_132 = arith.constant 64 : index
          %swap3A_133 = tpu.vector_load %arg7[%swap3A_131, %swap3A_132] {strides = array<i32>} : memref<80x128xf32, #tpu.memory_space<vmem>>, vector<16xf32>,
          tpu.vector_store %arg7[%swap3A_131, %swap3A_132], %mul3A_130 {strides = array<i32>} : memref<80x128xf32, #tpu.memory_space<vmem>>, vector<16xf32>,
          %get3A_134 = arith.index_cast %add3A_100 : i32 to index
          %get3A_135 = arith.constant 80 : index
          %get3A_136 = tpu.vector_load %arg7[%get3A_134, %get3A_135] {strides = array<i32>} : memref<80x128xf32, #tpu.memory_space<vmem>>, vector<16xf32>,
          %mul3A_137 = arith.mulf %get3A_136, %gather3A : vector<16xf32>
          %swap3A_138 = arith.index_cast %add3A_100 : i32 to index
          %swap3A_139 = arith.constant 80 : index
          %swap3A_140 = tpu.vector_load %arg7[%swap3A_138, %swap3A_139] {strides = array<i32>} : memref<80x128xf32, #tpu.memory_space<vmem>>, vector<16xf32>,
          tpu.vector_store %arg7[%swap3A_138, %swap3A_139], %mul3A_137 {strides = array<i32>} : memref<80x128xf32, #tpu.memory_space<vmem>>, vector<16xf32>,
          %get3A_141 = arith.index_cast %add3A_100 : i32 to index
          %get3A_142 = arith.constant 96 : index
          %get3A_143 = tpu.vector_load %arg7[%get3A_141, %get3A_142] {strides = array<i32>} : memref<80x128xf32, #tpu.memory_space<vmem>>, vector<16xf32>,
          %mul3A_144 = arith.mulf %get3A_143, %gather3A : vector<16xf32>
          %swap3A_145 = arith.index_cast %add3A_100 : i32 to index
          %swap3A_146 = arith.constant 96 : index
          %swap3A_147 = tpu.vector_load %arg7[%swap3A_145, %swap3A_146] {strides = array<i32>} : memref<80x128xf32, #tpu.memory_space<vmem>>, vector<16xf32>,
          tpu.vector_store %arg7[%swap3A_145, %swap3A_146], %mul3A_144 {strides = array<i32>} : memref<80x128xf32, #tpu.memory_space<vmem>>, vector<16xf32>,
          %get3A_148 = arith.index_cast %add3A_100 : i32 to index
          %get3A_149 = arith.constant 112 : index
          %get3A_150 = tpu.vector_load %arg7[%get3A_148, %get3A_149] {strides = array<i32>} : memref<80x128xf32, #tpu.memory_space<vmem>>, vector<16xf32>,
          %mul3A_151 = arith.mulf %get3A_150, %gather3A : vector<16xf32>
          %swap3A_152 = arith.index_cast %add3A_100 : i32 to index
          %swap3A_153 = arith.constant 112 : index
          %swap3A_154 = tpu.vector_load %arg7[%swap3A_152, %swap3A_153] {strides = array<i32>} : memref<80x128xf32, #tpu.memory_space<vmem>>, vector<16xf32>,
          tpu.vector_store %arg7[%swap3A_152, %swap3A_153], %mul3A_151 {strides = array<i32>} : memref<80x128xf32, #tpu.memory_space<vmem>>, vector<16xf32>,
          %mul3A_155 = arith.constant 2 : i32
          %mul3A_156 = arith.muli %mul3A_155, %scan3A_95 : i32
          %add3A_157 = arith.constant 1 : i32
          %add3A_158 = arith.addi %mul3A_156, %add3A_157 : i32
          %broadcast_in_dim3A_159 = vector.broadcast %add3A_158 : i32 to vector<16xi32>
          %gather3A_160 = tpu.vector_load_idx %arg8[%broadcast_in_dim3A_159] : memref<80xf32, #tpu.memory_space<vmem>>[vector<16xi32>], vector<16xf32>,
          %get3A_161 = arith.index_cast %add3A_158 : i32 to index
          %get3A_162 = arith.constant 0 : index
          %get3A_163 = tpu.vector_load %arg7[%get3A_161, %get3A_162] {strides = array<i32>} : memref<80x128xf32, #tpu.memory_space<vmem>>, vector<16xf32>,
          %mul3A_164 = arith.mulf %get3A_163, %gather3A_160 : vector<16xf32>
          %swap3A_165 = arith.index_cast %add3A_158 : i32 to index
          %swap3A_166 = arith.constant 0 : index
          %swap3A_167 = tpu.vector_load %arg7[%swap3A_165, %swap3A_166] {strides = array<i32>} : memref<80x128xf32, #tpu.memory_space<vmem>>, vector<16xf32>,
          tpu.vector_store %arg7[%swap3A_165, %swap3A_166], %mul3A_164 {strides = array<i32>} : memref<80x128xf32, #tpu.memory_space<vmem>>, vector<16xf32>,
          %get3A_168 = arith.index_cast %add3A_158 : i32 to index
          %get3A_169 = arith.constant 16 : index
          %get3A_170 = tpu.vector_load %arg7[%get3A_168, %get3A_169] {strides = array<i32>} : memref<80x128xf32, #tpu.memory_space<vmem>>, vector<16xf32>,
          %mul3A_171 = arith.mulf %get3A_170, %gather3A_160 : vector<16xf32>
          %swap3A_172 = arith.index_cast %add3A_158 : i32 to index
          %swap3A_173 = arith.constant 16 : index
          %swap3A_174 = tpu.vector_load %arg7[%swap3A_172, %swap3A_173] {strides = array<i32>} : memref<80x128xf32, #tpu.memory_space<vmem>>, vector<16xf32>,
          tpu.vector_store %arg7[%swap3A_172, %swap3A_173], %mul3A_171 {strides = array<i32>} : memref<80x128xf32, #tpu.memory_space<vmem>>, vector<16xf32>,
          %get3A_175 = arith.index_cast %add3A_158 : i32 to index
          %get3A_176 = arith.constant 32 : index
          %get3A_177 = tpu.vector_load %arg7[%get3A_175, %get3A_176] {strides = array<i32>} : memref<80x128xf32, #tpu.memory_space<vmem>>, vector<16xf32>,
          %mul3A_178 = arith.mulf %get3A_177, %gather3A_160 : vector<16xf32>
          %swap3A_179 = arith.index_cast %add3A_158 : i32 to index
          %swap3A_180 = arith.constant 32 : index
          %swap3A_181 = tpu.vector_load %arg7[%swap3A_179, %swap3A_180] {strides = array<i32>} : memref<80x128xf32, #tpu.memory_space<vmem>>, vector<16xf32>,
          tpu.vector_store %arg7[%swap3A_179, %swap3A_180], %mul3A_178 {strides = array<i32>} : memref<80x128xf32, #tpu.memory_space<vmem>>, vector<16xf32>,
          %get3A_182 = arith.index_cast %add3A_158 : i32 to index
          %get3A_183 = arith.constant 48 : index
          %get3A_184 = tpu.vector_load %arg7[%get3A_182, %get3A_183] {strides = array<i32>} : memref<80x128xf32, #tpu.memory_space<vmem>>, vector<16xf32>,
          %mul3A_185 = arith.mulf %get3A_184, %gather3A_160 : vector<16xf32>
          %swap3A_186 = arith.index_cast %add3A_158 : i32 to index
          %swap3A_187 = arith.constant 48 : index
          %swap3A_188 = tpu.vector_load %arg7[%swap3A_186, %swap3A_187] {strides = array<i32>} : memref<80x128xf32, #tpu.memory_space<vmem>>, vector<16xf32>,
          tpu.vector_store %arg7[%swap3A_186, %swap3A_187], %mul3A_185 {strides = array<i32>} : memref<80x128xf32, #tpu.memory_space<vmem>>, vector<16xf32>,
          %get3A_189 = arith.index_cast %add3A_158 : i32 to index
          %get3A_190 = arith.constant 64 : index
          %get3A_191 = tpu.vector_load %arg7[%get3A_189, %get3A_190] {strides = array<i32>} : memref<80x128xf32, #tpu.memory_space<vmem>>, vector<16xf32>,
          %mul3A_192 = arith.mulf %get3A_191, %gather3A_160 : vector<16xf32>
          %swap3A_193 = arith.index_cast %add3A_158 : i32 to index
          %swap3A_194 = arith.constant 64 : index
          %swap3A_195 = tpu.vector_load %arg7[%swap3A_193, %swap3A_194] {strides = array<i32>} : memref<80x128xf32, #tpu.memory_space<vmem>>, vector<16xf32>,
          tpu.vector_store %arg7[%swap3A_193, %swap3A_194], %mul3A_192 {strides = array<i32>} : memref<80x128xf32, #tpu.memory_space<vmem>>, vector<16xf32>,
          %get3A_196 = arith.index_cast %add3A_158 : i32 to index
          %get3A_197 = arith.constant 80 : index
          %get3A_198 = tpu.vector_load %arg7[%get3A_196, %get3A_197] {strides = array<i32>} : memref<80x128xf32, #tpu.memory_space<vmem>>, vector<16xf32>,
          %mul3A_199 = arith.mulf %get3A_198, %gather3A_160 : vector<16xf32>
          %swap3A_200 = arith.index_cast %add3A_158 : i32 to index
          %swap3A_201 = arith.constant 80 : index
          %swap3A_202 = tpu.vector_load %arg7[%swap3A_200, %swap3A_201] {strides = array<i32>} : memref<80x128xf32, #tpu.memory_space<vmem>>, vector<16xf32>,
          tpu.vector_store %arg7[%swap3A_200, %swap3A_201], %mul3A_199 {strides = array<i32>} : memref<80x128xf32, #tpu.memory_space<vmem>>, vector<16xf32>,
          %get3A_203 = arith.index_cast %add3A_158 : i32 to index
          %get3A_204 = arith.constant 96 : index
          %get3A_205 = tpu.vector_load %arg7[%get3A_203, %get3A_204] {strides = array<i32>} : memref<80x128xf32, #tpu.memory_space<vmem>>, vector<16xf32>,
          %mul3A_206 = arith.mulf %get3A_205, %gather3A_160 : vector<16xf32>
          %swap3A_207 = arith.index_cast %add3A_158 : i32 to index
          %swap3A_208 = arith.constant 96 : index
          %swap3A_209 = tpu.vector_load %arg7[%swap3A_207, %swap3A_208] {strides = array<i32>} : memref<80x128xf32, #tpu.memory_space<vmem>>, vector<16xf32>,
          tpu.vector_store %arg7[%swap3A_207, %swap3A_208], %mul3A_206 {strides = array<i32>} : memref<80x128xf32, #tpu.memory_space<vmem>>, vector<16xf32>,
          %get3A_210 = arith.index_cast %add3A_158 : i32 to index
          %get3A_211 = arith.constant 112 : index
          %get3A_212 = tpu.vector_load %arg7[%get3A_210, %get3A_211] {strides = array<i32>} : memref<80x128xf32, #tpu.memory_space<vmem>>, vector<16xf32>,
          %mul3A_213 = arith.mulf %get3A_212, %gather3A_160 : vector<16xf32>
          %swap3A_214 = arith.index_cast %add3A_158 : i32 to index
          %swap3A_215 = arith.constant 112 : index
          %swap3A_216 = tpu.vector_load %arg7[%swap3A_214, %swap3A_215] {strides = array<i32>} : memref<80x128xf32, #tpu.memory_space<vmem>>, vector<16xf32>,
          tpu.vector_store %arg7[%swap3A_214, %swap3A_215], %mul3A_213 {strides = array<i32>} : memref<80x128xf32, #tpu.memory_space<vmem>>, vector<16xf32>,
          %scan3A_217 = arith.constant 0 : i32
          scf.yield %scan3A_217 : i32
        }
        %scan3A_91 = arith.constant 40 : i32
        %dma_start3A_92 = arith.constant 0 : i32
        %dma_start3A_93 = arith.constant 0 : i32
        %dma_start3A_94 = tpu.memref_slice %arg16[%dma_start3A_92, %dma_start3A_93] : memref<10000x128xf32, #tpu.memory_space<vmem_shared>> -> memref<10000x128xf32, #tpu.memory_space<vmem_shared>>
        tpu.enqueue_indirect_dma source(%arg7 : memref<80x128xf32, #tpu.memory_space<vmem>>) target(%dma_start3A_94 : memref<10000x128xf32, #tpu.memory_space<vmem_shared>>) offsets(%arg6 : memref<80xi32, #tpu.memory_space<vmem>>) semaphore(%arg14 : memref<!tpu.dma_semaphore, #tpu.memory_space<semaphore_mem>>) {add = true}
      } else {
      }
      %mul3A_50 = arith.constant 2 : i32
      %mul3A_51 = arith.muli %mul3A_50, %scan3A_42 : i32
      %add3A_52 = arith.constant 1 : i32
      %add3A_53 = arith.addi %mul3A_51, %add3A_52 : i32
      %lt3A_54 = arith.constant 125 : i32
      %lt3A_55 = arith.cmpi slt, %add3A_53, %lt3A_54 : i32
      %convert_element_type3A_56 = arith.extui %lt3A_55 : i1 to i32
      %cond3A_57 = arith.constant 0 : i32
      %cond3A_58 = arith.cmpi ne, %convert_element_type3A_56, %cond3A_57 : i32
      scf.if %cond3A_58 {
        %dma_wait3A_60 = arith.constant 0 : i32
        %dma_wait3A_61 = tpu.memref_slice %arg3[%dma_wait3A_60] : memref<320000xi32, #tpu.memory_space<hbm>> -> memref<80xi32, #tpu.memory_space<hbm>>
        %dma_wait3A_62 = arith.constant 0 : i32
        %dma_wait3A_63 = tpu.memref_slice %arg3[%dma_wait3A_62] : memref<320000xi32, #tpu.memory_space<hbm>> -> memref<80xi32, #tpu.memory_space<hbm>>
        tpu.wait_dma2 semaphore(%arg13 : memref<!tpu.dma_semaphore, #tpu.memory_space<semaphore_mem>>) src(%dma_wait3A_63 : memref<80xi32, #tpu.memory_space<hbm>>) dst(%arg9 : memref<80xi32, #tpu.memory_space<vmem>>)
        %dma_wait3A_64 = arith.constant 0 : i32
        %dma_wait3A_65 = arith.constant 0 : i32
        %dma_wait3A_66 = tpu.memref_slice %arg2[%dma_wait3A_64, %dma_wait3A_65] : memref<320000x128xf32, #tpu.memory_space<hbm>> -> memref<80x128xf32, #tpu.memory_space<hbm>>
        %dma_wait3A_67 = arith.constant 0 : i32
        %dma_wait3A_68 = arith.constant 0 : i32
        %dma_wait3A_69 = tpu.memref_slice %arg2[%dma_wait3A_67, %dma_wait3A_68] : memref<320000x128xf32, #tpu.memory_space<hbm>> -> memref<80x128xf32, #tpu.memory_space<hbm>>
        tpu.wait_dma2 semaphore(%arg13 : memref<!tpu.dma_semaphore, #tpu.memory_space<semaphore_mem>>) src(%dma_wait3A_69 : memref<80x128xf32, #tpu.memory_space<hbm>>) dst(%arg10 : memref<80x128xf32, #tpu.memory_space<vmem>>)
        %dma_wait3A_70 = arith.constant 0 : i32
        %dma_wait3A_71 = tpu.memref_slice %arg4[%dma_wait3A_70] : memref<320000xf32, #tpu.memory_space<hbm>> -> memref<80xf32, #tpu.memory_space<hbm>>
        %dma_wait3A_72 = arith.constant 0 : i32
        %dma_wait3A_73 = tpu.memref_slice %arg4[%dma_wait3A_72] : memref<320000xf32, #tpu.memory_space<hbm>> -> memref<80xf32, #tpu.memory_space<hbm>>
        tpu.wait_dma2 semaphore(%arg13 : memref<!tpu.dma_semaphore, #tpu.memory_space<semaphore_mem>>) src(%dma_wait3A_73 : memref<80xf32, #tpu.memory_space<hbm>>) dst(%arg11 : memref<80xf32, #tpu.memory_space<vmem>>)
        %gt3A = arith.constant 0 : i32
        %gt3A_74 = arith.cmpi sgt, %add3A_53, %gt3A : i32
        %convert_element_type3A_75 = arith.extui %gt3A_74 : i1 to i32
        %cond3A_76 = arith.constant 0 : i32
        %cond3A_77 = arith.cmpi ne, %convert_element_type3A_75, %cond3A_76 : i32
        scf.if %cond3A_77 {
          %dma_wait3A_95 = arith.constant 0 : i32
          %dma_wait3A_96 = arith.constant 0 : i32
          %dma_wait3A_97 = tpu.memref_slice %arg16[%dma_wait3A_95, %dma_wait3A_96] : memref<10000x128xf32, #tpu.memory_space<vmem_shared>> -> memref<80x128xf32, #tpu.memory_space<vmem_shared>>
          %dma_wait3A_98 = arith.constant 0 : i32
          %dma_wait3A_99 = arith.constant 0 : i32
          %dma_wait3A_100 = tpu.memref_slice %arg16[%dma_wait3A_98, %dma_wait3A_99] : memref<10000x128xf32, #tpu.memory_space<vmem_shared>> -> memref<80x128xf32, #tpu.memory_space<vmem_shared>>
          tpu.wait_dma2 semaphore(%arg14 : memref<!tpu.dma_semaphore, #tpu.memory_space<semaphore_mem>>) src(%arg7 : memref<80x128xf32, #tpu.memory_space<vmem>>) dst(%dma_wait3A_100 : memref<80x128xf32, #tpu.memory_space<vmem_shared>>)
        } else {
        }
        %add3A_78 = arith.constant 1 : i32
        %add3A_79 = arith.addi %add3A_53, %add3A_78 : i32
        %lt3A_80 = arith.constant 125 : i32
        %lt3A_81 = arith.cmpi slt, %add3A_79, %lt3A_80 : i32
        %convert_element_type3A_82 = arith.extui %lt3A_81 : i1 to i32
        %cond3A_83 = arith.constant 0 : i32
        %cond3A_84 = arith.cmpi ne, %convert_element_type3A_82, %cond3A_83 : i32
        scf.if %cond3A_84 {
          %add3A_95 = arith.constant 1 : i32
          %add3A_96 = arith.addi %add3A_53, %add3A_95 : i32
          %mul3A_97 = arith.constant 80 : i32
          %mul3A_98 = arith.muli %add3A_96, %mul3A_97 : i32
          %add3A_99 = arith.addi %mul3A_19, %mul3A_98 : i32
          %dma_start3A_100 = tpu.memref_slice %arg3[%add3A_99] : memref<320000xi32, #tpu.memory_space<hbm>> -> memref<80xi32, #tpu.memory_space<hbm>>
          %dma_start3A_101 = tpu.memref_slice %arg3[%add3A_99] : memref<320000xi32, #tpu.memory_space<hbm>> -> memref<80xi32, #tpu.memory_space<hbm>>
          tpu.enqueue_dma source(%dma_start3A_101 : memref<80xi32, #tpu.memory_space<hbm>>) target(%arg6 : memref<80xi32, #tpu.memory_space<vmem>>) target_semaphore(%arg12 : memref<!tpu.dma_semaphore, #tpu.memory_space<semaphore_mem>>)
          %dma_start3A_102 = arith.constant 0 : i32
          %dma_start3A_103 = tpu.memref_slice %arg2[%add3A_99, %dma_start3A_102] : memref<320000x128xf32, #tpu.memory_space<hbm>> -> memref<80x128xf32, #tpu.memory_space<hbm>>
          %dma_start3A_104 = arith.constant 0 : i32
          %dma_start3A_105 = tpu.memref_slice %arg2[%add3A_99, %dma_start3A_104] : memref<320000x128xf32, #tpu.memory_space<hbm>> -> memref<80x128xf32, #tpu.memory_space<hbm>>
          tpu.enqueue_dma source(%dma_start3A_105 : memref<80x128xf32, #tpu.memory_space<hbm>>) target(%arg7 : memref<80x128xf32, #tpu.memory_space<vmem>>) target_semaphore(%arg12 : memref<!tpu.dma_semaphore, #tpu.memory_space<semaphore_mem>>)
          %dma_start3A_106 = tpu.memref_slice %arg4[%add3A_99] : memref<320000xf32, #tpu.memory_space<hbm>> -> memref<80xf32, #tpu.memory_space<hbm>>
          %dma_start3A_107 = tpu.memref_slice %arg4[%add3A_99] : memref<320000xf32, #tpu.memory_space<hbm>> -> memref<80xf32, #tpu.memory_space<hbm>>
          tpu.enqueue_dma source(%dma_start3A_107 : memref<80xf32, #tpu.memory_space<hbm>>) target(%arg8 : memref<80xf32, #tpu.memory_space<vmem>>) target_semaphore(%arg12 : memref<!tpu.dma_semaphore, #tpu.memory_space<semaphore_mem>>)
        } else {
        }
        %scan3A_85 = arith.constant 0 : i32
        %scan3A_86 = arith.constant 0 : i32
        %scan3A_87 = arith.constant 40 : i32
        %scan3A_88 = arith.addi %scan3A_86, %scan3A_87 : i32
        %scan3A_89 = arith.constant 1 : i32
        %scan3A_90 = scf.for %scan3A_95 = %scan3A_86 to %scan3A_88 step %scan3A_89 iter_args(%scan3A_96 = %scan3A_85) -> (i32)  : i32 {
          %mul3A_97 = arith.constant 2 : i32
          %mul3A_98 = arith.muli %mul3A_97, %scan3A_95 : i32
          %add3A_99 = arith.constant 0 : i32
          %add3A_100 = arith.addi %mul3A_98, %add3A_99 : i32
          %broadcast_in_dim3A = vector.broadcast %add3A_100 : i32 to vector<16xi32>
          %gather3A = tpu.vector_load_idx %arg11[%broadcast_in_dim3A] : memref<80xf32, #tpu.memory_space<vmem>>[vector<16xi32>], vector<16xf32>,
          %get3A = arith.index_cast %add3A_100 : i32 to index
          %get3A_101 = arith.constant 0 : index
          %get3A_102 = tpu.vector_load %arg10[%get3A, %get3A_101] {strides = array<i32>} : memref<80x128xf32, #tpu.memory_space<vmem>>, vector<16xf32>,
          %mul3A_103 = arith.mulf %get3A_102, %gather3A : vector<16xf32>
          %swap3A = arith.index_cast %add3A_100 : i32 to index
          %swap3A_104 = arith.constant 0 : index
          %swap3A_105 = tpu.vector_load %arg10[%swap3A, %swap3A_104] {strides = array<i32>} : memref<80x128xf32, #tpu.memory_space<vmem>>, vector<16xf32>,
          tpu.vector_store %arg10[%swap3A, %swap3A_104], %mul3A_103 {strides = array<i32>} : memref<80x128xf32, #tpu.memory_space<vmem>>, vector<16xf32>,
          %get3A_106 = arith.index_cast %add3A_100 : i32 to index
          %get3A_107 = arith.constant 16 : index
          %get3A_108 = tpu.vector_load %arg10[%get3A_106, %get3A_107] {strides = array<i32>} : memref<80x128xf32, #tpu.memory_space<vmem>>, vector<16xf32>,
          %mul3A_109 = arith.mulf %get3A_108, %gather3A : vector<16xf32>
          %swap3A_110 = arith.index_cast %add3A_100 : i32 to index
          %swap3A_111 = arith.constant 16 : index
          %swap3A_112 = tpu.vector_load %arg10[%swap3A_110, %swap3A_111] {strides = array<i32>} : memref<80x128xf32, #tpu.memory_space<vmem>>, vector<16xf32>,
          tpu.vector_store %arg10[%swap3A_110, %swap3A_111], %mul3A_109 {strides = array<i32>} : memref<80x128xf32, #tpu.memory_space<vmem>>, vector<16xf32>,
          %get3A_113 = arith.index_cast %add3A_100 : i32 to index
          %get3A_114 = arith.constant 32 : index
          %get3A_115 = tpu.vector_load %arg10[%get3A_113, %get3A_114] {strides = array<i32>} : memref<80x128xf32, #tpu.memory_space<vmem>>, vector<16xf32>,
          %mul3A_116 = arith.mulf %get3A_115, %gather3A : vector<16xf32>
          %swap3A_117 = arith.index_cast %add3A_100 : i32 to index
          %swap3A_118 = arith.constant 32 : index
          %swap3A_119 = tpu.vector_load %arg10[%swap3A_117, %swap3A_118] {strides = array<i32>} : memref<80x128xf32, #tpu.memory_space<vmem>>, vector<16xf32>,
          tpu.vector_store %arg10[%swap3A_117, %swap3A_118], %mul3A_116 {strides = array<i32>} : memref<80x128xf32, #tpu.memory_space<vmem>>, vector<16xf32>,
          %get3A_120 = arith.index_cast %add3A_100 : i32 to index
          %get3A_121 = arith.constant 48 : index
          %get3A_122 = tpu.vector_load %arg10[%get3A_120, %get3A_121] {strides = array<i32>} : memref<80x128xf32, #tpu.memory_space<vmem>>, vector<16xf32>,
          %mul3A_123 = arith.mulf %get3A_122, %gather3A : vector<16xf32>
          %swap3A_124 = arith.index_cast %add3A_100 : i32 to index
          %swap3A_125 = arith.constant 48 : index
          %swap3A_126 = tpu.vector_load %arg10[%swap3A_124, %swap3A_125] {strides = array<i32>} : memref<80x128xf32, #tpu.memory_space<vmem>>, vector<16xf32>,
          tpu.vector_store %arg10[%swap3A_124, %swap3A_125], %mul3A_123 {strides = array<i32>} : memref<80x128xf32, #tpu.memory_space<vmem>>, vector<16xf32>,
          %get3A_127 = arith.index_cast %add3A_100 : i32 to index
          %get3A_128 = arith.constant 64 : index
          %get3A_129 = tpu.vector_load %arg10[%get3A_127, %get3A_128] {strides = array<i32>} : memref<80x128xf32, #tpu.memory_space<vmem>>, vector<16xf32>,
          %mul3A_130 = arith.mulf %get3A_129, %gather3A : vector<16xf32>
          %swap3A_131 = arith.index_cast %add3A_100 : i32 to index
          %swap3A_132 = arith.constant 64 : index
          %swap3A_133 = tpu.vector_load %arg10[%swap3A_131, %swap3A_132] {strides = array<i32>} : memref<80x128xf32, #tpu.memory_space<vmem>>, vector<16xf32>,
          tpu.vector_store %arg10[%swap3A_131, %swap3A_132], %mul3A_130 {strides = array<i32>} : memref<80x128xf32, #tpu.memory_space<vmem>>, vector<16xf32>,
          %get3A_134 = arith.index_cast %add3A_100 : i32 to index
          %get3A_135 = arith.constant 80 : index
          %get3A_136 = tpu.vector_load %arg10[%get3A_134, %get3A_135] {strides = array<i32>} : memref<80x128xf32, #tpu.memory_space<vmem>>, vector<16xf32>,
          %mul3A_137 = arith.mulf %get3A_136, %gather3A : vector<16xf32>
          %swap3A_138 = arith.index_cast %add3A_100 : i32 to index
          %swap3A_139 = arith.constant 80 : index
          %swap3A_140 = tpu.vector_load %arg10[%swap3A_138, %swap3A_139] {strides = array<i32>} : memref<80x128xf32, #tpu.memory_space<vmem>>, vector<16xf32>,
          tpu.vector_store %arg10[%swap3A_138, %swap3A_139], %mul3A_137 {strides = array<i32>} : memref<80x128xf32, #tpu.memory_space<vmem>>, vector<16xf32>,
          %get3A_141 = arith.index_cast %add3A_100 : i32 to index
          %get3A_142 = arith.constant 96 : index
          %get3A_143 = tpu.vector_load %arg10[%get3A_141, %get3A_142] {strides = array<i32>} : memref<80x128xf32, #tpu.memory_space<vmem>>, vector<16xf32>,
          %mul3A_144 = arith.mulf %get3A_143, %gather3A : vector<16xf32>
          %swap3A_145 = arith.index_cast %add3A_100 : i32 to index
          %swap3A_146 = arith.constant 96 : index
          %swap3A_147 = tpu.vector_load %arg10[%swap3A_145, %swap3A_146] {strides = array<i32>} : memref<80x128xf32, #tpu.memory_space<vmem>>, vector<16xf32>,
          tpu.vector_store %arg10[%swap3A_145, %swap3A_146], %mul3A_144 {strides = array<i32>} : memref<80x128xf32, #tpu.memory_space<vmem>>, vector<16xf32>,
          %get3A_148 = arith.index_cast %add3A_100 : i32 to index
          %get3A_149 = arith.constant 112 : index
          %get3A_150 = tpu.vector_load %arg10[%get3A_148, %get3A_149] {strides = array<i32>} : memref<80x128xf32, #tpu.memory_space<vmem>>, vector<16xf32>,
          %mul3A_151 = arith.mulf %get3A_150, %gather3A : vector<16xf32>
          %swap3A_152 = arith.index_cast %add3A_100 : i32 to index
          %swap3A_153 = arith.constant 112 : index
          %swap3A_154 = tpu.vector_load %arg10[%swap3A_152, %swap3A_153] {strides = array<i32>} : memref<80x128xf32, #tpu.memory_space<vmem>>, vector<16xf32>,
          tpu.vector_store %arg10[%swap3A_152, %swap3A_153], %mul3A_151 {strides = array<i32>} : memref<80x128xf32, #tpu.memory_space<vmem>>, vector<16xf32>,
          %mul3A_155 = arith.constant 2 : i32
          %mul3A_156 = arith.muli %mul3A_155, %scan3A_95 : i32
          %add3A_157 = arith.constant 1 : i32
          %add3A_158 = arith.addi %mul3A_156, %add3A_157 : i32
          %broadcast_in_dim3A_159 = vector.broadcast %add3A_158 : i32 to vector<16xi32>
          %gather3A_160 = tpu.vector_load_idx %arg11[%broadcast_in_dim3A_159] : memref<80xf32, #tpu.memory_space<vmem>>[vector<16xi32>], vector<16xf32>,
          %get3A_161 = arith.index_cast %add3A_158 : i32 to index
          %get3A_162 = arith.constant 0 : index
          %get3A_163 = tpu.vector_load %arg10[%get3A_161, %get3A_162] {strides = array<i32>} : memref<80x128xf32, #tpu.memory_space<vmem>>, vector<16xf32>,
          %mul3A_164 = arith.mulf %get3A_163, %gather3A_160 : vector<16xf32>
          %swap3A_165 = arith.index_cast %add3A_158 : i32 to index
          %swap3A_166 = arith.constant 0 : index
          %swap3A_167 = tpu.vector_load %arg10[%swap3A_165, %swap3A_166] {strides = array<i32>} : memref<80x128xf32, #tpu.memory_space<vmem>>, vector<16xf32>,
          tpu.vector_store %arg10[%swap3A_165, %swap3A_166], %mul3A_164 {strides = array<i32>} : memref<80x128xf32, #tpu.memory_space<vmem>>, vector<16xf32>,
          %get3A_168 = arith.index_cast %add3A_158 : i32 to index
          %get3A_169 = arith.constant 16 : index
          %get3A_170 = tpu.vector_load %arg10[%get3A_168, %get3A_169] {strides = array<i32>} : memref<80x128xf32, #tpu.memory_space<vmem>>, vector<16xf32>,
          %mul3A_171 = arith.mulf %get3A_170, %gather3A_160 : vector<16xf32>
          %swap3A_172 = arith.index_cast %add3A_158 : i32 to index
          %swap3A_173 = arith.constant 16 : index
          %swap3A_174 = tpu.vector_load %arg10[%swap3A_172, %swap3A_173] {strides = array<i32>} : memref<80x128xf32, #tpu.memory_space<vmem>>, vector<16xf32>,
          tpu.vector_store %arg10[%swap3A_172, %swap3A_173], %mul3A_171 {strides = array<i32>} : memref<80x128xf32, #tpu.memory_space<vmem>>, vector<16xf32>,
          %get3A_175 = arith.index_cast %add3A_158 : i32 to index
          %get3A_176 = arith.constant 32 : index
          %get3A_177 = tpu.vector_load %arg10[%get3A_175, %get3A_176] {strides = array<i32>} : memref<80x128xf32, #tpu.memory_space<vmem>>, vector<16xf32>,
          %mul3A_178 = arith.mulf %get3A_177, %gather3A_160 : vector<16xf32>
          %swap3A_179 = arith.index_cast %add3A_158 : i32 to index
          %swap3A_180 = arith.constant 32 : index
          %swap3A_181 = tpu.vector_load %arg10[%swap3A_179, %swap3A_180] {strides = array<i32>} : memref<80x128xf32, #tpu.memory_space<vmem>>, vector<16xf32>,
          tpu.vector_store %arg10[%swap3A_179, %swap3A_180], %mul3A_178 {strides = array<i32>} : memref<80x128xf32, #tpu.memory_space<vmem>>, vector<16xf32>,
          %get3A_182 = arith.index_cast %add3A_158 : i32 to index
          %get3A_183 = arith.constant 48 : index
          %get3A_184 = tpu.vector_load %arg10[%get3A_182, %get3A_183] {strides = array<i32>} : memref<80x128xf32, #tpu.memory_space<vmem>>, vector<16xf32>,
          %mul3A_185 = arith.mulf %get3A_184, %gather3A_160 : vector<16xf32>
          %swap3A_186 = arith.index_cast %add3A_158 : i32 to index
          %swap3A_187 = arith.constant 48 : index
          %swap3A_188 = tpu.vector_load %arg10[%swap3A_186, %swap3A_187] {strides = array<i32>} : memref<80x128xf32, #tpu.memory_space<vmem>>, vector<16xf32>,
          tpu.vector_store %arg10[%swap3A_186, %swap3A_187], %mul3A_185 {strides = array<i32>} : memref<80x128xf32, #tpu.memory_space<vmem>>, vector<16xf32>,
          %get3A_189 = arith.index_cast %add3A_158 : i32 to index
          %get3A_190 = arith.constant 64 : index
          %get3A_191 = tpu.vector_load %arg10[%get3A_189, %get3A_190] {strides = array<i32>} : memref<80x128xf32, #tpu.memory_space<vmem>>, vector<16xf32>,
          %mul3A_192 = arith.mulf %get3A_191, %gather3A_160 : vector<16xf32>
          %swap3A_193 = arith.index_cast %add3A_158 : i32 to index
          %swap3A_194 = arith.constant 64 : index
          %swap3A_195 = tpu.vector_load %arg10[%swap3A_193, %swap3A_194] {strides = array<i32>} : memref<80x128xf32, #tpu.memory_space<vmem>>, vector<16xf32>,
          tpu.vector_store %arg10[%swap3A_193, %swap3A_194], %mul3A_192 {strides = array<i32>} : memref<80x128xf32, #tpu.memory_space<vmem>>, vector<16xf32>,
          %get3A_196 = arith.index_cast %add3A_158 : i32 to index
          %get3A_197 = arith.constant 80 : index
          %get3A_198 = tpu.vector_load %arg10[%get3A_196, %get3A_197] {strides = array<i32>} : memref<80x128xf32, #tpu.memory_space<vmem>>, vector<16xf32>,
          %mul3A_199 = arith.mulf %get3A_198, %gather3A_160 : vector<16xf32>
          %swap3A_200 = arith.index_cast %add3A_158 : i32 to index
          %swap3A_201 = arith.constant 80 : index
          %swap3A_202 = tpu.vector_load %arg10[%swap3A_200, %swap3A_201] {strides = array<i32>} : memref<80x128xf32, #tpu.memory_space<vmem>>, vector<16xf32>,
          tpu.vector_store %arg10[%swap3A_200, %swap3A_201], %mul3A_199 {strides = array<i32>} : memref<80x128xf32, #tpu.memory_space<vmem>>, vector<16xf32>,
          %get3A_203 = arith.index_cast %add3A_158 : i32 to index
          %get3A_204 = arith.constant 96 : index
          %get3A_205 = tpu.vector_load %arg10[%get3A_203, %get3A_204] {strides = array<i32>} : memref<80x128xf32, #tpu.memory_space<vmem>>, vector<16xf32>,
          %mul3A_206 = arith.mulf %get3A_205, %gather3A_160 : vector<16xf32>
          %swap3A_207 = arith.index_cast %add3A_158 : i32 to index
          %swap3A_208 = arith.constant 96 : index
          %swap3A_209 = tpu.vector_load %arg10[%swap3A_207, %swap3A_208] {strides = array<i32>} : memref<80x128xf32, #tpu.memory_space<vmem>>, vector<16xf32>,
          tpu.vector_store %arg10[%swap3A_207, %swap3A_208], %mul3A_206 {strides = array<i32>} : memref<80x128xf32, #tpu.memory_space<vmem>>, vector<16xf32>,
          %get3A_210 = arith.index_cast %add3A_158 : i32 to index
          %get3A_211 = arith.constant 112 : index
          %get3A_212 = tpu.vector_load %arg10[%get3A_210, %get3A_211] {strides = array<i32>} : memref<80x128xf32, #tpu.memory_space<vmem>>, vector<16xf32>,
          %mul3A_213 = arith.mulf %get3A_212, %gather3A_160 : vector<16xf32>
          %swap3A_214 = arith.index_cast %add3A_158 : i32 to index
          %swap3A_215 = arith.constant 112 : index
          %swap3A_216 = tpu.vector_load %arg10[%swap3A_214, %swap3A_215] {strides = array<i32>} : memref<80x128xf32, #tpu.memory_space<vmem>>, vector<16xf32>,
          tpu.vector_store %arg10[%swap3A_214, %swap3A_215], %mul3A_213 {strides = array<i32>} : memref<80x128xf32, #tpu.memory_space<vmem>>, vector<16xf32>,
          %scan3A_217 = arith.constant 0 : i32
          scf.yield %scan3A_217 : i32
        }
        %scan3A_91 = arith.constant 40 : i32
        %dma_start3A_92 = arith.constant 0 : i32
        %dma_start3A_93 = arith.constant 0 : i32
        %dma_start3A_94 = tpu.memref_slice %arg16[%dma_start3A_92, %dma_start3A_93] : memref<10000x128xf32, #tpu.memory_space<vmem_shared>> -> memref<10000x128xf32, #tpu.memory_space<vmem_shared>>
        tpu.enqueue_indirect_dma source(%arg10 : memref<80x128xf32, #tpu.memory_space<vmem>>) target(%dma_start3A_94 : memref<10000x128xf32, #tpu.memory_space<vmem_shared>>) offsets(%arg9 : memref<80xi32, #tpu.memory_space<vmem>>) semaphore(%arg15 : memref<!tpu.dma_semaphore, #tpu.memory_space<semaphore_mem>>) {add = true}
      } else {
      }
      %scan3A_59 = arith.constant 0 : i32
      scf.yield %scan3A_59 : i32
    }
    %scan3A_35 = arith.constant 63 : i32
    %dma_wait3A = arith.constant 0 : i32
    %dma_wait3A_36 = arith.constant 0 : i32
    %dma_wait3A_37 = tpu.memref_slice %arg16[%dma_wait3A, %dma_wait3A_36] : memref<10000x128xf32, #tpu.memory_space<vmem_shared>> -> memref<80x128xf32, #tpu.memory_space<vmem_shared>>
    %dma_wait3A_38 = arith.constant 0 : i32
    %dma_wait3A_39 = arith.constant 0 : i32
    %dma_wait3A_40 = tpu.memref_slice %arg16[%dma_wait3A_38, %dma_wait3A_39] : memref<10000x128xf32, #tpu.memory_space<vmem_shared>> -> memref<80x128xf32, #tpu.memory_space<vmem_shared>>
    tpu.wait_dma2 semaphore(%arg14 : memref<!tpu.dma_semaphore, #tpu.memory_space<semaphore_mem>>) src(%arg7 : memref<80x128xf32, #tpu.memory_space<vmem>>) dst(%dma_wait3A_40 : memref<80x128xf32, #tpu.memory_space<vmem_shared>>)
    %barrier3A_41 = arith.constant 0 : index
    tpu.barrier barrier_id(%barrier3A_41)
    "tpu.region"() ({
      %run_scoped3A = tpu.sem_alloc : memref<!tpu.dma_semaphore, #tpu.memory_space<semaphore_mem>>
      %dma_start3A_42 = arith.constant 0 : i32
      %dma_start3A_43 = arith.constant 0 : i32
      %dma_start3A_44 = tpu.memref_slice %arg5[%arg0, %arg1, %dma_start3A_42, %dma_start3A_43] : memref<2x16x625x128xf32, #tpu.memory_space<hbm>> -> memref<1x1x625x128xf32, #tpu.memory_space<hbm>>
      %dma_start3A_45 = tpu.memref_squeeze %dma_start3A_44 : memref<1x1x625x128xf32, #tpu.memory_space<hbm>> -> memref<625x128xf32, #tpu.memory_space<hbm>>
      %dma_start3A_46 = arith.constant 0 : i32
      %dma_start3A_47 = tpu.memref_slice %arg16[%mul3A_2, %dma_start3A_46] : memref<10000x128xf32, #tpu.memory_space<vmem_shared>> -> memref<625x128xf32, #tpu.memory_space<vmem_shared>>
      tpu.enqueue_dma source(%dma_start3A_47 : memref<625x128xf32, #tpu.memory_space<vmem_shared>>) target(%dma_start3A_45 : memref<625x128xf32, #tpu.memory_space<hbm>>) target_semaphore(%run_scoped3A : memref<!tpu.dma_semaphore, #tpu.memory_space<semaphore_mem>>)
      %dma_wait3A_48 = arith.constant 0 : i32
      %dma_wait3A_49 = arith.constant 0 : i32
      %dma_wait3A_50 = tpu.memref_slice %arg5[%arg0, %arg1, %dma_wait3A_48, %dma_wait3A_49] : memref<2x16x625x128xf32, #tpu.memory_space<hbm>> -> memref<1x1x625x128xf32, #tpu.memory_space<hbm>>
      %dma_wait3A_51 = tpu.memref_squeeze %dma_wait3A_50 : memref<1x1x625x128xf32, #tpu.memory_space<hbm>> -> memref<625x128xf32, #tpu.memory_space<hbm>>
      %dma_wait3A_52 = arith.constant 0 : i32
      %dma_wait3A_53 = tpu.memref_slice %arg16[%mul3A_2, %dma_wait3A_52] : memref<10000x128xf32, #tpu.memory_space<vmem_shared>> -> memref<625x128xf32, #tpu.memory_space<vmem_shared>>
      tpu.wait_dma2 semaphore(%run_scoped3A : memref<!tpu.dma_semaphore, #tpu.memory_space<semaphore_mem>>) src(%dma_wait3A_53 : memref<625x128xf32, #tpu.memory_space<vmem_shared>>) dst(%dma_wait3A_51 : memref<625x128xf32, #tpu.memory_space<hbm>>)
      tpu.yield
    }) : () -> ()
    return
  }
}

#map = affine_map<(d0, d1) -> (0, 0)>
#map1 = affine_map<(d0, d1) -> (0)>
#map2 = affine_map<(d0, d1) -> (0, 0, 0, 0)>
module attributes {stable_mosaic.version = 14 : i64} {
  func.func @_sc_conv_body(%arg0: i32, %arg1: i32, %arg2: memref<10000x128xf32, #tpu.memory_space<hbm>>, %arg3: memref<320000xi32, #tpu.memory_space<hbm>>, %arg4: memref<320000xi32, #tpu.memory_space<hbm>>, %arg5: memref<10000x16xf32, #tpu.memory_space<hbm>>, %arg6: memref<10000x16xf32, #tpu.memory_space<hbm>>, %arg7: memref<1x16xf32, #tpu.memory_space<hbm>>, %arg8: memref<2x16x625x128xf32, #tpu.memory_space<hbm>>, %arg9: memref<2x16x625x16xf32, #tpu.memory_space<hbm>>, %arg10: memref<80xi32, #tpu.memory_space<vmem>>, %arg11: memref<80xi32, #tpu.memory_space<vmem>>, %arg12: memref<80xi32, #tpu.memory_space<vmem>>, %arg13: memref<80x128xf32, #tpu.memory_space<vmem>>, %arg14: memref<80x16xf32, #tpu.memory_space<vmem>>, %arg15: memref<80x16xf32, #tpu.memory_space<vmem>>, %arg16: memref<80x16xf32, #tpu.memory_space<vmem>>, %arg17: memref<80xi32, #tpu.memory_space<vmem>>, %arg18: memref<80xi32, #tpu.memory_space<vmem>>, %arg19: memref<80xi32, #tpu.memory_space<vmem>>, %arg20: memref<80x128xf32, #tpu.memory_space<vmem>>, %arg21: memref<80x16xf32, #tpu.memory_space<vmem>>, %arg22: memref<80x16xf32, #tpu.memory_space<vmem>>, %arg23: memref<80x16xf32, #tpu.memory_space<vmem>>, %arg24: memref<1x16xf32, #tpu.memory_space<vmem>>, %arg25: memref<!tpu.dma_semaphore, #tpu.memory_space<semaphore_mem>>, %arg26: memref<!tpu.dma_semaphore, #tpu.memory_space<semaphore_mem>>, %arg27: memref<!tpu.dma_semaphore, #tpu.memory_space<semaphore_mem>>, %arg28: memref<!tpu.dma_semaphore, #tpu.memory_space<semaphore_mem>>, %arg29: memref<!tpu.dma_semaphore, #tpu.memory_space<semaphore_mem>>, %arg30: memref<!tpu.dma_semaphore, #tpu.memory_space<semaphore_mem>>, %arg31: memref<!tpu.dma_semaphore, #tpu.memory_space<semaphore_mem>>, %arg32: memref<!tpu.dma_semaphore, #tpu.memory_space<semaphore_mem>>, %arg33: memref<10000x128xf32, #tpu.memory_space<vmem_shared>>, %arg34: memref<10000x16xf32, #tpu.memory_space<vmem_shared>>) attributes {dimension_semantics = [#tpu.dimension_semantics<core_parallel>, #tpu.dimension_semantics<subcore_parallel>], iteration_bounds = array<i64: 2, 16>, scalar_prefetch = 0 : i64, scratch_operands = 25 : i64, tpu.core_type = #tpu.core_type<sc_vector_subcore>, window_params = [{transform_indices = #map}, {transform_indices = #map1}, {transform_indices = #map1}, {transform_indices = #map}, {transform_indices = #map}, {transform_indices = #map}, {transform_indices = #map2}, {transform_indices = #map2}]} {
    %mul3A = arith.constant 16 : i32
    %mul3A_0 = arith.muli %arg0, %mul3A : i32
    %add3A = arith.addi %mul3A_0, %arg1 : i32
    %mul3A_1 = arith.constant 625 : i32
    %mul3A_2 = arith.muli %arg1, %mul3A_1 : i32
    %scan3A = arith.constant 0 : i32
    %scan3A_3 = arith.constant 0 : i32
    %scan3A_4 = arith.constant 80 : i32
    %scan3A_5 = arith.addi %scan3A_3, %scan3A_4 : i32
    %scan3A_6 = arith.constant 1 : i32
    %scan3A_7 = scf.for %scan3A_62 = %scan3A_3 to %scan3A_5 step %scan3A_6 iter_args(%scan3A_63 = %scan3A) -> (i32)  : i32 {
      %broadcast_in_dim3A = arith.constant 0.000000e+00 : f32
      %broadcast_in_dim3A_64 = vector.broadcast %broadcast_in_dim3A : f32 to vector<16xf32>
      %swap3A = arith.index_cast %scan3A_62 : i32 to index
      %swap3A_65 = arith.constant 0 : index
      %swap3A_66 = tpu.vector_load %arg13[%swap3A, %swap3A_65] {strides = array<i32>} : memref<80x128xf32, #tpu.memory_space<vmem>>, vector<16xf32>,
      tpu.vector_store %arg13[%swap3A, %swap3A_65], %broadcast_in_dim3A_64 {strides = array<i32>} : memref<80x128xf32, #tpu.memory_space<vmem>>, vector<16xf32>,
      %broadcast_in_dim3A_67 = arith.constant 0.000000e+00 : f32
      %broadcast_in_dim3A_68 = vector.broadcast %broadcast_in_dim3A_67 : f32 to vector<16xf32>
      %swap3A_69 = arith.index_cast %scan3A_62 : i32 to index
      %swap3A_70 = arith.constant 16 : index
      %swap3A_71 = tpu.vector_load %arg13[%swap3A_69, %swap3A_70] {strides = array<i32>} : memref<80x128xf32, #tpu.memory_space<vmem>>, vector<16xf32>,
      tpu.vector_store %arg13[%swap3A_69, %swap3A_70], %broadcast_in_dim3A_68 {strides = array<i32>} : memref<80x128xf32, #tpu.memory_space<vmem>>, vector<16xf32>,
      %broadcast_in_dim3A_72 = arith.constant 0.000000e+00 : f32
      %broadcast_in_dim3A_73 = vector.broadcast %broadcast_in_dim3A_72 : f32 to vector<16xf32>
      %swap3A_74 = arith.index_cast %scan3A_62 : i32 to index
      %swap3A_75 = arith.constant 32 : index
      %swap3A_76 = tpu.vector_load %arg13[%swap3A_74, %swap3A_75] {strides = array<i32>} : memref<80x128xf32, #tpu.memory_space<vmem>>, vector<16xf32>,
      tpu.vector_store %arg13[%swap3A_74, %swap3A_75], %broadcast_in_dim3A_73 {strides = array<i32>} : memref<80x128xf32, #tpu.memory_space<vmem>>, vector<16xf32>,
      %broadcast_in_dim3A_77 = arith.constant 0.000000e+00 : f32
      %broadcast_in_dim3A_78 = vector.broadcast %broadcast_in_dim3A_77 : f32 to vector<16xf32>
      %swap3A_79 = arith.index_cast %scan3A_62 : i32 to index
      %swap3A_80 = arith.constant 48 : index
      %swap3A_81 = tpu.vector_load %arg13[%swap3A_79, %swap3A_80] {strides = array<i32>} : memref<80x128xf32, #tpu.memory_space<vmem>>, vector<16xf32>,
      tpu.vector_store %arg13[%swap3A_79, %swap3A_80], %broadcast_in_dim3A_78 {strides = array<i32>} : memref<80x128xf32, #tpu.memory_space<vmem>>, vector<16xf32>,
      %broadcast_in_dim3A_82 = arith.constant 0.000000e+00 : f32
      %broadcast_in_dim3A_83 = vector.broadcast %broadcast_in_dim3A_82 : f32 to vector<16xf32>
      %swap3A_84 = arith.index_cast %scan3A_62 : i32 to index
      %swap3A_85 = arith.constant 64 : index
      %swap3A_86 = tpu.vector_load %arg13[%swap3A_84, %swap3A_85] {strides = array<i32>} : memref<80x128xf32, #tpu.memory_space<vmem>>, vector<16xf32>,
      tpu.vector_store %arg13[%swap3A_84, %swap3A_85], %broadcast_in_dim3A_83 {strides = array<i32>} : memref<80x128xf32, #tpu.memory_space<vmem>>, vector<16xf32>,
      %broadcast_in_dim3A_87 = arith.constant 0.000000e+00 : f32
      %broadcast_in_dim3A_88 = vector.broadcast %broadcast_in_dim3A_87 : f32 to vector<16xf32>
      %swap3A_89 = arith.index_cast %scan3A_62 : i32 to index
      %swap3A_90 = arith.constant 80 : index
      %swap3A_91 = tpu.vector_load %arg13[%swap3A_89, %swap3A_90] {strides = array<i32>} : memref<80x128xf32, #tpu.memory_space<vmem>>, vector<16xf32>,
      tpu.vector_store %arg13[%swap3A_89, %swap3A_90], %broadcast_in_dim3A_88 {strides = array<i32>} : memref<80x128xf32, #tpu.memory_space<vmem>>, vector<16xf32>,
      %broadcast_in_dim3A_92 = arith.constant 0.000000e+00 : f32
      %broadcast_in_dim3A_93 = vector.broadcast %broadcast_in_dim3A_92 : f32 to vector<16xf32>
      %swap3A_94 = arith.index_cast %scan3A_62 : i32 to index
      %swap3A_95 = arith.constant 96 : index
      %swap3A_96 = tpu.vector_load %arg13[%swap3A_94, %swap3A_95] {strides = array<i32>} : memref<80x128xf32, #tpu.memory_space<vmem>>, vector<16xf32>,
      tpu.vector_store %arg13[%swap3A_94, %swap3A_95], %broadcast_in_dim3A_93 {strides = array<i32>} : memref<80x128xf32, #tpu.memory_space<vmem>>, vector<16xf32>,
      %broadcast_in_dim3A_97 = arith.constant 0.000000e+00 : f32
      %broadcast_in_dim3A_98 = vector.broadcast %broadcast_in_dim3A_97 : f32 to vector<16xf32>
      %swap3A_99 = arith.index_cast %scan3A_62 : i32 to index
      %swap3A_100 = arith.constant 112 : index
      %swap3A_101 = tpu.vector_load %arg13[%swap3A_99, %swap3A_100] {strides = array<i32>} : memref<80x128xf32, #tpu.memory_space<vmem>>, vector<16xf32>,
      tpu.vector_store %arg13[%swap3A_99, %swap3A_100], %broadcast_in_dim3A_98 {strides = array<i32>} : memref<80x128xf32, #tpu.memory_space<vmem>>, vector<16xf32>,
      %broadcast_in_dim3A_102 = arith.constant 0.000000e+00 : f32
      %broadcast_in_dim3A_103 = vector.broadcast %broadcast_in_dim3A_102 : f32 to vector<16xf32>
      %swap3A_104 = arith.index_cast %scan3A_62 : i32 to index
      %swap3A_105 = arith.constant 0 : index
      %swap3A_106 = tpu.vector_load %arg16[%swap3A_104, %swap3A_105] {strides = array<i32>} : memref<80x16xf32, #tpu.memory_space<vmem>>, vector<16xf32>,
      tpu.vector_store %arg16[%swap3A_104, %swap3A_105], %broadcast_in_dim3A_103 {strides = array<i32>} : memref<80x16xf32, #tpu.memory_space<vmem>>, vector<16xf32>,
      %broadcast_in_dim3A_107 = arith.constant 0.000000e+00 : f32
      %broadcast_in_dim3A_108 = vector.broadcast %broadcast_in_dim3A_107 : f32 to vector<16xf32>
      %swap3A_109 = arith.index_cast %scan3A_62 : i32 to index
      %swap3A_110 = arith.constant 0 : index
      %swap3A_111 = tpu.vector_load %arg23[%swap3A_109, %swap3A_110] {strides = array<i32>} : memref<80x16xf32, #tpu.memory_space<vmem>>, vector<16xf32>,
      tpu.vector_store %arg23[%swap3A_109, %swap3A_110], %broadcast_in_dim3A_108 {strides = array<i32>} : memref<80x16xf32, #tpu.memory_space<vmem>>, vector<16xf32>,
      %scan3A_112 = arith.constant 0 : i32
      scf.yield %scan3A_112 : i32
    }
    %scan3A_8 = arith.constant 80 : i32
    %scan3A_9 = arith.constant 0 : i32
    %scan3A_10 = arith.constant 0 : i32
    %scan3A_11 = arith.constant 7 : i32
    %scan3A_12 = arith.addi %scan3A_10, %scan3A_11 : i32
    %scan3A_13 = arith.constant 1 : i32
    %scan3A_14 = scf.for %scan3A_62 = %scan3A_10 to %scan3A_12 step %scan3A_13 iter_args(%scan3A_63 = %scan3A_9) -> (i32)  : i32 {
      %mul3A_64 = arith.constant 80 : i32
      %mul3A_65 = arith.muli %scan3A_62, %mul3A_64 : i32
      %add3A_66 = arith.addi %mul3A_2, %mul3A_65 : i32
      "tpu.region"() ({
        %run_scoped3A = tpu.sem_alloc : memref<!tpu.dma_semaphore, #tpu.memory_space<semaphore_mem>>
        %dma_start3A_71 = arith.constant 0 : i32
        %dma_start3A_72 = tpu.memref_slice %arg33[%add3A_66, %dma_start3A_71] : memref<10000x128xf32, #tpu.memory_space<vmem_shared>> -> memref<80x128xf32, #tpu.memory_space<vmem_shared>>
        %dma_start3A_73 = arith.constant 0 : i32
        %dma_start3A_74 = tpu.memref_slice %arg33[%add3A_66, %dma_start3A_73] : memref<10000x128xf32, #tpu.memory_space<vmem_shared>> -> memref<80x128xf32, #tpu.memory_space<vmem_shared>>
        tpu.enqueue_dma source(%arg13 : memref<80x128xf32, #tpu.memory_space<vmem>>) target(%dma_start3A_74 : memref<80x128xf32, #tpu.memory_space<vmem_shared>>) target_semaphore(%run_scoped3A : memref<!tpu.dma_semaphore, #tpu.memory_space<semaphore_mem>>)
        %dma_wait3A_75 = arith.constant 0 : i32
        %dma_wait3A_76 = tpu.memref_slice %arg33[%add3A_66, %dma_wait3A_75] : memref<10000x128xf32, #tpu.memory_space<vmem_shared>> -> memref<80x128xf32, #tpu.memory_space<vmem_shared>>
        %dma_wait3A_77 = arith.constant 0 : i32
        %dma_wait3A_78 = tpu.memref_slice %arg33[%add3A_66, %dma_wait3A_77] : memref<10000x128xf32, #tpu.memory_space<vmem_shared>> -> memref<80x128xf32, #tpu.memory_space<vmem_shared>>
        tpu.wait_dma2 semaphore(%run_scoped3A : memref<!tpu.dma_semaphore, #tpu.memory_space<semaphore_mem>>) src(%arg13 : memref<80x128xf32, #tpu.memory_space<vmem>>) dst(%dma_wait3A_78 : memref<80x128xf32, #tpu.memory_space<vmem_shared>>)
        tpu.yield
      }) : () -> ()
      %mul3A_67 = arith.constant 80 : i32
      %mul3A_68 = arith.muli %scan3A_62, %mul3A_67 : i32
      %add3A_69 = arith.addi %mul3A_2, %mul3A_68 : i32
      "tpu.region"() ({
        %run_scoped3A = tpu.sem_alloc : memref<!tpu.dma_semaphore, #tpu.memory_space<semaphore_mem>>
        %dma_start3A_71 = arith.constant 0 : i32
        %dma_start3A_72 = tpu.memref_slice %arg34[%add3A_69, %dma_start3A_71] : memref<10000x16xf32, #tpu.memory_space<vmem_shared>> -> memref<80x16xf32, #tpu.memory_space<vmem_shared>>
        %dma_start3A_73 = arith.constant 0 : i32
        %dma_start3A_74 = tpu.memref_slice %arg34[%add3A_69, %dma_start3A_73] : memref<10000x16xf32, #tpu.memory_space<vmem_shared>> -> memref<80x16xf32, #tpu.memory_space<vmem_shared>>
        tpu.enqueue_dma source(%arg16 : memref<80x16xf32, #tpu.memory_space<vmem>>) target(%dma_start3A_74 : memref<80x16xf32, #tpu.memory_space<vmem_shared>>) target_semaphore(%run_scoped3A : memref<!tpu.dma_semaphore, #tpu.memory_space<semaphore_mem>>)
        %dma_wait3A_75 = arith.constant 0 : i32
        %dma_wait3A_76 = tpu.memref_slice %arg34[%add3A_69, %dma_wait3A_75] : memref<10000x16xf32, #tpu.memory_space<vmem_shared>> -> memref<80x16xf32, #tpu.memory_space<vmem_shared>>
        %dma_wait3A_77 = arith.constant 0 : i32
        %dma_wait3A_78 = tpu.memref_slice %arg34[%add3A_69, %dma_wait3A_77] : memref<10000x16xf32, #tpu.memory_space<vmem_shared>> -> memref<80x16xf32, #tpu.memory_space<vmem_shared>>
        tpu.wait_dma2 semaphore(%run_scoped3A : memref<!tpu.dma_semaphore, #tpu.memory_space<semaphore_mem>>) src(%arg16 : memref<80x16xf32, #tpu.memory_space<vmem>>) dst(%dma_wait3A_78 : memref<80x16xf32, #tpu.memory_space<vmem_shared>>)
        tpu.yield
      }) : () -> ()
      %scan3A_70 = arith.constant 0 : i32
      scf.yield %scan3A_70 : i32
    }
    %scan3A_15 = arith.constant 7 : i32
    %add3A_16 = arith.constant 560 : i32
    %add3A_17 = arith.addi %mul3A_2, %add3A_16 : i32
    "tpu.region"() ({
      %run_scoped3A = tpu.sem_alloc : memref<!tpu.dma_semaphore, #tpu.memory_space<semaphore_mem>>
      %dma_start3A_62 = arith.constant 0 : i32
      %dma_start3A_63 = arith.constant 0 : i32
      %dma_start3A_64 = tpu.memref_slice %arg13[%dma_start3A_62, %dma_start3A_63] : memref<80x128xf32, #tpu.memory_space<vmem>> -> memref<65x128xf32, #tpu.memory_space<vmem>>
      %dma_start3A_65 = arith.constant 0 : i32
      %dma_start3A_66 = tpu.memref_slice %arg33[%add3A_17, %dma_start3A_65] : memref<10000x128xf32, #tpu.memory_space<vmem_shared>> -> memref<65x128xf32, #tpu.memory_space<vmem_shared>>
      %dma_start3A_67 = arith.constant 0 : i32
      %dma_start3A_68 = tpu.memref_slice %arg33[%add3A_17, %dma_start3A_67] : memref<10000x128xf32, #tpu.memory_space<vmem_shared>> -> memref<65x128xf32, #tpu.memory_space<vmem_shared>>
      %dma_start3A_69 = arith.constant 0 : i32
      %dma_start3A_70 = arith.constant 0 : i32
      %dma_start3A_71 = tpu.memref_slice %arg13[%dma_start3A_69, %dma_start3A_70] : memref<80x128xf32, #tpu.memory_space<vmem>> -> memref<65x128xf32, #tpu.memory_space<vmem>>
      tpu.enqueue_dma source(%dma_start3A_71 : memref<65x128xf32, #tpu.memory_space<vmem>>) target(%dma_start3A_68 : memref<65x128xf32, #tpu.memory_space<vmem_shared>>) target_semaphore(%run_scoped3A : memref<!tpu.dma_semaphore, #tpu.memory_space<semaphore_mem>>)
      %dma_wait3A_72 = arith.constant 0 : i32
      %dma_wait3A_73 = arith.constant 0 : i32
      %dma_wait3A_74 = tpu.memref_slice %arg13[%dma_wait3A_72, %dma_wait3A_73] : memref<80x128xf32, #tpu.memory_space<vmem>> -> memref<65x128xf32, #tpu.memory_space<vmem>>
      %dma_wait3A_75 = arith.constant 0 : i32
      %dma_wait3A_76 = tpu.memref_slice %arg33[%add3A_17, %dma_wait3A_75] : memref<10000x128xf32, #tpu.memory_space<vmem_shared>> -> memref<65x128xf32, #tpu.memory_space<vmem_shared>>
      %dma_wait3A_77 = arith.constant 0 : i32
      %dma_wait3A_78 = tpu.memref_slice %arg33[%add3A_17, %dma_wait3A_77] : memref<10000x128xf32, #tpu.memory_space<vmem_shared>> -> memref<65x128xf32, #tpu.memory_space<vmem_shared>>
      %dma_wait3A_79 = arith.constant 0 : i32
      %dma_wait3A_80 = arith.constant 0 : i32
      %dma_wait3A_81 = tpu.memref_slice %arg13[%dma_wait3A_79, %dma_wait3A_80] : memref<80x128xf32, #tpu.memory_space<vmem>> -> memref<65x128xf32, #tpu.memory_space<vmem>>
      tpu.wait_dma2 semaphore(%run_scoped3A : memref<!tpu.dma_semaphore, #tpu.memory_space<semaphore_mem>>) src(%dma_wait3A_81 : memref<65x128xf32, #tpu.memory_space<vmem>>) dst(%dma_wait3A_78 : memref<65x128xf32, #tpu.memory_space<vmem_shared>>)
      tpu.yield
    }) : () -> ()
    %add3A_18 = arith.constant 560 : i32
    %add3A_19 = arith.addi %mul3A_2, %add3A_18 : i32
    "tpu.region"() ({
      %run_scoped3A = tpu.sem_alloc : memref<!tpu.dma_semaphore, #tpu.memory_space<semaphore_mem>>
      %dma_start3A_62 = arith.constant 0 : i32
      %dma_start3A_63 = arith.constant 0 : i32
      %dma_start3A_64 = tpu.memref_slice %arg16[%dma_start3A_62, %dma_start3A_63] : memref<80x16xf32, #tpu.memory_space<vmem>> -> memref<65x16xf32, #tpu.memory_space<vmem>>
      %dma_start3A_65 = arith.constant 0 : i32
      %dma_start3A_66 = tpu.memref_slice %arg34[%add3A_19, %dma_start3A_65] : memref<10000x16xf32, #tpu.memory_space<vmem_shared>> -> memref<65x16xf32, #tpu.memory_space<vmem_shared>>
      %dma_start3A_67 = arith.constant 0 : i32
      %dma_start3A_68 = tpu.memref_slice %arg34[%add3A_19, %dma_start3A_67] : memref<10000x16xf32, #tpu.memory_space<vmem_shared>> -> memref<65x16xf32, #tpu.memory_space<vmem_shared>>
      %dma_start3A_69 = arith.constant 0 : i32
      %dma_start3A_70 = arith.constant 0 : i32
      %dma_start3A_71 = tpu.memref_slice %arg16[%dma_start3A_69, %dma_start3A_70] : memref<80x16xf32, #tpu.memory_space<vmem>> -> memref<65x16xf32, #tpu.memory_space<vmem>>
      tpu.enqueue_dma source(%dma_start3A_71 : memref<65x16xf32, #tpu.memory_space<vmem>>) target(%dma_start3A_68 : memref<65x16xf32, #tpu.memory_space<vmem_shared>>) target_semaphore(%run_scoped3A : memref<!tpu.dma_semaphore, #tpu.memory_space<semaphore_mem>>)
      %dma_wait3A_72 = arith.constant 0 : i32
      %dma_wait3A_73 = arith.constant 0 : i32
      %dma_wait3A_74 = tpu.memref_slice %arg16[%dma_wait3A_72, %dma_wait3A_73] : memref<80x16xf32, #tpu.memory_space<vmem>> -> memref<65x16xf32, #tpu.memory_space<vmem>>
      %dma_wait3A_75 = arith.constant 0 : i32
      %dma_wait3A_76 = tpu.memref_slice %arg34[%add3A_19, %dma_wait3A_75] : memref<10000x16xf32, #tpu.memory_space<vmem_shared>> -> memref<65x16xf32, #tpu.memory_space<vmem_shared>>
      %dma_wait3A_77 = arith.constant 0 : i32
      %dma_wait3A_78 = tpu.memref_slice %arg34[%add3A_19, %dma_wait3A_77] : memref<10000x16xf32, #tpu.memory_space<vmem_shared>> -> memref<65x16xf32, #tpu.memory_space<vmem_shared>>
      %dma_wait3A_79 = arith.constant 0 : i32
      %dma_wait3A_80 = arith.constant 0 : i32
      %dma_wait3A_81 = tpu.memref_slice %arg16[%dma_wait3A_79, %dma_wait3A_80] : memref<80x16xf32, #tpu.memory_space<vmem>> -> memref<65x16xf32, #tpu.memory_space<vmem>>
      tpu.wait_dma2 semaphore(%run_scoped3A : memref<!tpu.dma_semaphore, #tpu.memory_space<semaphore_mem>>) src(%dma_wait3A_81 : memref<65x16xf32, #tpu.memory_space<vmem>>) dst(%dma_wait3A_78 : memref<65x16xf32, #tpu.memory_space<vmem_shared>>)
      tpu.yield
    }) : () -> ()
    "tpu.region"() ({
      %run_scoped3A = tpu.sem_alloc : memref<!tpu.dma_semaphore, #tpu.memory_space<semaphore_mem>>
      tpu.enqueue_dma source(%arg7 : memref<1x16xf32, #tpu.memory_space<hbm>>) target(%arg24 : memref<1x16xf32, #tpu.memory_space<vmem>>) target_semaphore(%run_scoped3A : memref<!tpu.dma_semaphore, #tpu.memory_space<semaphore_mem>>)
      tpu.wait_dma2 semaphore(%run_scoped3A : memref<!tpu.dma_semaphore, #tpu.memory_space<semaphore_mem>>) src(%arg7 : memref<1x16xf32, #tpu.memory_space<hbm>>) dst(%arg24 : memref<1x16xf32, #tpu.memory_space<vmem>>)
      tpu.yield
    }) : () -> ()
    %barrier3A = arith.constant 0 : index
    tpu.barrier barrier_id(%barrier3A)
    %get3A = arith.constant 0 : i32
    %get3A_20 = arith.index_cast %get3A : i32 to index
    %get3A_21 = arith.constant 0 : index
    %get3A_22 = tpu.vector_load %arg24[%get3A_20, %get3A_21] {strides = array<i32>} : memref<1x16xf32, #tpu.memory_space<vmem>>, vector<16xf32>,
    %iota3A = tpu.iota {dimensions = array<i32: 0>} : vector<16xi32>
    %shift_right_logical3A = arith.constant 2 : i32
    %shift_right_logical3A_23 = vector.broadcast %shift_right_logical3A : i32 to vector<16xi32>
    %shift_right_logical3A_24 = arith.shrui %iota3A, %shift_right_logical3A_23 : vector<16xi32>
    %and3A = arith.constant 3 : i32
    %and3A_25 = vector.broadcast %and3A : i32 to vector<16xi32>
    %and3A_26 = arith.andi %iota3A, %and3A_25 : vector<16xi32>
    %mul3A_27 = arith.constant 10000 : i32
    %mul3A_28 = arith.muli %add3A, %mul3A_27 : i32
    "tpu.region"() ({
      %run_scoped3A = tpu.sem_alloc : memref<!tpu.dma_semaphore, #tpu.memory_space<semaphore_mem>>
      %dma_start3A_62 = tpu.memref_slice %arg3[%mul3A_28] : memref<320000xi32, #tpu.memory_space<hbm>> -> memref<80xi32, #tpu.memory_space<hbm>>
      %dma_start3A_63 = tpu.memref_slice %arg3[%mul3A_28] : memref<320000xi32, #tpu.memory_space<hbm>> -> memref<80xi32, #tpu.memory_space<hbm>>
      tpu.enqueue_dma source(%dma_start3A_63 : memref<80xi32, #tpu.memory_space<hbm>>) target(%arg10 : memref<80xi32, #tpu.memory_space<vmem>>) target_semaphore(%run_scoped3A : memref<!tpu.dma_semaphore, #tpu.memory_space<semaphore_mem>>)
      %dma_wait3A_64 = tpu.memref_slice %arg3[%mul3A_28] : memref<320000xi32, #tpu.memory_space<hbm>> -> memref<80xi32, #tpu.memory_space<hbm>>
      %dma_wait3A_65 = tpu.memref_slice %arg3[%mul3A_28] : memref<320000xi32, #tpu.memory_space<hbm>> -> memref<80xi32, #tpu.memory_space<hbm>>
      tpu.wait_dma2 semaphore(%run_scoped3A : memref<!tpu.dma_semaphore, #tpu.memory_space<semaphore_mem>>) src(%dma_wait3A_65 : memref<80xi32, #tpu.memory_space<hbm>>) dst(%arg10 : memref<80xi32, #tpu.memory_space<vmem>>)
      tpu.yield
    }) : () -> ()
    "tpu.region"() ({
      %run_scoped3A = tpu.sem_alloc : memref<!tpu.dma_semaphore, #tpu.memory_space<semaphore_mem>>
      %dma_start3A_62 = tpu.memref_slice %arg4[%mul3A_28] : memref<320000xi32, #tpu.memory_space<hbm>> -> memref<80xi32, #tpu.memory_space<hbm>>
      %dma_start3A_63 = tpu.memref_slice %arg4[%mul3A_28] : memref<320000xi32, #tpu.memory_space<hbm>> -> memref<80xi32, #tpu.memory_space<hbm>>
      tpu.enqueue_dma source(%dma_start3A_63 : memref<80xi32, #tpu.memory_space<hbm>>) target(%arg11 : memref<80xi32, #tpu.memory_space<vmem>>) target_semaphore(%run_scoped3A : memref<!tpu.dma_semaphore, #tpu.memory_space<semaphore_mem>>)
      %dma_wait3A_64 = tpu.memref_slice %arg4[%mul3A_28] : memref<320000xi32, #tpu.memory_space<hbm>> -> memref<80xi32, #tpu.memory_space<hbm>>
      %dma_wait3A_65 = tpu.memref_slice %arg4[%mul3A_28] : memref<320000xi32, #tpu.memory_space<hbm>> -> memref<80xi32, #tpu.memory_space<hbm>>
      tpu.wait_dma2 semaphore(%run_scoped3A : memref<!tpu.dma_semaphore, #tpu.memory_space<semaphore_mem>>) src(%dma_wait3A_65 : memref<80xi32, #tpu.memory_space<hbm>>) dst(%arg11 : memref<80xi32, #tpu.memory_space<vmem>>)
      tpu.yield
    }) : () -> ()
    %dma_start3A = arith.constant 0 : i32
    %dma_start3A_29 = arith.constant 0 : i32
    %dma_start3A_30 = tpu.memref_slice %arg5[%dma_start3A, %dma_start3A_29] : memref<10000x16xf32, #tpu.memory_space<hbm>> -> memref<10000x16xf32, #tpu.memory_space<hbm>>
    tpu.enqueue_indirect_dma source(%dma_start3A_30 : memref<10000x16xf32, #tpu.memory_space<hbm>>) target(%arg14 : memref<80x16xf32, #tpu.memory_space<vmem>>) offsets(%arg10 : memref<80xi32, #tpu.memory_space<vmem>>) semaphore(%arg26 : memref<!tpu.dma_semaphore, #tpu.memory_space<semaphore_mem>>)
    %dma_start3A_31 = arith.constant 0 : i32
    %dma_start3A_32 = arith.constant 0 : i32
    %dma_start3A_33 = tpu.memref_slice %arg6[%dma_start3A_31, %dma_start3A_32] : memref<10000x16xf32, #tpu.memory_space<hbm>> -> memref<10000x16xf32, #tpu.memory_space<hbm>>
    tpu.enqueue_indirect_dma source(%dma_start3A_33 : memref<10000x16xf32, #tpu.memory_space<hbm>>) target(%arg15 : memref<80x16xf32, #tpu.memory_space<vmem>>) offsets(%arg11 : memref<80xi32, #tpu.memory_space<vmem>>) semaphore(%arg26 : memref<!tpu.dma_semaphore, #tpu.memory_space<semaphore_mem>>)
    %dma_start3A_34 = arith.constant 0 : i32
    %dma_start3A_35 = arith.constant 0 : i32
    %dma_start3A_36 = tpu.memref_slice %arg2[%dma_start3A_34, %dma_start3A_35] : memref<10000x128xf32, #tpu.memory_space<hbm>> -> memref<10000x128xf32, #tpu.memory_space<hbm>>
    tpu.enqueue_indirect_dma source(%dma_start3A_36 : memref<10000x128xf32, #tpu.memory_space<hbm>>) target(%arg13 : memref<80x128xf32, #tpu.memory_space<vmem>>) offsets(%arg10 : memref<80xi32, #tpu.memory_space<vmem>>) semaphore(%arg27 : memref<!tpu.dma_semaphore, #tpu.memory_space<semaphore_mem>>)
    %add3A_37 = arith.constant 80 : i32
    %add3A_38 = arith.addi %mul3A_28, %add3A_37 : i32
    %dma_start3A_39 = tpu.memref_slice %arg3[%add3A_38] : memref<320000xi32, #tpu.memory_space<hbm>> -> memref<80xi32, #tpu.memory_space<hbm>>
    %dma_start3A_40 = tpu.memref_slice %arg3[%add3A_38] : memref<320000xi32, #tpu.memory_space<hbm>> -> memref<80xi32, #tpu.memory_space<hbm>>
    tpu.enqueue_dma source(%dma_start3A_40 : memref<80xi32, #tpu.memory_space<hbm>>) target(%arg17 : memref<80xi32, #tpu.memory_space<vmem>>) target_semaphore(%arg29 : memref<!tpu.dma_semaphore, #tpu.memory_space<semaphore_mem>>)
    %dma_start3A_41 = tpu.memref_slice %arg4[%add3A_38] : memref<320000xi32, #tpu.memory_space<hbm>> -> memref<80xi32, #tpu.memory_space<hbm>>
    %dma_start3A_42 = tpu.memref_slice %arg4[%add3A_38] : memref<320000xi32, #tpu.memory_space<hbm>> -> memref<80xi32, #tpu.memory_space<hbm>>
    tpu.enqueue_dma source(%dma_start3A_42 : memref<80xi32, #tpu.memory_space<hbm>>) target(%arg18 : memref<80xi32, #tpu.memory_space<vmem>>) target_semaphore(%arg29 : memref<!tpu.dma_semaphore, #tpu.memory_space<semaphore_mem>>)
    %scan3A_43 = arith.constant 0 : i32
    %scan3A_44 = arith.constant 0 : i32
    %scan3A_45 = arith.constant 63 : i32
    %scan3A_46 = arith.addi %scan3A_44, %scan3A_45 : i32
    %scan3A_47 = arith.constant 1 : i32
    %scan3A_48 = scf.for %scan3A_62 = %scan3A_44 to %scan3A_46 step %scan3A_47 iter_args(%scan3A_63 = %scan3A_43) -> (i32)  : i32 {
      %mul3A_64 = arith.constant 2 : i32
      %mul3A_65 = arith.muli %mul3A_64, %scan3A_62 : i32
      %add3A_66 = arith.constant 0 : i32
      %add3A_67 = arith.addi %mul3A_65, %add3A_66 : i32
      %lt3A = arith.constant 125 : i32
      %lt3A_68 = arith.cmpi slt, %add3A_67, %lt3A : i32
      %convert_element_type3A = arith.extui %lt3A_68 : i1 to i32
      %cond3A = arith.constant 0 : i32
      %cond3A_69 = arith.cmpi ne, %convert_element_type3A, %cond3A : i32
      scf.if %cond3A_69 {
        %dma_wait3A_80 = arith.constant 0 : i32
        %dma_wait3A_81 = arith.constant 0 : i32
        %dma_wait3A_82 = tpu.memref_slice %arg5[%dma_wait3A_80, %dma_wait3A_81] : memref<10000x16xf32, #tpu.memory_space<hbm>> -> memref<80x16xf32, #tpu.memory_space<hbm>>
        %dma_wait3A_83 = arith.constant 0 : i32
        %dma_wait3A_84 = arith.constant 0 : i32
        %dma_wait3A_85 = tpu.memref_slice %arg5[%dma_wait3A_83, %dma_wait3A_84] : memref<10000x16xf32, #tpu.memory_space<hbm>> -> memref<80x16xf32, #tpu.memory_space<hbm>>
        tpu.wait_dma2 semaphore(%arg26 : memref<!tpu.dma_semaphore, #tpu.memory_space<semaphore_mem>>) src(%dma_wait3A_85 : memref<80x16xf32, #tpu.memory_space<hbm>>) dst(%arg14 : memref<80x16xf32, #tpu.memory_space<vmem>>)
        %dma_wait3A_86 = arith.constant 0 : i32
        %dma_wait3A_87 = arith.constant 0 : i32
        %dma_wait3A_88 = tpu.memref_slice %arg6[%dma_wait3A_86, %dma_wait3A_87] : memref<10000x16xf32, #tpu.memory_space<hbm>> -> memref<80x16xf32, #tpu.memory_space<hbm>>
        %dma_wait3A_89 = arith.constant 0 : i32
        %dma_wait3A_90 = arith.constant 0 : i32
        %dma_wait3A_91 = tpu.memref_slice %arg6[%dma_wait3A_89, %dma_wait3A_90] : memref<10000x16xf32, #tpu.memory_space<hbm>> -> memref<80x16xf32, #tpu.memory_space<hbm>>
        tpu.wait_dma2 semaphore(%arg26 : memref<!tpu.dma_semaphore, #tpu.memory_space<semaphore_mem>>) src(%dma_wait3A_91 : memref<80x16xf32, #tpu.memory_space<hbm>>) dst(%arg15 : memref<80x16xf32, #tpu.memory_space<vmem>>)
        %scan3A_92 = arith.constant 0 : i32
        %scan3A_93 = arith.constant 20 : i32
        %scan3A_94 = arith.addi %scan3A_92, %scan3A_93 : i32
        %scan3A_95 = arith.constant 1 : i32
        %scan3A_96 = scf.for %scan3A_142 = %scan3A_92 to %scan3A_94 step %scan3A_95 iter_args(%scan3A_143 = %shift_right_logical3A_24) -> (vector<16xi32>)  : i32 {
          %gather3A = tpu.vector_load_idx %arg14[%scan3A_143, %and3A_26] : memref<80x16xf32, #tpu.memory_space<vmem>>[vector<16xi32>, vector<16xi32>], vector<16xf32>,
          %gather3A_144 = tpu.vector_load_idx %arg15[%scan3A_143, %and3A_26] : memref<80x16xf32, #tpu.memory_space<vmem>>[vector<16xi32>, vector<16xi32>], vector<16xf32>,
          %add3A_145 = arith.addf %gather3A, %gather3A_144 : vector<16xf32>
          %mul3A_146 = arith.constant 2.000000e-01 : f32
          %mul3A_147 = vector.broadcast %mul3A_146 : f32 to vector<16xf32>
          %mul3A_148 = arith.mulf %mul3A_147, %add3A_145 : vector<16xf32>
          %max3A = arith.maximumf %add3A_145, %mul3A_148 : vector<16xf32>
          %add3A_149 = arith.addf %get3A_22, %gather3A_144 : vector<16xf32>
          %mul3A_150 = arith.constant 2.000000e-01 : f32
          %mul3A_151 = vector.broadcast %mul3A_150 : f32 to vector<16xf32>
          %mul3A_152 = arith.mulf %mul3A_151, %add3A_149 : vector<16xf32>
          %max3A_153 = arith.maximumf %add3A_149, %mul3A_152 : vector<16xf32>
          %sub3A = arith.subf %max3A, %max3A_153 : vector<16xf32>
          %exp3A = math.exp %sub3A : vector<16xf32>
          tpu.vector_store_idx %arg16[%scan3A_143, %and3A_26], %exp3A : memref<80x16xf32, #tpu.memory_space<vmem>>[vector<16xi32>, vector<16xi32>], vector<16xf32>,
          %add3A_154 = arith.constant 4 : i32
          %add3A_155 = vector.broadcast %add3A_154 : i32 to vector<16xi32>
          %add3A_156 = arith.addi %scan3A_143, %add3A_155 : vector<16xi32>
          scf.yield %add3A_156 : vector<16xi32>
        }
        %scan3A_97 = arith.constant 20 : i32
        %dma_wait3A_98 = arith.constant 0 : i32
        %dma_wait3A_99 = arith.constant 0 : i32
        %dma_wait3A_100 = tpu.memref_slice %arg2[%dma_wait3A_98, %dma_wait3A_99] : memref<10000x128xf32, #tpu.memory_space<hbm>> -> memref<80x128xf32, #tpu.memory_space<hbm>>
        %dma_wait3A_101 = arith.constant 0 : i32
        %dma_wait3A_102 = arith.constant 0 : i32
        %dma_wait3A_103 = tpu.memref_slice %arg2[%dma_wait3A_101, %dma_wait3A_102] : memref<10000x128xf32, #tpu.memory_space<hbm>> -> memref<80x128xf32, #tpu.memory_space<hbm>>
        tpu.wait_dma2 semaphore(%arg27 : memref<!tpu.dma_semaphore, #tpu.memory_space<semaphore_mem>>) src(%dma_wait3A_103 : memref<80x128xf32, #tpu.memory_space<hbm>>) dst(%arg13 : memref<80x128xf32, #tpu.memory_space<vmem>>)
        %gt3A = arith.constant 0 : i32
        %gt3A_104 = arith.cmpi sgt, %add3A_67, %gt3A : i32
        %convert_element_type3A_105 = arith.extui %gt3A_104 : i1 to i32
        %cond3A_106 = arith.constant 0 : i32
        %cond3A_107 = arith.cmpi ne, %convert_element_type3A_105, %cond3A_106 : i32
        scf.if %cond3A_107 {
          %dma_wait3A_142 = arith.constant 0 : i32
          %dma_wait3A_143 = arith.constant 0 : i32
          %dma_wait3A_144 = tpu.memref_slice %arg33[%dma_wait3A_142, %dma_wait3A_143] : memref<10000x128xf32, #tpu.memory_space<vmem_shared>> -> memref<80x128xf32, #tpu.memory_space<vmem_shared>>
          %dma_wait3A_145 = arith.constant 0 : i32
          %dma_wait3A_146 = arith.constant 0 : i32
          %dma_wait3A_147 = tpu.memref_slice %arg33[%dma_wait3A_145, %dma_wait3A_146] : memref<10000x128xf32, #tpu.memory_space<vmem_shared>> -> memref<80x128xf32, #tpu.memory_space<vmem_shared>>
          tpu.wait_dma2 semaphore(%arg32 : memref<!tpu.dma_semaphore, #tpu.memory_space<semaphore_mem>>) src(%arg20 : memref<80x128xf32, #tpu.memory_space<vmem>>) dst(%dma_wait3A_147 : memref<80x128xf32, #tpu.memory_space<vmem_shared>>)
          %dma_wait3A_148 = arith.constant 0 : i32
          %dma_wait3A_149 = arith.constant 0 : i32
          %dma_wait3A_150 = tpu.memref_slice %arg34[%dma_wait3A_148, %dma_wait3A_149] : memref<10000x16xf32, #tpu.memory_space<vmem_shared>> -> memref<80x16xf32, #tpu.memory_space<vmem_shared>>
          %dma_wait3A_151 = arith.constant 0 : i32
          %dma_wait3A_152 = arith.constant 0 : i32
          %dma_wait3A_153 = tpu.memref_slice %arg34[%dma_wait3A_151, %dma_wait3A_152] : memref<10000x16xf32, #tpu.memory_space<vmem_shared>> -> memref<80x16xf32, #tpu.memory_space<vmem_shared>>
          tpu.wait_dma2 semaphore(%arg32 : memref<!tpu.dma_semaphore, #tpu.memory_space<semaphore_mem>>) src(%arg23 : memref<80x16xf32, #tpu.memory_space<vmem>>) dst(%dma_wait3A_153 : memref<80x16xf32, #tpu.memory_space<vmem_shared>>)
        } else {
        }
        %add3A_108 = arith.constant 1 : i32
        %add3A_109 = arith.addi %add3A_67, %add3A_108 : i32
        %lt3A_110 = arith.constant 125 : i32
        %lt3A_111 = arith.cmpi slt, %add3A_109, %lt3A_110 : i32
        %convert_element_type3A_112 = arith.extui %lt3A_111 : i1 to i32
        %cond3A_113 = arith.constant 0 : i32
        %cond3A_114 = arith.cmpi ne, %convert_element_type3A_112, %cond3A_113 : i32
        scf.if %cond3A_114 {
          %dma_wait3A_142 = arith.constant 0 : i32
          %dma_wait3A_143 = tpu.memref_slice %arg3[%dma_wait3A_142] : memref<320000xi32, #tpu.memory_space<hbm>> -> memref<80xi32, #tpu.memory_space<hbm>>
          %dma_wait3A_144 = arith.constant 0 : i32
          %dma_wait3A_145 = tpu.memref_slice %arg3[%dma_wait3A_144] : memref<320000xi32, #tpu.memory_space<hbm>> -> memref<80xi32, #tpu.memory_space<hbm>>
          tpu.wait_dma2 semaphore(%arg29 : memref<!tpu.dma_semaphore, #tpu.memory_space<semaphore_mem>>) src(%dma_wait3A_145 : memref<80xi32, #tpu.memory_space<hbm>>) dst(%arg17 : memref<80xi32, #tpu.memory_space<vmem>>)
          %dma_wait3A_146 = arith.constant 0 : i32
          %dma_wait3A_147 = tpu.memref_slice %arg4[%dma_wait3A_146] : memref<320000xi32, #tpu.memory_space<hbm>> -> memref<80xi32, #tpu.memory_space<hbm>>
          %dma_wait3A_148 = arith.constant 0 : i32
          %dma_wait3A_149 = tpu.memref_slice %arg4[%dma_wait3A_148] : memref<320000xi32, #tpu.memory_space<hbm>> -> memref<80xi32, #tpu.memory_space<hbm>>
          tpu.wait_dma2 semaphore(%arg29 : memref<!tpu.dma_semaphore, #tpu.memory_space<semaphore_mem>>) src(%dma_wait3A_149 : memref<80xi32, #tpu.memory_space<hbm>>) dst(%arg18 : memref<80xi32, #tpu.memory_space<vmem>>)
          %dma_start3A_150 = arith.constant 0 : i32
          %dma_start3A_151 = arith.constant 0 : i32
          %dma_start3A_152 = tpu.memref_slice %arg5[%dma_start3A_150, %dma_start3A_151] : memref<10000x16xf32, #tpu.memory_space<hbm>> -> memref<10000x16xf32, #tpu.memory_space<hbm>>
          tpu.enqueue_indirect_dma source(%dma_start3A_152 : memref<10000x16xf32, #tpu.memory_space<hbm>>) target(%arg21 : memref<80x16xf32, #tpu.memory_space<vmem>>) offsets(%arg17 : memref<80xi32, #tpu.memory_space<vmem>>) semaphore(%arg30 : memref<!tpu.dma_semaphore, #tpu.memory_space<semaphore_mem>>)
          %dma_start3A_153 = arith.constant 0 : i32
          %dma_start3A_154 = arith.constant 0 : i32
          %dma_start3A_155 = tpu.memref_slice %arg6[%dma_start3A_153, %dma_start3A_154] : memref<10000x16xf32, #tpu.memory_space<hbm>> -> memref<10000x16xf32, #tpu.memory_space<hbm>>
          tpu.enqueue_indirect_dma source(%dma_start3A_155 : memref<10000x16xf32, #tpu.memory_space<hbm>>) target(%arg22 : memref<80x16xf32, #tpu.memory_space<vmem>>) offsets(%arg18 : memref<80xi32, #tpu.memory_space<vmem>>) semaphore(%arg30 : memref<!tpu.dma_semaphore, #tpu.memory_space<semaphore_mem>>)
          %dma_start3A_156 = arith.constant 0 : i32
          %dma_start3A_157 = arith.constant 0 : i32
          %dma_start3A_158 = tpu.memref_slice %arg2[%dma_start3A_156, %dma_start3A_157] : memref<10000x128xf32, #tpu.memory_space<hbm>> -> memref<10000x128xf32, #tpu.memory_space<hbm>>
          tpu.enqueue_indirect_dma source(%dma_start3A_158 : memref<10000x128xf32, #tpu.memory_space<hbm>>) target(%arg20 : memref<80x128xf32, #tpu.memory_space<vmem>>) offsets(%arg17 : memref<80xi32, #tpu.memory_space<vmem>>) semaphore(%arg31 : memref<!tpu.dma_semaphore, #tpu.memory_space<semaphore_mem>>)
        } else {
        }
        %scan3A_115 = arith.constant 0 : i32
        %scan3A_116 = arith.constant 0 : i32
        %scan3A_117 = arith.constant 40 : i32
        %scan3A_118 = arith.addi %scan3A_116, %scan3A_117 : i32
        %scan3A_119 = arith.constant 1 : i32
        %scan3A_120 = scf.for %scan3A_142 = %scan3A_116 to %scan3A_118 step %scan3A_119 iter_args(%scan3A_143 = %scan3A_115) -> (i32)  : i32 {
          %mul3A_144 = arith.constant 2 : i32
          %mul3A_145 = arith.muli %mul3A_144, %scan3A_142 : i32
          %add3A_146 = arith.constant 0 : i32
          %add3A_147 = arith.addi %mul3A_145, %add3A_146 : i32
          %broadcast_in_dim3A = vector.broadcast %add3A_147 : i32 to vector<16xi32>
          %broadcast_in_dim3A_148 = arith.constant 0 : i32
          %broadcast_in_dim3A_149 = vector.broadcast %broadcast_in_dim3A_148 : i32 to vector<16xi32>
          %gather3A = tpu.vector_load_idx %arg16[%broadcast_in_dim3A, %broadcast_in_dim3A_149] : memref<80x16xf32, #tpu.memory_space<vmem>>[vector<16xi32>, vector<16xi32>], vector<16xf32>,
          %get3A_150 = arith.index_cast %add3A_147 : i32 to index
          %get3A_151 = arith.constant 0 : index
          %get3A_152 = tpu.vector_load %arg13[%get3A_150, %get3A_151] {strides = array<i32>} : memref<80x128xf32, #tpu.memory_space<vmem>>, vector<16xf32>,
          %mul3A_153 = arith.mulf %get3A_152, %gather3A : vector<16xf32>
          %swap3A = arith.index_cast %add3A_147 : i32 to index
          %swap3A_154 = arith.constant 0 : index
          %swap3A_155 = tpu.vector_load %arg13[%swap3A, %swap3A_154] {strides = array<i32>} : memref<80x128xf32, #tpu.memory_space<vmem>>, vector<16xf32>,
          tpu.vector_store %arg13[%swap3A, %swap3A_154], %mul3A_153 {strides = array<i32>} : memref<80x128xf32, #tpu.memory_space<vmem>>, vector<16xf32>,
          %get3A_156 = arith.index_cast %add3A_147 : i32 to index
          %get3A_157 = arith.constant 16 : index
          %get3A_158 = tpu.vector_load %arg13[%get3A_156, %get3A_157] {strides = array<i32>} : memref<80x128xf32, #tpu.memory_space<vmem>>, vector<16xf32>,
          %mul3A_159 = arith.mulf %get3A_158, %gather3A : vector<16xf32>
          %swap3A_160 = arith.index_cast %add3A_147 : i32 to index
          %swap3A_161 = arith.constant 16 : index
          %swap3A_162 = tpu.vector_load %arg13[%swap3A_160, %swap3A_161] {strides = array<i32>} : memref<80x128xf32, #tpu.memory_space<vmem>>, vector<16xf32>,
          tpu.vector_store %arg13[%swap3A_160, %swap3A_161], %mul3A_159 {strides = array<i32>} : memref<80x128xf32, #tpu.memory_space<vmem>>, vector<16xf32>,
          %broadcast_in_dim3A_163 = vector.broadcast %add3A_147 : i32 to vector<16xi32>
          %broadcast_in_dim3A_164 = arith.constant 1 : i32
          %broadcast_in_dim3A_165 = vector.broadcast %broadcast_in_dim3A_164 : i32 to vector<16xi32>
          %gather3A_166 = tpu.vector_load_idx %arg16[%broadcast_in_dim3A_163, %broadcast_in_dim3A_165] : memref<80x16xf32, #tpu.memory_space<vmem>>[vector<16xi32>, vector<16xi32>], vector<16xf32>,
          %get3A_167 = arith.index_cast %add3A_147 : i32 to index
          %get3A_168 = arith.constant 32 : index
          %get3A_169 = tpu.vector_load %arg13[%get3A_167, %get3A_168] {strides = array<i32>} : memref<80x128xf32, #tpu.memory_space<vmem>>, vector<16xf32>,
          %mul3A_170 = arith.mulf %get3A_169, %gather3A_166 : vector<16xf32>
          %swap3A_171 = arith.index_cast %add3A_147 : i32 to index
          %swap3A_172 = arith.constant 32 : index
          %swap3A_173 = tpu.vector_load %arg13[%swap3A_171, %swap3A_172] {strides = array<i32>} : memref<80x128xf32, #tpu.memory_space<vmem>>, vector<16xf32>,
          tpu.vector_store %arg13[%swap3A_171, %swap3A_172], %mul3A_170 {strides = array<i32>} : memref<80x128xf32, #tpu.memory_space<vmem>>, vector<16xf32>,
          %get3A_174 = arith.index_cast %add3A_147 : i32 to index
          %get3A_175 = arith.constant 48 : index
          %get3A_176 = tpu.vector_load %arg13[%get3A_174, %get3A_175] {strides = array<i32>} : memref<80x128xf32, #tpu.memory_space<vmem>>, vector<16xf32>,
          %mul3A_177 = arith.mulf %get3A_176, %gather3A_166 : vector<16xf32>
          %swap3A_178 = arith.index_cast %add3A_147 : i32 to index
          %swap3A_179 = arith.constant 48 : index
          %swap3A_180 = tpu.vector_load %arg13[%swap3A_178, %swap3A_179] {strides = array<i32>} : memref<80x128xf32, #tpu.memory_space<vmem>>, vector<16xf32>,
          tpu.vector_store %arg13[%swap3A_178, %swap3A_179], %mul3A_177 {strides = array<i32>} : memref<80x128xf32, #tpu.memory_space<vmem>>, vector<16xf32>,
          %broadcast_in_dim3A_181 = vector.broadcast %add3A_147 : i32 to vector<16xi32>
          %broadcast_in_dim3A_182 = arith.constant 2 : i32
          %broadcast_in_dim3A_183 = vector.broadcast %broadcast_in_dim3A_182 : i32 to vector<16xi32>
          %gather3A_184 = tpu.vector_load_idx %arg16[%broadcast_in_dim3A_181, %broadcast_in_dim3A_183] : memref<80x16xf32, #tpu.memory_space<vmem>>[vector<16xi32>, vector<16xi32>], vector<16xf32>,
          %get3A_185 = arith.index_cast %add3A_147 : i32 to index
          %get3A_186 = arith.constant 64 : index
          %get3A_187 = tpu.vector_load %arg13[%get3A_185, %get3A_186] {strides = array<i32>} : memref<80x128xf32, #tpu.memory_space<vmem>>, vector<16xf32>,
          %mul3A_188 = arith.mulf %get3A_187, %gather3A_184 : vector<16xf32>
          %swap3A_189 = arith.index_cast %add3A_147 : i32 to index
          %swap3A_190 = arith.constant 64 : index
          %swap3A_191 = tpu.vector_load %arg13[%swap3A_189, %swap3A_190] {strides = array<i32>} : memref<80x128xf32, #tpu.memory_space<vmem>>, vector<16xf32>,
          tpu.vector_store %arg13[%swap3A_189, %swap3A_190], %mul3A_188 {strides = array<i32>} : memref<80x128xf32, #tpu.memory_space<vmem>>, vector<16xf32>,
          %get3A_192 = arith.index_cast %add3A_147 : i32 to index
          %get3A_193 = arith.constant 80 : index
          %get3A_194 = tpu.vector_load %arg13[%get3A_192, %get3A_193] {strides = array<i32>} : memref<80x128xf32, #tpu.memory_space<vmem>>, vector<16xf32>,
          %mul3A_195 = arith.mulf %get3A_194, %gather3A_184 : vector<16xf32>
          %swap3A_196 = arith.index_cast %add3A_147 : i32 to index
          %swap3A_197 = arith.constant 80 : index
          %swap3A_198 = tpu.vector_load %arg13[%swap3A_196, %swap3A_197] {strides = array<i32>} : memref<80x128xf32, #tpu.memory_space<vmem>>, vector<16xf32>,
          tpu.vector_store %arg13[%swap3A_196, %swap3A_197], %mul3A_195 {strides = array<i32>} : memref<80x128xf32, #tpu.memory_space<vmem>>, vector<16xf32>,
          %broadcast_in_dim3A_199 = vector.broadcast %add3A_147 : i32 to vector<16xi32>
          %broadcast_in_dim3A_200 = arith.constant 3 : i32
          %broadcast_in_dim3A_201 = vector.broadcast %broadcast_in_dim3A_200 : i32 to vector<16xi32>
          %gather3A_202 = tpu.vector_load_idx %arg16[%broadcast_in_dim3A_199, %broadcast_in_dim3A_201] : memref<80x16xf32, #tpu.memory_space<vmem>>[vector<16xi32>, vector<16xi32>], vector<16xf32>,
          %get3A_203 = arith.index_cast %add3A_147 : i32 to index
          %get3A_204 = arith.constant 96 : index
          %get3A_205 = tpu.vector_load %arg13[%get3A_203, %get3A_204] {strides = array<i32>} : memref<80x128xf32, #tpu.memory_space<vmem>>, vector<16xf32>,
          %mul3A_206 = arith.mulf %get3A_205, %gather3A_202 : vector<16xf32>
          %swap3A_207 = arith.index_cast %add3A_147 : i32 to index
          %swap3A_208 = arith.constant 96 : index
          %swap3A_209 = tpu.vector_load %arg13[%swap3A_207, %swap3A_208] {strides = array<i32>} : memref<80x128xf32, #tpu.memory_space<vmem>>, vector<16xf32>,
          tpu.vector_store %arg13[%swap3A_207, %swap3A_208], %mul3A_206 {strides = array<i32>} : memref<80x128xf32, #tpu.memory_space<vmem>>, vector<16xf32>,
          %get3A_210 = arith.index_cast %add3A_147 : i32 to index
          %get3A_211 = arith.constant 112 : index
          %get3A_212 = tpu.vector_load %arg13[%get3A_210, %get3A_211] {strides = array<i32>} : memref<80x128xf32, #tpu.memory_space<vmem>>, vector<16xf32>,
          %mul3A_213 = arith.mulf %get3A_212, %gather3A_202 : vector<16xf32>
          %swap3A_214 = arith.index_cast %add3A_147 : i32 to index
          %swap3A_215 = arith.constant 112 : index
          %swap3A_216 = tpu.vector_load %arg13[%swap3A_214, %swap3A_215] {strides = array<i32>} : memref<80x128xf32, #tpu.memory_space<vmem>>, vector<16xf32>,
          tpu.vector_store %arg13[%swap3A_214, %swap3A_215], %mul3A_213 {strides = array<i32>} : memref<80x128xf32, #tpu.memory_space<vmem>>, vector<16xf32>,
          %mul3A_217 = arith.constant 2 : i32
          %mul3A_218 = arith.muli %mul3A_217, %scan3A_142 : i32
          %add3A_219 = arith.constant 1 : i32
          %add3A_220 = arith.addi %mul3A_218, %add3A_219 : i32
          %broadcast_in_dim3A_221 = vector.broadcast %add3A_220 : i32 to vector<16xi32>
          %broadcast_in_dim3A_222 = arith.constant 0 : i32
          %broadcast_in_dim3A_223 = vector.broadcast %broadcast_in_dim3A_222 : i32 to vector<16xi32>
          %gather3A_224 = tpu.vector_load_idx %arg16[%broadcast_in_dim3A_221, %broadcast_in_dim3A_223] : memref<80x16xf32, #tpu.memory_space<vmem>>[vector<16xi32>, vector<16xi32>], vector<16xf32>,
          %get3A_225 = arith.index_cast %add3A_220 : i32 to index
          %get3A_226 = arith.constant 0 : index
          %get3A_227 = tpu.vector_load %arg13[%get3A_225, %get3A_226] {strides = array<i32>} : memref<80x128xf32, #tpu.memory_space<vmem>>, vector<16xf32>,
          %mul3A_228 = arith.mulf %get3A_227, %gather3A_224 : vector<16xf32>
          %swap3A_229 = arith.index_cast %add3A_220 : i32 to index
          %swap3A_230 = arith.constant 0 : index
          %swap3A_231 = tpu.vector_load %arg13[%swap3A_229, %swap3A_230] {strides = array<i32>} : memref<80x128xf32, #tpu.memory_space<vmem>>, vector<16xf32>,
          tpu.vector_store %arg13[%swap3A_229, %swap3A_230], %mul3A_228 {strides = array<i32>} : memref<80x128xf32, #tpu.memory_space<vmem>>, vector<16xf32>,
          %get3A_232 = arith.index_cast %add3A_220 : i32 to index
          %get3A_233 = arith.constant 16 : index
          %get3A_234 = tpu.vector_load %arg13[%get3A_232, %get3A_233] {strides = array<i32>} : memref<80x128xf32, #tpu.memory_space<vmem>>, vector<16xf32>,
          %mul3A_235 = arith.mulf %get3A_234, %gather3A_224 : vector<16xf32>
          %swap3A_236 = arith.index_cast %add3A_220 : i32 to index
          %swap3A_237 = arith.constant 16 : index
          %swap3A_238 = tpu.vector_load %arg13[%swap3A_236, %swap3A_237] {strides = array<i32>} : memref<80x128xf32, #tpu.memory_space<vmem>>, vector<16xf32>,
          tpu.vector_store %arg13[%swap3A_236, %swap3A_237], %mul3A_235 {strides = array<i32>} : memref<80x128xf32, #tpu.memory_space<vmem>>, vector<16xf32>,
          %broadcast_in_dim3A_239 = vector.broadcast %add3A_220 : i32 to vector<16xi32>
          %broadcast_in_dim3A_240 = arith.constant 1 : i32
          %broadcast_in_dim3A_241 = vector.broadcast %broadcast_in_dim3A_240 : i32 to vector<16xi32>
          %gather3A_242 = tpu.vector_load_idx %arg16[%broadcast_in_dim3A_239, %broadcast_in_dim3A_241] : memref<80x16xf32, #tpu.memory_space<vmem>>[vector<16xi32>, vector<16xi32>], vector<16xf32>,
          %get3A_243 = arith.index_cast %add3A_220 : i32 to index
          %get3A_244 = arith.constant 32 : index
          %get3A_245 = tpu.vector_load %arg13[%get3A_243, %get3A_244] {strides = array<i32>} : memref<80x128xf32, #tpu.memory_space<vmem>>, vector<16xf32>,
          %mul3A_246 = arith.mulf %get3A_245, %gather3A_242 : vector<16xf32>
          %swap3A_247 = arith.index_cast %add3A_220 : i32 to index
          %swap3A_248 = arith.constant 32 : index
          %swap3A_249 = tpu.vector_load %arg13[%swap3A_247, %swap3A_248] {strides = array<i32>} : memref<80x128xf32, #tpu.memory_space<vmem>>, vector<16xf32>,
          tpu.vector_store %arg13[%swap3A_247, %swap3A_248], %mul3A_246 {strides = array<i32>} : memref<80x128xf32, #tpu.memory_space<vmem>>, vector<16xf32>,
          %get3A_250 = arith.index_cast %add3A_220 : i32 to index
          %get3A_251 = arith.constant 48 : index
          %get3A_252 = tpu.vector_load %arg13[%get3A_250, %get3A_251] {strides = array<i32>} : memref<80x128xf32, #tpu.memory_space<vmem>>, vector<16xf32>,
          %mul3A_253 = arith.mulf %get3A_252, %gather3A_242 : vector<16xf32>
          %swap3A_254 = arith.index_cast %add3A_220 : i32 to index
          %swap3A_255 = arith.constant 48 : index
          %swap3A_256 = tpu.vector_load %arg13[%swap3A_254, %swap3A_255] {strides = array<i32>} : memref<80x128xf32, #tpu.memory_space<vmem>>, vector<16xf32>,
          tpu.vector_store %arg13[%swap3A_254, %swap3A_255], %mul3A_253 {strides = array<i32>} : memref<80x128xf32, #tpu.memory_space<vmem>>, vector<16xf32>,
          %broadcast_in_dim3A_257 = vector.broadcast %add3A_220 : i32 to vector<16xi32>
          %broadcast_in_dim3A_258 = arith.constant 2 : i32
          %broadcast_in_dim3A_259 = vector.broadcast %broadcast_in_dim3A_258 : i32 to vector<16xi32>
          %gather3A_260 = tpu.vector_load_idx %arg16[%broadcast_in_dim3A_257, %broadcast_in_dim3A_259] : memref<80x16xf32, #tpu.memory_space<vmem>>[vector<16xi32>, vector<16xi32>], vector<16xf32>,
          %get3A_261 = arith.index_cast %add3A_220 : i32 to index
          %get3A_262 = arith.constant 64 : index
          %get3A_263 = tpu.vector_load %arg13[%get3A_261, %get3A_262] {strides = array<i32>} : memref<80x128xf32, #tpu.memory_space<vmem>>, vector<16xf32>,
          %mul3A_264 = arith.mulf %get3A_263, %gather3A_260 : vector<16xf32>
          %swap3A_265 = arith.index_cast %add3A_220 : i32 to index
          %swap3A_266 = arith.constant 64 : index
          %swap3A_267 = tpu.vector_load %arg13[%swap3A_265, %swap3A_266] {strides = array<i32>} : memref<80x128xf32, #tpu.memory_space<vmem>>, vector<16xf32>,
          tpu.vector_store %arg13[%swap3A_265, %swap3A_266], %mul3A_264 {strides = array<i32>} : memref<80x128xf32, #tpu.memory_space<vmem>>, vector<16xf32>,
          %get3A_268 = arith.index_cast %add3A_220 : i32 to index
          %get3A_269 = arith.constant 80 : index
          %get3A_270 = tpu.vector_load %arg13[%get3A_268, %get3A_269] {strides = array<i32>} : memref<80x128xf32, #tpu.memory_space<vmem>>, vector<16xf32>,
          %mul3A_271 = arith.mulf %get3A_270, %gather3A_260 : vector<16xf32>
          %swap3A_272 = arith.index_cast %add3A_220 : i32 to index
          %swap3A_273 = arith.constant 80 : index
          %swap3A_274 = tpu.vector_load %arg13[%swap3A_272, %swap3A_273] {strides = array<i32>} : memref<80x128xf32, #tpu.memory_space<vmem>>, vector<16xf32>,
          tpu.vector_store %arg13[%swap3A_272, %swap3A_273], %mul3A_271 {strides = array<i32>} : memref<80x128xf32, #tpu.memory_space<vmem>>, vector<16xf32>,
          %broadcast_in_dim3A_275 = vector.broadcast %add3A_220 : i32 to vector<16xi32>
          %broadcast_in_dim3A_276 = arith.constant 3 : i32
          %broadcast_in_dim3A_277 = vector.broadcast %broadcast_in_dim3A_276 : i32 to vector<16xi32>
          %gather3A_278 = tpu.vector_load_idx %arg16[%broadcast_in_dim3A_275, %broadcast_in_dim3A_277] : memref<80x16xf32, #tpu.memory_space<vmem>>[vector<16xi32>, vector<16xi32>], vector<16xf32>,
          %get3A_279 = arith.index_cast %add3A_220 : i32 to index
          %get3A_280 = arith.constant 96 : index
          %get3A_281 = tpu.vector_load %arg13[%get3A_279, %get3A_280] {strides = array<i32>} : memref<80x128xf32, #tpu.memory_space<vmem>>, vector<16xf32>,
          %mul3A_282 = arith.mulf %get3A_281, %gather3A_278 : vector<16xf32>
          %swap3A_283 = arith.index_cast %add3A_220 : i32 to index
          %swap3A_284 = arith.constant 96 : index
          %swap3A_285 = tpu.vector_load %arg13[%swap3A_283, %swap3A_284] {strides = array<i32>} : memref<80x128xf32, #tpu.memory_space<vmem>>, vector<16xf32>,
          tpu.vector_store %arg13[%swap3A_283, %swap3A_284], %mul3A_282 {strides = array<i32>} : memref<80x128xf32, #tpu.memory_space<vmem>>, vector<16xf32>,
          %get3A_286 = arith.index_cast %add3A_220 : i32 to index
          %get3A_287 = arith.constant 112 : index
          %get3A_288 = tpu.vector_load %arg13[%get3A_286, %get3A_287] {strides = array<i32>} : memref<80x128xf32, #tpu.memory_space<vmem>>, vector<16xf32>,
          %mul3A_289 = arith.mulf %get3A_288, %gather3A_278 : vector<16xf32>
          %swap3A_290 = arith.index_cast %add3A_220 : i32 to index
          %swap3A_291 = arith.constant 112 : index
          %swap3A_292 = tpu.vector_load %arg13[%swap3A_290, %swap3A_291] {strides = array<i32>} : memref<80x128xf32, #tpu.memory_space<vmem>>, vector<16xf32>,
          tpu.vector_store %arg13[%swap3A_290, %swap3A_291], %mul3A_289 {strides = array<i32>} : memref<80x128xf32, #tpu.memory_space<vmem>>, vector<16xf32>,
          %scan3A_293 = arith.constant 0 : i32
          scf.yield %scan3A_293 : i32
        }
        %scan3A_121 = arith.constant 40 : i32
        %scan3A_122 = arith.constant 0 : i32
        %scan3A_123 = arith.constant 0 : i32
        %scan3A_124 = arith.constant 5 : i32
        %scan3A_125 = arith.addi %scan3A_123, %scan3A_124 : i32
        %scan3A_126 = arith.constant 1 : i32
        %scan3A_127 = scf.for %scan3A_142 = %scan3A_123 to %scan3A_125 step %scan3A_126 iter_args(%scan3A_143 = %scan3A_122) -> (i32)  : i32 {
          %mul3A_144 = arith.constant 16 : i32
          %mul3A_145 = arith.muli %mul3A_144, %scan3A_142 : i32
          %get3A_146 = arith.index_cast %mul3A_145 : i32 to index
          %get3A_147 = tpu.vector_load %arg11[%get3A_146] {strides = array<i32>} : memref<80xi32, #tpu.memory_space<vmem>>, vector<16xi32>,
          %mul3A_148 = arith.constant 16 : i32
          %mul3A_149 = arith.muli %mul3A_148, %scan3A_142 : i32
          %swap3A = arith.index_cast %mul3A_149 : i32 to index
          %swap3A_150 = tpu.vector_load %arg12[%swap3A] {strides = array<i32>} : memref<80xi32, #tpu.memory_space<vmem>>, vector<16xi32>,
          tpu.vector_store %arg12[%swap3A], %get3A_147 {strides = array<i32>} : memref<80xi32, #tpu.memory_space<vmem>>, vector<16xi32>,
          %scan3A_151 = arith.constant 0 : i32
          scf.yield %scan3A_151 : i32
        }
        %scan3A_128 = arith.constant 5 : i32
        %dma_start3A_129 = arith.constant 0 : i32
        %dma_start3A_130 = arith.constant 0 : i32
        %dma_start3A_131 = tpu.memref_slice %arg33[%dma_start3A_129, %dma_start3A_130] : memref<10000x128xf32, #tpu.memory_space<vmem_shared>> -> memref<10000x128xf32, #tpu.memory_space<vmem_shared>>
        tpu.enqueue_indirect_dma source(%arg13 : memref<80x128xf32, #tpu.memory_space<vmem>>) target(%dma_start3A_131 : memref<10000x128xf32, #tpu.memory_space<vmem_shared>>) offsets(%arg12 : memref<80xi32, #tpu.memory_space<vmem>>) semaphore(%arg28 : memref<!tpu.dma_semaphore, #tpu.memory_space<semaphore_mem>>) {add = true}
        %dma_start3A_132 = arith.constant 0 : i32
        %dma_start3A_133 = arith.constant 0 : i32
        %dma_start3A_134 = tpu.memref_slice %arg34[%dma_start3A_132, %dma_start3A_133] : memref<10000x16xf32, #tpu.memory_space<vmem_shared>> -> memref<10000x16xf32, #tpu.memory_space<vmem_shared>>
        tpu.enqueue_indirect_dma source(%arg16 : memref<80x16xf32, #tpu.memory_space<vmem>>) target(%dma_start3A_134 : memref<10000x16xf32, #tpu.memory_space<vmem_shared>>) offsets(%arg12 : memref<80xi32, #tpu.memory_space<vmem>>) semaphore(%arg28 : memref<!tpu.dma_semaphore, #tpu.memory_space<semaphore_mem>>) {add = true}
        %add3A_135 = arith.constant 2 : i32
        %add3A_136 = arith.addi %add3A_67, %add3A_135 : i32
        %lt3A_137 = arith.constant 125 : i32
        %lt3A_138 = arith.cmpi slt, %add3A_136, %lt3A_137 : i32
        %convert_element_type3A_139 = arith.extui %lt3A_138 : i1 to i32
        %cond3A_140 = arith.constant 0 : i32
        %cond3A_141 = arith.cmpi ne, %convert_element_type3A_139, %cond3A_140 : i32
        scf.if %cond3A_141 {
          %add3A_142 = arith.constant 2 : i32
          %add3A_143 = arith.addi %add3A_67, %add3A_142 : i32
          %mul3A_144 = arith.constant 80 : i32
          %mul3A_145 = arith.muli %add3A_143, %mul3A_144 : i32
          %add3A_146 = arith.addi %mul3A_28, %mul3A_145 : i32
          %dma_start3A_147 = tpu.memref_slice %arg3[%add3A_146] : memref<320000xi32, #tpu.memory_space<hbm>> -> memref<80xi32, #tpu.memory_space<hbm>>
          %dma_start3A_148 = tpu.memref_slice %arg3[%add3A_146] : memref<320000xi32, #tpu.memory_space<hbm>> -> memref<80xi32, #tpu.memory_space<hbm>>
          tpu.enqueue_dma source(%dma_start3A_148 : memref<80xi32, #tpu.memory_space<hbm>>) target(%arg10 : memref<80xi32, #tpu.memory_space<vmem>>) target_semaphore(%arg25 : memref<!tpu.dma_semaphore, #tpu.memory_space<semaphore_mem>>)
          %dma_start3A_149 = tpu.memref_slice %arg4[%add3A_146] : memref<320000xi32, #tpu.memory_space<hbm>> -> memref<80xi32, #tpu.memory_space<hbm>>
          %dma_start3A_150 = tpu.memref_slice %arg4[%add3A_146] : memref<320000xi32, #tpu.memory_space<hbm>> -> memref<80xi32, #tpu.memory_space<hbm>>
          tpu.enqueue_dma source(%dma_start3A_150 : memref<80xi32, #tpu.memory_space<hbm>>) target(%arg11 : memref<80xi32, #tpu.memory_space<vmem>>) target_semaphore(%arg25 : memref<!tpu.dma_semaphore, #tpu.memory_space<semaphore_mem>>)
        } else {
        }
      } else {
      }
      %mul3A_70 = arith.constant 2 : i32
      %mul3A_71 = arith.muli %mul3A_70, %scan3A_62 : i32
      %add3A_72 = arith.constant 1 : i32
      %add3A_73 = arith.addi %mul3A_71, %add3A_72 : i32
      %lt3A_74 = arith.constant 125 : i32
      %lt3A_75 = arith.cmpi slt, %add3A_73, %lt3A_74 : i32
      %convert_element_type3A_76 = arith.extui %lt3A_75 : i1 to i32
      %cond3A_77 = arith.constant 0 : i32
      %cond3A_78 = arith.cmpi ne, %convert_element_type3A_76, %cond3A_77 : i32
      scf.if %cond3A_78 {
        %dma_wait3A_80 = arith.constant 0 : i32
        %dma_wait3A_81 = arith.constant 0 : i32
        %dma_wait3A_82 = tpu.memref_slice %arg5[%dma_wait3A_80, %dma_wait3A_81] : memref<10000x16xf32, #tpu.memory_space<hbm>> -> memref<80x16xf32, #tpu.memory_space<hbm>>
        %dma_wait3A_83 = arith.constant 0 : i32
        %dma_wait3A_84 = arith.constant 0 : i32
        %dma_wait3A_85 = tpu.memref_slice %arg5[%dma_wait3A_83, %dma_wait3A_84] : memref<10000x16xf32, #tpu.memory_space<hbm>> -> memref<80x16xf32, #tpu.memory_space<hbm>>
        tpu.wait_dma2 semaphore(%arg30 : memref<!tpu.dma_semaphore, #tpu.memory_space<semaphore_mem>>) src(%dma_wait3A_85 : memref<80x16xf32, #tpu.memory_space<hbm>>) dst(%arg21 : memref<80x16xf32, #tpu.memory_space<vmem>>)
        %dma_wait3A_86 = arith.constant 0 : i32
        %dma_wait3A_87 = arith.constant 0 : i32
        %dma_wait3A_88 = tpu.memref_slice %arg6[%dma_wait3A_86, %dma_wait3A_87] : memref<10000x16xf32, #tpu.memory_space<hbm>> -> memref<80x16xf32, #tpu.memory_space<hbm>>
        %dma_wait3A_89 = arith.constant 0 : i32
        %dma_wait3A_90 = arith.constant 0 : i32
        %dma_wait3A_91 = tpu.memref_slice %arg6[%dma_wait3A_89, %dma_wait3A_90] : memref<10000x16xf32, #tpu.memory_space<hbm>> -> memref<80x16xf32, #tpu.memory_space<hbm>>
        tpu.wait_dma2 semaphore(%arg30 : memref<!tpu.dma_semaphore, #tpu.memory_space<semaphore_mem>>) src(%dma_wait3A_91 : memref<80x16xf32, #tpu.memory_space<hbm>>) dst(%arg22 : memref<80x16xf32, #tpu.memory_space<vmem>>)
        %scan3A_92 = arith.constant 0 : i32
        %scan3A_93 = arith.constant 20 : i32
        %scan3A_94 = arith.addi %scan3A_92, %scan3A_93 : i32
        %scan3A_95 = arith.constant 1 : i32
        %scan3A_96 = scf.for %scan3A_142 = %scan3A_92 to %scan3A_94 step %scan3A_95 iter_args(%scan3A_143 = %shift_right_logical3A_24) -> (vector<16xi32>)  : i32 {
          %gather3A = tpu.vector_load_idx %arg21[%scan3A_143, %and3A_26] : memref<80x16xf32, #tpu.memory_space<vmem>>[vector<16xi32>, vector<16xi32>], vector<16xf32>,
          %gather3A_144 = tpu.vector_load_idx %arg22[%scan3A_143, %and3A_26] : memref<80x16xf32, #tpu.memory_space<vmem>>[vector<16xi32>, vector<16xi32>], vector<16xf32>,
          %add3A_145 = arith.addf %gather3A, %gather3A_144 : vector<16xf32>
          %mul3A_146 = arith.constant 2.000000e-01 : f32
          %mul3A_147 = vector.broadcast %mul3A_146 : f32 to vector<16xf32>
          %mul3A_148 = arith.mulf %mul3A_147, %add3A_145 : vector<16xf32>
          %max3A = arith.maximumf %add3A_145, %mul3A_148 : vector<16xf32>
          %add3A_149 = arith.addf %get3A_22, %gather3A_144 : vector<16xf32>
          %mul3A_150 = arith.constant 2.000000e-01 : f32
          %mul3A_151 = vector.broadcast %mul3A_150 : f32 to vector<16xf32>
          %mul3A_152 = arith.mulf %mul3A_151, %add3A_149 : vector<16xf32>
          %max3A_153 = arith.maximumf %add3A_149, %mul3A_152 : vector<16xf32>
          %sub3A = arith.subf %max3A, %max3A_153 : vector<16xf32>
          %exp3A = math.exp %sub3A : vector<16xf32>
          tpu.vector_store_idx %arg23[%scan3A_143, %and3A_26], %exp3A : memref<80x16xf32, #tpu.memory_space<vmem>>[vector<16xi32>, vector<16xi32>], vector<16xf32>,
          %add3A_154 = arith.constant 4 : i32
          %add3A_155 = vector.broadcast %add3A_154 : i32 to vector<16xi32>
          %add3A_156 = arith.addi %scan3A_143, %add3A_155 : vector<16xi32>
          scf.yield %add3A_156 : vector<16xi32>
        }
        %scan3A_97 = arith.constant 20 : i32
        %dma_wait3A_98 = arith.constant 0 : i32
        %dma_wait3A_99 = arith.constant 0 : i32
        %dma_wait3A_100 = tpu.memref_slice %arg2[%dma_wait3A_98, %dma_wait3A_99] : memref<10000x128xf32, #tpu.memory_space<hbm>> -> memref<80x128xf32, #tpu.memory_space<hbm>>
        %dma_wait3A_101 = arith.constant 0 : i32
        %dma_wait3A_102 = arith.constant 0 : i32
        %dma_wait3A_103 = tpu.memref_slice %arg2[%dma_wait3A_101, %dma_wait3A_102] : memref<10000x128xf32, #tpu.memory_space<hbm>> -> memref<80x128xf32, #tpu.memory_space<hbm>>
        tpu.wait_dma2 semaphore(%arg31 : memref<!tpu.dma_semaphore, #tpu.memory_space<semaphore_mem>>) src(%dma_wait3A_103 : memref<80x128xf32, #tpu.memory_space<hbm>>) dst(%arg20 : memref<80x128xf32, #tpu.memory_space<vmem>>)
        %gt3A = arith.constant 0 : i32
        %gt3A_104 = arith.cmpi sgt, %add3A_73, %gt3A : i32
        %convert_element_type3A_105 = arith.extui %gt3A_104 : i1 to i32
        %cond3A_106 = arith.constant 0 : i32
        %cond3A_107 = arith.cmpi ne, %convert_element_type3A_105, %cond3A_106 : i32
        scf.if %cond3A_107 {
          %dma_wait3A_142 = arith.constant 0 : i32
          %dma_wait3A_143 = arith.constant 0 : i32
          %dma_wait3A_144 = tpu.memref_slice %arg33[%dma_wait3A_142, %dma_wait3A_143] : memref<10000x128xf32, #tpu.memory_space<vmem_shared>> -> memref<80x128xf32, #tpu.memory_space<vmem_shared>>
          %dma_wait3A_145 = arith.constant 0 : i32
          %dma_wait3A_146 = arith.constant 0 : i32
          %dma_wait3A_147 = tpu.memref_slice %arg33[%dma_wait3A_145, %dma_wait3A_146] : memref<10000x128xf32, #tpu.memory_space<vmem_shared>> -> memref<80x128xf32, #tpu.memory_space<vmem_shared>>
          tpu.wait_dma2 semaphore(%arg28 : memref<!tpu.dma_semaphore, #tpu.memory_space<semaphore_mem>>) src(%arg13 : memref<80x128xf32, #tpu.memory_space<vmem>>) dst(%dma_wait3A_147 : memref<80x128xf32, #tpu.memory_space<vmem_shared>>)
          %dma_wait3A_148 = arith.constant 0 : i32
          %dma_wait3A_149 = arith.constant 0 : i32
          %dma_wait3A_150 = tpu.memref_slice %arg34[%dma_wait3A_148, %dma_wait3A_149] : memref<10000x16xf32, #tpu.memory_space<vmem_shared>> -> memref<80x16xf32, #tpu.memory_space<vmem_shared>>
          %dma_wait3A_151 = arith.constant 0 : i32
          %dma_wait3A_152 = arith.constant 0 : i32
          %dma_wait3A_153 = tpu.memref_slice %arg34[%dma_wait3A_151, %dma_wait3A_152] : memref<10000x16xf32, #tpu.memory_space<vmem_shared>> -> memref<80x16xf32, #tpu.memory_space<vmem_shared>>
          tpu.wait_dma2 semaphore(%arg28 : memref<!tpu.dma_semaphore, #tpu.memory_space<semaphore_mem>>) src(%arg16 : memref<80x16xf32, #tpu.memory_space<vmem>>) dst(%dma_wait3A_153 : memref<80x16xf32, #tpu.memory_space<vmem_shared>>)
        } else {
        }
        %add3A_108 = arith.constant 1 : i32
        %add3A_109 = arith.addi %add3A_73, %add3A_108 : i32
        %lt3A_110 = arith.constant 125 : i32
        %lt3A_111 = arith.cmpi slt, %add3A_109, %lt3A_110 : i32
        %convert_element_type3A_112 = arith.extui %lt3A_111 : i1 to i32
        %cond3A_113 = arith.constant 0 : i32
        %cond3A_114 = arith.cmpi ne, %convert_element_type3A_112, %cond3A_113 : i32
        scf.if %cond3A_114 {
          %dma_wait3A_142 = arith.constant 0 : i32
          %dma_wait3A_143 = tpu.memref_slice %arg3[%dma_wait3A_142] : memref<320000xi32, #tpu.memory_space<hbm>> -> memref<80xi32, #tpu.memory_space<hbm>>
          %dma_wait3A_144 = arith.constant 0 : i32
          %dma_wait3A_145 = tpu.memref_slice %arg3[%dma_wait3A_144] : memref<320000xi32, #tpu.memory_space<hbm>> -> memref<80xi32, #tpu.memory_space<hbm>>
          tpu.wait_dma2 semaphore(%arg25 : memref<!tpu.dma_semaphore, #tpu.memory_space<semaphore_mem>>) src(%dma_wait3A_145 : memref<80xi32, #tpu.memory_space<hbm>>) dst(%arg10 : memref<80xi32, #tpu.memory_space<vmem>>)
          %dma_wait3A_146 = arith.constant 0 : i32
          %dma_wait3A_147 = tpu.memref_slice %arg4[%dma_wait3A_146] : memref<320000xi32, #tpu.memory_space<hbm>> -> memref<80xi32, #tpu.memory_space<hbm>>
          %dma_wait3A_148 = arith.constant 0 : i32
          %dma_wait3A_149 = tpu.memref_slice %arg4[%dma_wait3A_148] : memref<320000xi32, #tpu.memory_space<hbm>> -> memref<80xi32, #tpu.memory_space<hbm>>
          tpu.wait_dma2 semaphore(%arg25 : memref<!tpu.dma_semaphore, #tpu.memory_space<semaphore_mem>>) src(%dma_wait3A_149 : memref<80xi32, #tpu.memory_space<hbm>>) dst(%arg11 : memref<80xi32, #tpu.memory_space<vmem>>)
          %dma_start3A_150 = arith.constant 0 : i32
          %dma_start3A_151 = arith.constant 0 : i32
          %dma_start3A_152 = tpu.memref_slice %arg5[%dma_start3A_150, %dma_start3A_151] : memref<10000x16xf32, #tpu.memory_space<hbm>> -> memref<10000x16xf32, #tpu.memory_space<hbm>>
          tpu.enqueue_indirect_dma source(%dma_start3A_152 : memref<10000x16xf32, #tpu.memory_space<hbm>>) target(%arg14 : memref<80x16xf32, #tpu.memory_space<vmem>>) offsets(%arg10 : memref<80xi32, #tpu.memory_space<vmem>>) semaphore(%arg26 : memref<!tpu.dma_semaphore, #tpu.memory_space<semaphore_mem>>)
          %dma_start3A_153 = arith.constant 0 : i32
          %dma_start3A_154 = arith.constant 0 : i32
          %dma_start3A_155 = tpu.memref_slice %arg6[%dma_start3A_153, %dma_start3A_154] : memref<10000x16xf32, #tpu.memory_space<hbm>> -> memref<10000x16xf32, #tpu.memory_space<hbm>>
          tpu.enqueue_indirect_dma source(%dma_start3A_155 : memref<10000x16xf32, #tpu.memory_space<hbm>>) target(%arg15 : memref<80x16xf32, #tpu.memory_space<vmem>>) offsets(%arg11 : memref<80xi32, #tpu.memory_space<vmem>>) semaphore(%arg26 : memref<!tpu.dma_semaphore, #tpu.memory_space<semaphore_mem>>)
          %dma_start3A_156 = arith.constant 0 : i32
          %dma_start3A_157 = arith.constant 0 : i32
          %dma_start3A_158 = tpu.memref_slice %arg2[%dma_start3A_156, %dma_start3A_157] : memref<10000x128xf32, #tpu.memory_space<hbm>> -> memref<10000x128xf32, #tpu.memory_space<hbm>>
          tpu.enqueue_indirect_dma source(%dma_start3A_158 : memref<10000x128xf32, #tpu.memory_space<hbm>>) target(%arg13 : memref<80x128xf32, #tpu.memory_space<vmem>>) offsets(%arg10 : memref<80xi32, #tpu.memory_space<vmem>>) semaphore(%arg27 : memref<!tpu.dma_semaphore, #tpu.memory_space<semaphore_mem>>)
        } else {
        }
        %scan3A_115 = arith.constant 0 : i32
        %scan3A_116 = arith.constant 0 : i32
        %scan3A_117 = arith.constant 40 : i32
        %scan3A_118 = arith.addi %scan3A_116, %scan3A_117 : i32
        %scan3A_119 = arith.constant 1 : i32
        %scan3A_120 = scf.for %scan3A_142 = %scan3A_116 to %scan3A_118 step %scan3A_119 iter_args(%scan3A_143 = %scan3A_115) -> (i32)  : i32 {
          %mul3A_144 = arith.constant 2 : i32
          %mul3A_145 = arith.muli %mul3A_144, %scan3A_142 : i32
          %add3A_146 = arith.constant 0 : i32
          %add3A_147 = arith.addi %mul3A_145, %add3A_146 : i32
          %broadcast_in_dim3A = vector.broadcast %add3A_147 : i32 to vector<16xi32>
          %broadcast_in_dim3A_148 = arith.constant 0 : i32
          %broadcast_in_dim3A_149 = vector.broadcast %broadcast_in_dim3A_148 : i32 to vector<16xi32>
          %gather3A = tpu.vector_load_idx %arg23[%broadcast_in_dim3A, %broadcast_in_dim3A_149] : memref<80x16xf32, #tpu.memory_space<vmem>>[vector<16xi32>, vector<16xi32>], vector<16xf32>,
          %get3A_150 = arith.index_cast %add3A_147 : i32 to index
          %get3A_151 = arith.constant 0 : index
          %get3A_152 = tpu.vector_load %arg20[%get3A_150, %get3A_151] {strides = array<i32>} : memref<80x128xf32, #tpu.memory_space<vmem>>, vector<16xf32>,
          %mul3A_153 = arith.mulf %get3A_152, %gather3A : vector<16xf32>
          %swap3A = arith.index_cast %add3A_147 : i32 to index
          %swap3A_154 = arith.constant 0 : index
          %swap3A_155 = tpu.vector_load %arg20[%swap3A, %swap3A_154] {strides = array<i32>} : memref<80x128xf32, #tpu.memory_space<vmem>>, vector<16xf32>,
          tpu.vector_store %arg20[%swap3A, %swap3A_154], %mul3A_153 {strides = array<i32>} : memref<80x128xf32, #tpu.memory_space<vmem>>, vector<16xf32>,
          %get3A_156 = arith.index_cast %add3A_147 : i32 to index
          %get3A_157 = arith.constant 16 : index
          %get3A_158 = tpu.vector_load %arg20[%get3A_156, %get3A_157] {strides = array<i32>} : memref<80x128xf32, #tpu.memory_space<vmem>>, vector<16xf32>,
          %mul3A_159 = arith.mulf %get3A_158, %gather3A : vector<16xf32>
          %swap3A_160 = arith.index_cast %add3A_147 : i32 to index
          %swap3A_161 = arith.constant 16 : index
          %swap3A_162 = tpu.vector_load %arg20[%swap3A_160, %swap3A_161] {strides = array<i32>} : memref<80x128xf32, #tpu.memory_space<vmem>>, vector<16xf32>,
          tpu.vector_store %arg20[%swap3A_160, %swap3A_161], %mul3A_159 {strides = array<i32>} : memref<80x128xf32, #tpu.memory_space<vmem>>, vector<16xf32>,
          %broadcast_in_dim3A_163 = vector.broadcast %add3A_147 : i32 to vector<16xi32>
          %broadcast_in_dim3A_164 = arith.constant 1 : i32
          %broadcast_in_dim3A_165 = vector.broadcast %broadcast_in_dim3A_164 : i32 to vector<16xi32>
          %gather3A_166 = tpu.vector_load_idx %arg23[%broadcast_in_dim3A_163, %broadcast_in_dim3A_165] : memref<80x16xf32, #tpu.memory_space<vmem>>[vector<16xi32>, vector<16xi32>], vector<16xf32>,
          %get3A_167 = arith.index_cast %add3A_147 : i32 to index
          %get3A_168 = arith.constant 32 : index
          %get3A_169 = tpu.vector_load %arg20[%get3A_167, %get3A_168] {strides = array<i32>} : memref<80x128xf32, #tpu.memory_space<vmem>>, vector<16xf32>,
          %mul3A_170 = arith.mulf %get3A_169, %gather3A_166 : vector<16xf32>
          %swap3A_171 = arith.index_cast %add3A_147 : i32 to index
          %swap3A_172 = arith.constant 32 : index
          %swap3A_173 = tpu.vector_load %arg20[%swap3A_171, %swap3A_172] {strides = array<i32>} : memref<80x128xf32, #tpu.memory_space<vmem>>, vector<16xf32>,
          tpu.vector_store %arg20[%swap3A_171, %swap3A_172], %mul3A_170 {strides = array<i32>} : memref<80x128xf32, #tpu.memory_space<vmem>>, vector<16xf32>,
          %get3A_174 = arith.index_cast %add3A_147 : i32 to index
          %get3A_175 = arith.constant 48 : index
          %get3A_176 = tpu.vector_load %arg20[%get3A_174, %get3A_175] {strides = array<i32>} : memref<80x128xf32, #tpu.memory_space<vmem>>, vector<16xf32>,
          %mul3A_177 = arith.mulf %get3A_176, %gather3A_166 : vector<16xf32>
          %swap3A_178 = arith.index_cast %add3A_147 : i32 to index
          %swap3A_179 = arith.constant 48 : index
          %swap3A_180 = tpu.vector_load %arg20[%swap3A_178, %swap3A_179] {strides = array<i32>} : memref<80x128xf32, #tpu.memory_space<vmem>>, vector<16xf32>,
          tpu.vector_store %arg20[%swap3A_178, %swap3A_179], %mul3A_177 {strides = array<i32>} : memref<80x128xf32, #tpu.memory_space<vmem>>, vector<16xf32>,
          %broadcast_in_dim3A_181 = vector.broadcast %add3A_147 : i32 to vector<16xi32>
          %broadcast_in_dim3A_182 = arith.constant 2 : i32
          %broadcast_in_dim3A_183 = vector.broadcast %broadcast_in_dim3A_182 : i32 to vector<16xi32>
          %gather3A_184 = tpu.vector_load_idx %arg23[%broadcast_in_dim3A_181, %broadcast_in_dim3A_183] : memref<80x16xf32, #tpu.memory_space<vmem>>[vector<16xi32>, vector<16xi32>], vector<16xf32>,
          %get3A_185 = arith.index_cast %add3A_147 : i32 to index
          %get3A_186 = arith.constant 64 : index
          %get3A_187 = tpu.vector_load %arg20[%get3A_185, %get3A_186] {strides = array<i32>} : memref<80x128xf32, #tpu.memory_space<vmem>>, vector<16xf32>,
          %mul3A_188 = arith.mulf %get3A_187, %gather3A_184 : vector<16xf32>
          %swap3A_189 = arith.index_cast %add3A_147 : i32 to index
          %swap3A_190 = arith.constant 64 : index
          %swap3A_191 = tpu.vector_load %arg20[%swap3A_189, %swap3A_190] {strides = array<i32>} : memref<80x128xf32, #tpu.memory_space<vmem>>, vector<16xf32>,
          tpu.vector_store %arg20[%swap3A_189, %swap3A_190], %mul3A_188 {strides = array<i32>} : memref<80x128xf32, #tpu.memory_space<vmem>>, vector<16xf32>,
          %get3A_192 = arith.index_cast %add3A_147 : i32 to index
          %get3A_193 = arith.constant 80 : index
          %get3A_194 = tpu.vector_load %arg20[%get3A_192, %get3A_193] {strides = array<i32>} : memref<80x128xf32, #tpu.memory_space<vmem>>, vector<16xf32>,
          %mul3A_195 = arith.mulf %get3A_194, %gather3A_184 : vector<16xf32>
          %swap3A_196 = arith.index_cast %add3A_147 : i32 to index
          %swap3A_197 = arith.constant 80 : index
          %swap3A_198 = tpu.vector_load %arg20[%swap3A_196, %swap3A_197] {strides = array<i32>} : memref<80x128xf32, #tpu.memory_space<vmem>>, vector<16xf32>,
          tpu.vector_store %arg20[%swap3A_196, %swap3A_197], %mul3A_195 {strides = array<i32>} : memref<80x128xf32, #tpu.memory_space<vmem>>, vector<16xf32>,
          %broadcast_in_dim3A_199 = vector.broadcast %add3A_147 : i32 to vector<16xi32>
          %broadcast_in_dim3A_200 = arith.constant 3 : i32
          %broadcast_in_dim3A_201 = vector.broadcast %broadcast_in_dim3A_200 : i32 to vector<16xi32>
          %gather3A_202 = tpu.vector_load_idx %arg23[%broadcast_in_dim3A_199, %broadcast_in_dim3A_201] : memref<80x16xf32, #tpu.memory_space<vmem>>[vector<16xi32>, vector<16xi32>], vector<16xf32>,
          %get3A_203 = arith.index_cast %add3A_147 : i32 to index
          %get3A_204 = arith.constant 96 : index
          %get3A_205 = tpu.vector_load %arg20[%get3A_203, %get3A_204] {strides = array<i32>} : memref<80x128xf32, #tpu.memory_space<vmem>>, vector<16xf32>,
          %mul3A_206 = arith.mulf %get3A_205, %gather3A_202 : vector<16xf32>
          %swap3A_207 = arith.index_cast %add3A_147 : i32 to index
          %swap3A_208 = arith.constant 96 : index
          %swap3A_209 = tpu.vector_load %arg20[%swap3A_207, %swap3A_208] {strides = array<i32>} : memref<80x128xf32, #tpu.memory_space<vmem>>, vector<16xf32>,
          tpu.vector_store %arg20[%swap3A_207, %swap3A_208], %mul3A_206 {strides = array<i32>} : memref<80x128xf32, #tpu.memory_space<vmem>>, vector<16xf32>,
          %get3A_210 = arith.index_cast %add3A_147 : i32 to index
          %get3A_211 = arith.constant 112 : index
          %get3A_212 = tpu.vector_load %arg20[%get3A_210, %get3A_211] {strides = array<i32>} : memref<80x128xf32, #tpu.memory_space<vmem>>, vector<16xf32>,
          %mul3A_213 = arith.mulf %get3A_212, %gather3A_202 : vector<16xf32>
          %swap3A_214 = arith.index_cast %add3A_147 : i32 to index
          %swap3A_215 = arith.constant 112 : index
          %swap3A_216 = tpu.vector_load %arg20[%swap3A_214, %swap3A_215] {strides = array<i32>} : memref<80x128xf32, #tpu.memory_space<vmem>>, vector<16xf32>,
          tpu.vector_store %arg20[%swap3A_214, %swap3A_215], %mul3A_213 {strides = array<i32>} : memref<80x128xf32, #tpu.memory_space<vmem>>, vector<16xf32>,
          %mul3A_217 = arith.constant 2 : i32
          %mul3A_218 = arith.muli %mul3A_217, %scan3A_142 : i32
          %add3A_219 = arith.constant 1 : i32
          %add3A_220 = arith.addi %mul3A_218, %add3A_219 : i32
          %broadcast_in_dim3A_221 = vector.broadcast %add3A_220 : i32 to vector<16xi32>
          %broadcast_in_dim3A_222 = arith.constant 0 : i32
          %broadcast_in_dim3A_223 = vector.broadcast %broadcast_in_dim3A_222 : i32 to vector<16xi32>
          %gather3A_224 = tpu.vector_load_idx %arg23[%broadcast_in_dim3A_221, %broadcast_in_dim3A_223] : memref<80x16xf32, #tpu.memory_space<vmem>>[vector<16xi32>, vector<16xi32>], vector<16xf32>,
          %get3A_225 = arith.index_cast %add3A_220 : i32 to index
          %get3A_226 = arith.constant 0 : index
          %get3A_227 = tpu.vector_load %arg20[%get3A_225, %get3A_226] {strides = array<i32>} : memref<80x128xf32, #tpu.memory_space<vmem>>, vector<16xf32>,
          %mul3A_228 = arith.mulf %get3A_227, %gather3A_224 : vector<16xf32>
          %swap3A_229 = arith.index_cast %add3A_220 : i32 to index
          %swap3A_230 = arith.constant 0 : index
          %swap3A_231 = tpu.vector_load %arg20[%swap3A_229, %swap3A_230] {strides = array<i32>} : memref<80x128xf32, #tpu.memory_space<vmem>>, vector<16xf32>,
          tpu.vector_store %arg20[%swap3A_229, %swap3A_230], %mul3A_228 {strides = array<i32>} : memref<80x128xf32, #tpu.memory_space<vmem>>, vector<16xf32>,
          %get3A_232 = arith.index_cast %add3A_220 : i32 to index
          %get3A_233 = arith.constant 16 : index
          %get3A_234 = tpu.vector_load %arg20[%get3A_232, %get3A_233] {strides = array<i32>} : memref<80x128xf32, #tpu.memory_space<vmem>>, vector<16xf32>,
          %mul3A_235 = arith.mulf %get3A_234, %gather3A_224 : vector<16xf32>
          %swap3A_236 = arith.index_cast %add3A_220 : i32 to index
          %swap3A_237 = arith.constant 16 : index
          %swap3A_238 = tpu.vector_load %arg20[%swap3A_236, %swap3A_237] {strides = array<i32>} : memref<80x128xf32, #tpu.memory_space<vmem>>, vector<16xf32>,
          tpu.vector_store %arg20[%swap3A_236, %swap3A_237], %mul3A_235 {strides = array<i32>} : memref<80x128xf32, #tpu.memory_space<vmem>>, vector<16xf32>,
          %broadcast_in_dim3A_239 = vector.broadcast %add3A_220 : i32 to vector<16xi32>
          %broadcast_in_dim3A_240 = arith.constant 1 : i32
          %broadcast_in_dim3A_241 = vector.broadcast %broadcast_in_dim3A_240 : i32 to vector<16xi32>
          %gather3A_242 = tpu.vector_load_idx %arg23[%broadcast_in_dim3A_239, %broadcast_in_dim3A_241] : memref<80x16xf32, #tpu.memory_space<vmem>>[vector<16xi32>, vector<16xi32>], vector<16xf32>,
          %get3A_243 = arith.index_cast %add3A_220 : i32 to index
          %get3A_244 = arith.constant 32 : index
          %get3A_245 = tpu.vector_load %arg20[%get3A_243, %get3A_244] {strides = array<i32>} : memref<80x128xf32, #tpu.memory_space<vmem>>, vector<16xf32>,
          %mul3A_246 = arith.mulf %get3A_245, %gather3A_242 : vector<16xf32>
          %swap3A_247 = arith.index_cast %add3A_220 : i32 to index
          %swap3A_248 = arith.constant 32 : index
          %swap3A_249 = tpu.vector_load %arg20[%swap3A_247, %swap3A_248] {strides = array<i32>} : memref<80x128xf32, #tpu.memory_space<vmem>>, vector<16xf32>,
          tpu.vector_store %arg20[%swap3A_247, %swap3A_248], %mul3A_246 {strides = array<i32>} : memref<80x128xf32, #tpu.memory_space<vmem>>, vector<16xf32>,
          %get3A_250 = arith.index_cast %add3A_220 : i32 to index
          %get3A_251 = arith.constant 48 : index
          %get3A_252 = tpu.vector_load %arg20[%get3A_250, %get3A_251] {strides = array<i32>} : memref<80x128xf32, #tpu.memory_space<vmem>>, vector<16xf32>,
          %mul3A_253 = arith.mulf %get3A_252, %gather3A_242 : vector<16xf32>
          %swap3A_254 = arith.index_cast %add3A_220 : i32 to index
          %swap3A_255 = arith.constant 48 : index
          %swap3A_256 = tpu.vector_load %arg20[%swap3A_254, %swap3A_255] {strides = array<i32>} : memref<80x128xf32, #tpu.memory_space<vmem>>, vector<16xf32>,
          tpu.vector_store %arg20[%swap3A_254, %swap3A_255], %mul3A_253 {strides = array<i32>} : memref<80x128xf32, #tpu.memory_space<vmem>>, vector<16xf32>,
          %broadcast_in_dim3A_257 = vector.broadcast %add3A_220 : i32 to vector<16xi32>
          %broadcast_in_dim3A_258 = arith.constant 2 : i32
          %broadcast_in_dim3A_259 = vector.broadcast %broadcast_in_dim3A_258 : i32 to vector<16xi32>
          %gather3A_260 = tpu.vector_load_idx %arg23[%broadcast_in_dim3A_257, %broadcast_in_dim3A_259] : memref<80x16xf32, #tpu.memory_space<vmem>>[vector<16xi32>, vector<16xi32>], vector<16xf32>,
          %get3A_261 = arith.index_cast %add3A_220 : i32 to index
          %get3A_262 = arith.constant 64 : index
          %get3A_263 = tpu.vector_load %arg20[%get3A_261, %get3A_262] {strides = array<i32>} : memref<80x128xf32, #tpu.memory_space<vmem>>, vector<16xf32>,
          %mul3A_264 = arith.mulf %get3A_263, %gather3A_260 : vector<16xf32>
          %swap3A_265 = arith.index_cast %add3A_220 : i32 to index
          %swap3A_266 = arith.constant 64 : index
          %swap3A_267 = tpu.vector_load %arg20[%swap3A_265, %swap3A_266] {strides = array<i32>} : memref<80x128xf32, #tpu.memory_space<vmem>>, vector<16xf32>,
          tpu.vector_store %arg20[%swap3A_265, %swap3A_266], %mul3A_264 {strides = array<i32>} : memref<80x128xf32, #tpu.memory_space<vmem>>, vector<16xf32>,
          %get3A_268 = arith.index_cast %add3A_220 : i32 to index
          %get3A_269 = arith.constant 80 : index
          %get3A_270 = tpu.vector_load %arg20[%get3A_268, %get3A_269] {strides = array<i32>} : memref<80x128xf32, #tpu.memory_space<vmem>>, vector<16xf32>,
          %mul3A_271 = arith.mulf %get3A_270, %gather3A_260 : vector<16xf32>
          %swap3A_272 = arith.index_cast %add3A_220 : i32 to index
          %swap3A_273 = arith.constant 80 : index
          %swap3A_274 = tpu.vector_load %arg20[%swap3A_272, %swap3A_273] {strides = array<i32>} : memref<80x128xf32, #tpu.memory_space<vmem>>, vector<16xf32>,
          tpu.vector_store %arg20[%swap3A_272, %swap3A_273], %mul3A_271 {strides = array<i32>} : memref<80x128xf32, #tpu.memory_space<vmem>>, vector<16xf32>,
          %broadcast_in_dim3A_275 = vector.broadcast %add3A_220 : i32 to vector<16xi32>
          %broadcast_in_dim3A_276 = arith.constant 3 : i32
          %broadcast_in_dim3A_277 = vector.broadcast %broadcast_in_dim3A_276 : i32 to vector<16xi32>
          %gather3A_278 = tpu.vector_load_idx %arg23[%broadcast_in_dim3A_275, %broadcast_in_dim3A_277] : memref<80x16xf32, #tpu.memory_space<vmem>>[vector<16xi32>, vector<16xi32>], vector<16xf32>,
          %get3A_279 = arith.index_cast %add3A_220 : i32 to index
          %get3A_280 = arith.constant 96 : index
          %get3A_281 = tpu.vector_load %arg20[%get3A_279, %get3A_280] {strides = array<i32>} : memref<80x128xf32, #tpu.memory_space<vmem>>, vector<16xf32>,
          %mul3A_282 = arith.mulf %get3A_281, %gather3A_278 : vector<16xf32>
          %swap3A_283 = arith.index_cast %add3A_220 : i32 to index
          %swap3A_284 = arith.constant 96 : index
          %swap3A_285 = tpu.vector_load %arg20[%swap3A_283, %swap3A_284] {strides = array<i32>} : memref<80x128xf32, #tpu.memory_space<vmem>>, vector<16xf32>,
          tpu.vector_store %arg20[%swap3A_283, %swap3A_284], %mul3A_282 {strides = array<i32>} : memref<80x128xf32, #tpu.memory_space<vmem>>, vector<16xf32>,
          %get3A_286 = arith.index_cast %add3A_220 : i32 to index
          %get3A_287 = arith.constant 112 : index
          %get3A_288 = tpu.vector_load %arg20[%get3A_286, %get3A_287] {strides = array<i32>} : memref<80x128xf32, #tpu.memory_space<vmem>>, vector<16xf32>,
          %mul3A_289 = arith.mulf %get3A_288, %gather3A_278 : vector<16xf32>
          %swap3A_290 = arith.index_cast %add3A_220 : i32 to index
          %swap3A_291 = arith.constant 112 : index
          %swap3A_292 = tpu.vector_load %arg20[%swap3A_290, %swap3A_291] {strides = array<i32>} : memref<80x128xf32, #tpu.memory_space<vmem>>, vector<16xf32>,
          tpu.vector_store %arg20[%swap3A_290, %swap3A_291], %mul3A_289 {strides = array<i32>} : memref<80x128xf32, #tpu.memory_space<vmem>>, vector<16xf32>,
          %scan3A_293 = arith.constant 0 : i32
          scf.yield %scan3A_293 : i32
        }
        %scan3A_121 = arith.constant 40 : i32
        %scan3A_122 = arith.constant 0 : i32
        %scan3A_123 = arith.constant 0 : i32
        %scan3A_124 = arith.constant 5 : i32
        %scan3A_125 = arith.addi %scan3A_123, %scan3A_124 : i32
        %scan3A_126 = arith.constant 1 : i32
        %scan3A_127 = scf.for %scan3A_142 = %scan3A_123 to %scan3A_125 step %scan3A_126 iter_args(%scan3A_143 = %scan3A_122) -> (i32)  : i32 {
          %mul3A_144 = arith.constant 16 : i32
          %mul3A_145 = arith.muli %mul3A_144, %scan3A_142 : i32
          %get3A_146 = arith.index_cast %mul3A_145 : i32 to index
          %get3A_147 = tpu.vector_load %arg18[%get3A_146] {strides = array<i32>} : memref<80xi32, #tpu.memory_space<vmem>>, vector<16xi32>,
          %mul3A_148 = arith.constant 16 : i32
          %mul3A_149 = arith.muli %mul3A_148, %scan3A_142 : i32
          %swap3A = arith.index_cast %mul3A_149 : i32 to index
          %swap3A_150 = tpu.vector_load %arg19[%swap3A] {strides = array<i32>} : memref<80xi32, #tpu.memory_space<vmem>>, vector<16xi32>,
          tpu.vector_store %arg19[%swap3A], %get3A_147 {strides = array<i32>} : memref<80xi32, #tpu.memory_space<vmem>>, vector<16xi32>,
          %scan3A_151 = arith.constant 0 : i32
          scf.yield %scan3A_151 : i32
        }
        %scan3A_128 = arith.constant 5 : i32
        %dma_start3A_129 = arith.constant 0 : i32
        %dma_start3A_130 = arith.constant 0 : i32
        %dma_start3A_131 = tpu.memref_slice %arg33[%dma_start3A_129, %dma_start3A_130] : memref<10000x128xf32, #tpu.memory_space<vmem_shared>> -> memref<10000x128xf32, #tpu.memory_space<vmem_shared>>
        tpu.enqueue_indirect_dma source(%arg20 : memref<80x128xf32, #tpu.memory_space<vmem>>) target(%dma_start3A_131 : memref<10000x128xf32, #tpu.memory_space<vmem_shared>>) offsets(%arg19 : memref<80xi32, #tpu.memory_space<vmem>>) semaphore(%arg32 : memref<!tpu.dma_semaphore, #tpu.memory_space<semaphore_mem>>) {add = true}
        %dma_start3A_132 = arith.constant 0 : i32
        %dma_start3A_133 = arith.constant 0 : i32
        %dma_start3A_134 = tpu.memref_slice %arg34[%dma_start3A_132, %dma_start3A_133] : memref<10000x16xf32, #tpu.memory_space<vmem_shared>> -> memref<10000x16xf32, #tpu.memory_space<vmem_shared>>
        tpu.enqueue_indirect_dma source(%arg23 : memref<80x16xf32, #tpu.memory_space<vmem>>) target(%dma_start3A_134 : memref<10000x16xf32, #tpu.memory_space<vmem_shared>>) offsets(%arg19 : memref<80xi32, #tpu.memory_space<vmem>>) semaphore(%arg32 : memref<!tpu.dma_semaphore, #tpu.memory_space<semaphore_mem>>) {add = true}
        %add3A_135 = arith.constant 2 : i32
        %add3A_136 = arith.addi %add3A_73, %add3A_135 : i32
        %lt3A_137 = arith.constant 125 : i32
        %lt3A_138 = arith.cmpi slt, %add3A_136, %lt3A_137 : i32
        %convert_element_type3A_139 = arith.extui %lt3A_138 : i1 to i32
        %cond3A_140 = arith.constant 0 : i32
        %cond3A_141 = arith.cmpi ne, %convert_element_type3A_139, %cond3A_140 : i32
        scf.if %cond3A_141 {
          %add3A_142 = arith.constant 2 : i32
          %add3A_143 = arith.addi %add3A_73, %add3A_142 : i32
          %mul3A_144 = arith.constant 80 : i32
          %mul3A_145 = arith.muli %add3A_143, %mul3A_144 : i32
          %add3A_146 = arith.addi %mul3A_28, %mul3A_145 : i32
          %dma_start3A_147 = tpu.memref_slice %arg3[%add3A_146] : memref<320000xi32, #tpu.memory_space<hbm>> -> memref<80xi32, #tpu.memory_space<hbm>>
          %dma_start3A_148 = tpu.memref_slice %arg3[%add3A_146] : memref<320000xi32, #tpu.memory_space<hbm>> -> memref<80xi32, #tpu.memory_space<hbm>>
          tpu.enqueue_dma source(%dma_start3A_148 : memref<80xi32, #tpu.memory_space<hbm>>) target(%arg17 : memref<80xi32, #tpu.memory_space<vmem>>) target_semaphore(%arg29 : memref<!tpu.dma_semaphore, #tpu.memory_space<semaphore_mem>>)
          %dma_start3A_149 = tpu.memref_slice %arg4[%add3A_146] : memref<320000xi32, #tpu.memory_space<hbm>> -> memref<80xi32, #tpu.memory_space<hbm>>
          %dma_start3A_150 = tpu.memref_slice %arg4[%add3A_146] : memref<320000xi32, #tpu.memory_space<hbm>> -> memref<80xi32, #tpu.memory_space<hbm>>
          tpu.enqueue_dma source(%dma_start3A_150 : memref<80xi32, #tpu.memory_space<hbm>>) target(%arg18 : memref<80xi32, #tpu.memory_space<vmem>>) target_semaphore(%arg29 : memref<!tpu.dma_semaphore, #tpu.memory_space<semaphore_mem>>)
        } else {
        }
      } else {
      }
      %scan3A_79 = arith.constant 0 : i32
      scf.yield %scan3A_79 : i32
    }
    %scan3A_49 = arith.constant 63 : i32
    %dma_wait3A = arith.constant 0 : i32
    %dma_wait3A_50 = arith.constant 0 : i32
    %dma_wait3A_51 = tpu.memref_slice %arg33[%dma_wait3A, %dma_wait3A_50] : memref<10000x128xf32, #tpu.memory_space<vmem_shared>> -> memref<80x128xf32, #tpu.memory_space<vmem_shared>>
    %dma_wait3A_52 = arith.constant 0 : i32
    %dma_wait3A_53 = arith.constant 0 : i32
    %dma_wait3A_54 = tpu.memref_slice %arg33[%dma_wait3A_52, %dma_wait3A_53] : memref<10000x128xf32, #tpu.memory_space<vmem_shared>> -> memref<80x128xf32, #tpu.memory_space<vmem_shared>>
    tpu.wait_dma2 semaphore(%arg28 : memref<!tpu.dma_semaphore, #tpu.memory_space<semaphore_mem>>) src(%arg13 : memref<80x128xf32, #tpu.memory_space<vmem>>) dst(%dma_wait3A_54 : memref<80x128xf32, #tpu.memory_space<vmem_shared>>)
    %dma_wait3A_55 = arith.constant 0 : i32
    %dma_wait3A_56 = arith.constant 0 : i32
    %dma_wait3A_57 = tpu.memref_slice %arg34[%dma_wait3A_55, %dma_wait3A_56] : memref<10000x16xf32, #tpu.memory_space<vmem_shared>> -> memref<80x16xf32, #tpu.memory_space<vmem_shared>>
    %dma_wait3A_58 = arith.constant 0 : i32
    %dma_wait3A_59 = arith.constant 0 : i32
    %dma_wait3A_60 = tpu.memref_slice %arg34[%dma_wait3A_58, %dma_wait3A_59] : memref<10000x16xf32, #tpu.memory_space<vmem_shared>> -> memref<80x16xf32, #tpu.memory_space<vmem_shared>>
    tpu.wait_dma2 semaphore(%arg28 : memref<!tpu.dma_semaphore, #tpu.memory_space<semaphore_mem>>) src(%arg16 : memref<80x16xf32, #tpu.memory_space<vmem>>) dst(%dma_wait3A_60 : memref<80x16xf32, #tpu.memory_space<vmem_shared>>)
    %barrier3A_61 = arith.constant 0 : index
    tpu.barrier barrier_id(%barrier3A_61)
    "tpu.region"() ({
      %run_scoped3A = tpu.sem_alloc : memref<!tpu.dma_semaphore, #tpu.memory_space<semaphore_mem>>
      %dma_start3A_62 = arith.constant 0 : i32
      %dma_start3A_63 = arith.constant 0 : i32
      %dma_start3A_64 = tpu.memref_slice %arg8[%arg0, %arg1, %dma_start3A_62, %dma_start3A_63] : memref<2x16x625x128xf32, #tpu.memory_space<hbm>> -> memref<1x1x625x128xf32, #tpu.memory_space<hbm>>
      %dma_start3A_65 = tpu.memref_squeeze %dma_start3A_64 : memref<1x1x625x128xf32, #tpu.memory_space<hbm>> -> memref<625x128xf32, #tpu.memory_space<hbm>>
      %dma_start3A_66 = arith.constant 0 : i32
      %dma_start3A_67 = tpu.memref_slice %arg33[%mul3A_2, %dma_start3A_66] : memref<10000x128xf32, #tpu.memory_space<vmem_shared>> -> memref<625x128xf32, #tpu.memory_space<vmem_shared>>
      tpu.enqueue_dma source(%dma_start3A_67 : memref<625x128xf32, #tpu.memory_space<vmem_shared>>) target(%dma_start3A_65 : memref<625x128xf32, #tpu.memory_space<hbm>>) target_semaphore(%run_scoped3A : memref<!tpu.dma_semaphore, #tpu.memory_space<semaphore_mem>>)
      %dma_wait3A_68 = arith.constant 0 : i32
      %dma_wait3A_69 = arith.constant 0 : i32
      %dma_wait3A_70 = tpu.memref_slice %arg8[%arg0, %arg1, %dma_wait3A_68, %dma_wait3A_69] : memref<2x16x625x128xf32, #tpu.memory_space<hbm>> -> memref<1x1x625x128xf32, #tpu.memory_space<hbm>>
      %dma_wait3A_71 = tpu.memref_squeeze %dma_wait3A_70 : memref<1x1x625x128xf32, #tpu.memory_space<hbm>> -> memref<625x128xf32, #tpu.memory_space<hbm>>
      %dma_wait3A_72 = arith.constant 0 : i32
      %dma_wait3A_73 = tpu.memref_slice %arg33[%mul3A_2, %dma_wait3A_72] : memref<10000x128xf32, #tpu.memory_space<vmem_shared>> -> memref<625x128xf32, #tpu.memory_space<vmem_shared>>
      tpu.wait_dma2 semaphore(%run_scoped3A : memref<!tpu.dma_semaphore, #tpu.memory_space<semaphore_mem>>) src(%dma_wait3A_73 : memref<625x128xf32, #tpu.memory_space<vmem_shared>>) dst(%dma_wait3A_71 : memref<625x128xf32, #tpu.memory_space<hbm>>)
      tpu.yield
    }) : () -> ()
    "tpu.region"() ({
      %run_scoped3A = tpu.sem_alloc : memref<!tpu.dma_semaphore, #tpu.memory_space<semaphore_mem>>
      %dma_start3A_62 = arith.constant 0 : i32
      %dma_start3A_63 = arith.constant 0 : i32
      %dma_start3A_64 = tpu.memref_slice %arg9[%arg0, %arg1, %dma_start3A_62, %dma_start3A_63] : memref<2x16x625x16xf32, #tpu.memory_space<hbm>> -> memref<1x1x625x16xf32, #tpu.memory_space<hbm>>
      %dma_start3A_65 = tpu.memref_squeeze %dma_start3A_64 : memref<1x1x625x16xf32, #tpu.memory_space<hbm>> -> memref<625x16xf32, #tpu.memory_space<hbm>>
      %dma_start3A_66 = arith.constant 0 : i32
      %dma_start3A_67 = tpu.memref_slice %arg34[%mul3A_2, %dma_start3A_66] : memref<10000x16xf32, #tpu.memory_space<vmem_shared>> -> memref<625x16xf32, #tpu.memory_space<vmem_shared>>
      tpu.enqueue_dma source(%dma_start3A_67 : memref<625x16xf32, #tpu.memory_space<vmem_shared>>) target(%dma_start3A_65 : memref<625x16xf32, #tpu.memory_space<hbm>>) target_semaphore(%run_scoped3A : memref<!tpu.dma_semaphore, #tpu.memory_space<semaphore_mem>>)
      %dma_wait3A_68 = arith.constant 0 : i32
      %dma_wait3A_69 = arith.constant 0 : i32
      %dma_wait3A_70 = tpu.memref_slice %arg9[%arg0, %arg1, %dma_wait3A_68, %dma_wait3A_69] : memref<2x16x625x16xf32, #tpu.memory_space<hbm>> -> memref<1x1x625x16xf32, #tpu.memory_space<hbm>>
      %dma_wait3A_71 = tpu.memref_squeeze %dma_wait3A_70 : memref<1x1x625x16xf32, #tpu.memory_space<hbm>> -> memref<625x16xf32, #tpu.memory_space<hbm>>
      %dma_wait3A_72 = arith.constant 0 : i32
      %dma_wait3A_73 = tpu.memref_slice %arg34[%mul3A_2, %dma_wait3A_72] : memref<10000x16xf32, #tpu.memory_space<vmem_shared>> -> memref<625x16xf32, #tpu.memory_space<vmem_shared>>
      tpu.wait_dma2 semaphore(%run_scoped3A : memref<!tpu.dma_semaphore, #tpu.memory_space<semaphore_mem>>) src(%dma_wait3A_73 : memref<625x16xf32, #tpu.memory_space<vmem_shared>>) dst(%dma_wait3A_71 : memref<625x16xf32, #tpu.memory_space<hbm>>)
      tpu.yield
    }) : () -> ()
    return
  }
}

module attributes {stable_mosaic.version = 14 : i64} {
  func.func @_node_body(%arg0: i32, %arg1: memref<400x128xf32, #tpu.memory_space<vmem>>, %arg2: memref<128x128xf32, #tpu.memory_space<vmem>>, %arg3: memref<128x16xf32, #tpu.memory_space<vmem>>, %arg4: memref<128x16xf32, #tpu.memory_space<vmem>>, %arg5: memref<400x128xf32, #tpu.memory_space<vmem>>, %arg6: memref<400x16xf32, #tpu.memory_space<vmem>>, %arg7: memref<400x16xf32, #tpu.memory_space<vmem>>, %arg8: memref<1x16xf32, #tpu.memory_space<vmem>>) attributes {dimension_semantics = [#tpu.dimension_semantics<arbitrary>], iteration_bounds = array<i64: 25>, scalar_prefetch = 0 : i64, scratch_operands = 0 : i64, tpu.core_type = #tpu.core_type<tc>, window_params = [{transform_indices = @transform_0, window_bounds = array<i64: 400, 128>}, {pipeline_mode = #tpu.pipeline_mode<synchronous>, transform_indices = @transform_1, window_bounds = array<i64: 128, 128>}, {pipeline_mode = #tpu.pipeline_mode<synchronous>, transform_indices = @transform_2, window_bounds = array<i64: 128, 16>}, {pipeline_mode = #tpu.pipeline_mode<synchronous>, transform_indices = @transform_3, window_bounds = array<i64: 128, 16>}, {transform_indices = @transform_4, window_bounds = array<i64: 400, 128>}, {transform_indices = @transform_5, window_bounds = array<i64: 400, 16>}, {transform_indices = @transform_6, window_bounds = array<i64: 400, 16>}, {pipeline_mode = #tpu.pipeline_mode<synchronous>, transform_indices = @transform_7, window_bounds = array<i64: 1, 16>}]} {
    %get3A = arith.constant 0 : index
    %get3A_0 = arith.constant 0 : index
    %get3A_1 = vector.load %arg1[%get3A, %get3A_0] : memref<400x128xf32, #tpu.memory_space<vmem>>, vector<400x128xf32>
    %get3A_2 = arith.constant 0 : index
    %get3A_3 = arith.constant 0 : index
    %get3A_4 = vector.load %arg2[%get3A_2, %get3A_3] : memref<128x128xf32, #tpu.memory_space<vmem>>, vector<128x128xf32>
    %dot_general3A = arith.constant dense<0.000000e+00> : vector<400x128xf32>
    %dot_general3A_5 = tpu.matmul %get3A_1, %get3A_4, %dot_general3A {dimension_numbers = #tpu.dot_dimension_numbers<[1], [0], [0], [1], [0, 0, 1, 1], [], []>, transpose_lhs_hint = false} : vector<400x128xf32>, vector<128x128xf32>, vector<400x128xf32> -> vector<400x128xf32>
    %swap3A = arith.constant 0 : index
    %swap3A_6 = arith.constant 0 : index
    %swap3A_7 = vector.load %arg5[%swap3A, %swap3A_6] : memref<400x128xf32, #tpu.memory_space<vmem>>, vector<400x128xf32>
    tpu.vector_store %arg5[%swap3A, %swap3A_6], %dot_general3A_5 {strides = array<i32>} : memref<400x128xf32, #tpu.memory_space<vmem>>, vector<400x128xf32>,
    %get3A_8 = arith.constant 0 : index
    %get3A_9 = arith.constant 0 : index
    %get3A_10 = vector.load %arg3[%get3A_8, %get3A_9] : memref<128x16xf32, #tpu.memory_space<vmem>>, vector<128x16xf32>
    %dot_general3A_11 = arith.constant dense<0.000000e+00> : vector<400x16xf32>
    %dot_general3A_12 = tpu.matmul %dot_general3A_5, %get3A_10, %dot_general3A_11 {dimension_numbers = #tpu.dot_dimension_numbers<[1], [0], [0], [1], [0, 0, 1, 1], [], []>, transpose_lhs_hint = false} : vector<400x128xf32>, vector<128x16xf32>, vector<400x16xf32> -> vector<400x16xf32>
    %swap3A_13 = arith.constant 0 : index
    %swap3A_14 = arith.constant 0 : index
    %swap3A_15 = vector.load %arg6[%swap3A_13, %swap3A_14] : memref<400x16xf32, #tpu.memory_space<vmem>>, vector<400x16xf32>
    tpu.vector_store %arg6[%swap3A_13, %swap3A_14], %dot_general3A_12 {strides = array<i32>} : memref<400x16xf32, #tpu.memory_space<vmem>>, vector<400x16xf32>,
    %get3A_16 = arith.constant 0 : index
    %get3A_17 = arith.constant 0 : index
    %get3A_18 = vector.load %arg4[%get3A_16, %get3A_17] : memref<128x16xf32, #tpu.memory_space<vmem>>, vector<128x16xf32>
    %dot_general3A_19 = arith.constant dense<0.000000e+00> : vector<400x16xf32>
    %dot_general3A_20 = tpu.matmul %dot_general3A_5, %get3A_18, %dot_general3A_19 {dimension_numbers = #tpu.dot_dimension_numbers<[1], [0], [0], [1], [0, 0, 1, 1], [], []>, transpose_lhs_hint = false} : vector<400x128xf32>, vector<128x16xf32>, vector<400x16xf32> -> vector<400x16xf32>
    %swap3A_21 = arith.constant 0 : index
    %swap3A_22 = arith.constant 0 : index
    %swap3A_23 = vector.load %arg7[%swap3A_21, %swap3A_22] : memref<400x16xf32, #tpu.memory_space<vmem>>, vector<400x16xf32>
    tpu.vector_store %arg7[%swap3A_21, %swap3A_22], %dot_general3A_20 {strides = array<i32>} : memref<400x16xf32, #tpu.memory_space<vmem>>, vector<400x16xf32>,
    %reduce_max3A = arith.constant dense<0xFF800000> : vector<16xf32>
    %reduce_max3A_24 = vector.multi_reduction <maximumf>, %dot_general3A_12, %reduce_max3A [0] : vector<400x16xf32> to vector<16xf32>
    %broadcast_in_dim3A = vector.shape_cast %reduce_max3A_24 : vector<16xf32> to vector<1x16xf32>
    %iota3A = tpu.iota {dimensions = array<i32: 1>} : vector<16x16xi32>
    %iota3A_25 = tpu.iota {dimensions = array<i32: 0>} : vector<16x16xi32>
    %jit3A = arith.constant 4 : i32
    %eq3A = arith.constant 0 : i32
    %eq3A_26 = arith.cmpi eq, %jit3A, %eq3A : i32
    %jit3A_27 = arith.constant 1 : i32
    %select_n3A = arith.select %eq3A_26, %jit3A_27, %jit3A : i32
    %rem3A = vector.broadcast %select_n3A : i32 to vector<16x16xi32>
    %rem3A_28 = arith.remsi %iota3A, %rem3A : vector<16x16xi32>
    %ne3A = arith.constant 0 : i32
    %ne3A_29 = vector.broadcast %ne3A : i32 to vector<16x16xi32>
    %ne3A_30 = arith.cmpi ne, %rem3A_28, %ne3A_29 : vector<16x16xi32>
    %lt3A = arith.constant 0 : i32
    %lt3A_31 = vector.broadcast %lt3A : i32 to vector<16x16xi32>
    %lt3A_32 = arith.cmpi slt, %rem3A_28, %lt3A_31 : vector<16x16xi32>
    %lt3A_33 = arith.constant 0 : i32
    %lt3A_34 = arith.cmpi slt, %select_n3A, %lt3A_33 : i32
    %ne3A_35 = vector.broadcast %lt3A_34 : i1 to vector<16x16xi1>
    %ne3A_36 = vector.broadcast %ne3A_35 : vector<16x16xi1> to vector<16x16xi1>
    %ne3A_37 = arith.xori %lt3A_32, %ne3A_36 : vector<16x16xi1>
    %and3A = arith.andi %ne3A_37, %ne3A_30 : vector<16x16xi1>
    %add3A = vector.broadcast %select_n3A : i32 to vector<16x16xi32>
    %add3A_38 = arith.addi %rem3A_28, %add3A : vector<16x16xi32>
    %select_n3A_39 = arith.select %and3A, %add3A_38, %rem3A_28 : vector<16x16xi1>, vector<16x16xi32>
    %eq3A_40 = arith.cmpi eq, %select_n3A_39, %iota3A_25 : vector<16x16xi32>
    %convert_element_type3A = arith.extui %eq3A_40 : vector<16x16xi1> to vector<16x16xi32>
    %convert_element_type3A_41 = arith.sitofp %convert_element_type3A : vector<16x16xi32> to vector<16x16xf32>
    %dot_general3A_42 = arith.constant dense<0.000000e+00> : vector<1x16xf32>
    %dot_general3A_43 = tpu.matmul %broadcast_in_dim3A, %convert_element_type3A_41, %dot_general3A_42 {dimension_numbers = #tpu.dot_dimension_numbers<[1], [0], [0], [1], [0, 0, 1, 1], [], []>, transpose_lhs_hint = false} : vector<1x16xf32>, vector<16x16xf32>, vector<1x16xf32> -> vector<1x16xf32>
    %eq3A_44 = arith.constant 0 : i32
    %eq3A_45 = arith.cmpi eq, %arg0, %eq3A_44 : i32
    %convert_element_type3A_46 = arith.extui %eq3A_45 : i1 to i32
    %cond3A = arith.constant 0 : i32
    %cond3A_47 = arith.cmpi ne, %convert_element_type3A_46, %cond3A : i32
    scf.if %cond3A_47 {
      %swap3A_52 = arith.constant 0 : index
      %swap3A_53 = arith.constant 0 : index
      %swap3A_54 = vector.load %arg8[%swap3A_52, %swap3A_53] : memref<1x16xf32, #tpu.memory_space<vmem>>, vector<1x16xf32>
      tpu.vector_store %arg8[%swap3A_52, %swap3A_53], %dot_general3A_43 {strides = array<i32>} : memref<1x16xf32, #tpu.memory_space<vmem>>, vector<1x16xf32>,
    } else {
    }
    %gt3A = arith.constant 0 : i32
    %gt3A_48 = arith.cmpi sgt, %arg0, %gt3A : i32
    %convert_element_type3A_49 = arith.extui %gt3A_48 : i1 to i32
    %cond3A_50 = arith.constant 0 : i32
    %cond3A_51 = arith.cmpi ne, %convert_element_type3A_49, %cond3A_50 : i32
    scf.if %cond3A_51 {
      %get3A_52 = arith.constant 0 : index
      %get3A_53 = arith.constant 0 : index
      %get3A_54 = vector.load %arg8[%get3A_52, %get3A_53] : memref<1x16xf32, #tpu.memory_space<vmem>>, vector<1x16xf32>
      %max3A = arith.maximumf %get3A_54, %dot_general3A_43 : vector<1x16xf32>
      %swap3A_55 = arith.constant 0 : index
      %swap3A_56 = arith.constant 0 : index
      %swap3A_57 = vector.load %arg8[%swap3A_55, %swap3A_56] : memref<1x16xf32, #tpu.memory_space<vmem>>, vector<1x16xf32>
      tpu.vector_store %arg8[%swap3A_55, %swap3A_56], %max3A {strides = array<i32>} : memref<1x16xf32, #tpu.memory_space<vmem>>, vector<1x16xf32>,
    } else {
    }
    return
  }
  func.func @transform_0(%arg0: i32) -> (i32, i32) {
    %c0_i32 = arith.constant 0 : i32
    %c0_i32_0 = arith.constant 0 : i32
    return %arg0, %c0_i32 : i32, i32
  }
  func.func @transform_1(%arg0: i32) -> (i32, i32) {
    %c0_i32 = arith.constant 0 : i32
    %c0_i32_0 = arith.constant 0 : i32
    %c0_i32_1 = arith.constant 0 : i32
    return %c0_i32, %c0_i32_0 : i32, i32
  }
  func.func @transform_2(%arg0: i32) -> (i32, i32) {
    %c0_i32 = arith.constant 0 : i32
    %c0_i32_0 = arith.constant 0 : i32
    %c0_i32_1 = arith.constant 0 : i32
    return %c0_i32, %c0_i32_0 : i32, i32
  }
  func.func @transform_3(%arg0: i32) -> (i32, i32) {
    %c0_i32 = arith.constant 0 : i32
    %c0_i32_0 = arith.constant 0 : i32
    %c0_i32_1 = arith.constant 0 : i32
    return %c0_i32, %c0_i32_0 : i32, i32
  }
  func.func @transform_4(%arg0: i32) -> (i32, i32) {
    %c0_i32 = arith.constant 0 : i32
    %c0_i32_0 = arith.constant 0 : i32
    return %arg0, %c0_i32 : i32, i32
  }
  func.func @transform_5(%arg0: i32) -> (i32, i32) {
    %c0_i32 = arith.constant 0 : i32
    %c0_i32_0 = arith.constant 0 : i32
    return %arg0, %c0_i32 : i32, i32
  }
  func.func @transform_6(%arg0: i32) -> (i32, i32) {
    %c0_i32 = arith.constant 0 : i32
    %c0_i32_0 = arith.constant 0 : i32
    return %arg0, %c0_i32 : i32, i32
  }
  func.func @transform_7(%arg0: i32) -> (i32, i32) {
    %c0_i32 = arith.constant 0 : i32
    %c0_i32_0 = arith.constant 0 : i32
    %c0_i32_1 = arith.constant 0 : i32
    return %c0_i32, %c0_i32_0 : i32, i32
  }
}

module attributes {stable_mosaic.version = 14 : i64} {
  func.func @_edge_mlp_body(%arg0: i32, %arg1: memref<1280x16xf32, #tpu.memory_space<vmem>>, %arg2: memref<16x128xf32, #tpu.memory_space<vmem>>, %arg3: memref<1x128xf32, #tpu.memory_space<vmem>>, %arg4: memref<128x128xf32, #tpu.memory_space<vmem>>, %arg5: memref<1x128xf32, #tpu.memory_space<vmem>>, %arg6: memref<128x64xf32, #tpu.memory_space<vmem>>, %arg7: memref<1x64xf32, #tpu.memory_space<vmem>>, %arg8: memref<64x1xf32, #tpu.memory_space<vmem>>, %arg9: memref<1x1xf32, #tpu.memory_space<vmem>>, %arg10: memref<1280x128xf32, #tpu.memory_space<vmem>>, %arg11: memref<1x1x1280xf32, #tpu.memory_space<vmem>>, %arg12: memref<1x1xf32, #tpu.memory_space<vmem>>) attributes {dimension_semantics = [#tpu.dimension_semantics<arbitrary>], iteration_bounds = array<i64: 250>, scalar_prefetch = 0 : i64, scratch_operands = 0 : i64, tpu.core_type = #tpu.core_type<tc>, window_params = [{transform_indices = @transform_0, window_bounds = array<i64: 1280, 16>}, {pipeline_mode = #tpu.pipeline_mode<synchronous>, transform_indices = @transform_1, window_bounds = array<i64: 16, 128>}, {pipeline_mode = #tpu.pipeline_mode<synchronous>, transform_indices = @transform_2, window_bounds = array<i64: 1, 128>}, {pipeline_mode = #tpu.pipeline_mode<synchronous>, transform_indices = @transform_3, window_bounds = array<i64: 128, 128>}, {pipeline_mode = #tpu.pipeline_mode<synchronous>, transform_indices = @transform_4, window_bounds = array<i64: 1, 128>}, {pipeline_mode = #tpu.pipeline_mode<synchronous>, transform_indices = @transform_5, window_bounds = array<i64: 128, 64>}, {pipeline_mode = #tpu.pipeline_mode<synchronous>, transform_indices = @transform_6, window_bounds = array<i64: 1, 64>}, {pipeline_mode = #tpu.pipeline_mode<synchronous>, transform_indices = @transform_7, window_bounds = array<i64: 64, 1>}, {pipeline_mode = #tpu.pipeline_mode<synchronous>, transform_indices = @transform_8, window_bounds = array<i64: 1, 1>}, {transform_indices = @transform_9, window_bounds = array<i64: 1280, 128>}, {transform_indices = @transform_10, window_bounds = array<i64: 1, 1, 1280>}, {pipeline_mode = #tpu.pipeline_mode<synchronous>, transform_indices = @transform_11, window_bounds = array<i64: 1, 1>}]} {
    %get3A = arith.constant 0 : index
    %get3A_0 = arith.constant 0 : index
    %get3A_1 = vector.load %arg1[%get3A, %get3A_0] : memref<1280x16xf32, #tpu.memory_space<vmem>>, vector<1280x16xf32>
    %get3A_2 = arith.constant 0 : index
    %get3A_3 = arith.constant 0 : index
    %get3A_4 = vector.load %arg2[%get3A_2, %get3A_3] : memref<16x128xf32, #tpu.memory_space<vmem>>, vector<16x128xf32>
    %dot_general3A = arith.constant dense<0.000000e+00> : vector<1280x128xf32>
    %dot_general3A_5 = tpu.matmul %get3A_1, %get3A_4, %dot_general3A {dimension_numbers = #tpu.dot_dimension_numbers<[1], [0], [0], [1], [0, 0, 1, 1], [], []>, transpose_lhs_hint = false} : vector<1280x16xf32>, vector<16x128xf32>, vector<1280x128xf32> -> vector<1280x128xf32>
    %get3A_6 = arith.constant 0 : index
    %get3A_7 = arith.constant 0 : index
    %get3A_8 = vector.load %arg3[%get3A_6, %get3A_7] : memref<1x128xf32, #tpu.memory_space<vmem>>, vector<1x128xf32>
    %add3A = vector.broadcast %get3A_8 : vector<1x128xf32> to vector<1280x128xf32>
    %add3A_9 = arith.addf %dot_general3A_5, %add3A : vector<1280x128xf32>
    %max3A = arith.constant 0.000000e+00 : f32
    %max3A_10 = vector.broadcast %max3A : f32 to vector<1280x128xf32>
    %max3A_11 = arith.maximumf %add3A_9, %max3A_10 : vector<1280x128xf32>
    %get3A_12 = arith.constant 0 : index
    %get3A_13 = arith.constant 0 : index
    %get3A_14 = vector.load %arg4[%get3A_12, %get3A_13] : memref<128x128xf32, #tpu.memory_space<vmem>>, vector<128x128xf32>
    %dot_general3A_15 = arith.constant dense<0.000000e+00> : vector<1280x128xf32>
    %dot_general3A_16 = tpu.matmul %max3A_11, %get3A_14, %dot_general3A_15 {dimension_numbers = #tpu.dot_dimension_numbers<[1], [0], [0], [1], [0, 0, 1, 1], [], []>, transpose_lhs_hint = false} : vector<1280x128xf32>, vector<128x128xf32>, vector<1280x128xf32> -> vector<1280x128xf32>
    %get3A_17 = arith.constant 0 : index
    %get3A_18 = arith.constant 0 : index
    %get3A_19 = vector.load %arg5[%get3A_17, %get3A_18] : memref<1x128xf32, #tpu.memory_space<vmem>>, vector<1x128xf32>
    %add3A_20 = vector.broadcast %get3A_19 : vector<1x128xf32> to vector<1280x128xf32>
    %add3A_21 = arith.addf %dot_general3A_16, %add3A_20 : vector<1280x128xf32>
    %swap3A = arith.constant 0 : index
    %swap3A_22 = arith.constant 0 : index
    %swap3A_23 = vector.load %arg10[%swap3A, %swap3A_22] : memref<1280x128xf32, #tpu.memory_space<vmem>>, vector<1280x128xf32>
    tpu.vector_store %arg10[%swap3A, %swap3A_22], %add3A_21 {strides = array<i32>} : memref<1280x128xf32, #tpu.memory_space<vmem>>, vector<1280x128xf32>,
    %get3A_24 = arith.constant 0 : index
    %get3A_25 = arith.constant 0 : index
    %get3A_26 = vector.load %arg6[%get3A_24, %get3A_25] : memref<128x64xf32, #tpu.memory_space<vmem>>, vector<128x64xf32>
    %dot_general3A_27 = arith.constant dense<0.000000e+00> : vector<1280x64xf32>
    %dot_general3A_28 = tpu.matmul %add3A_21, %get3A_26, %dot_general3A_27 {dimension_numbers = #tpu.dot_dimension_numbers<[1], [0], [0], [1], [0, 0, 1, 1], [], []>, transpose_lhs_hint = false} : vector<1280x128xf32>, vector<128x64xf32>, vector<1280x64xf32> -> vector<1280x64xf32>
    %get3A_29 = arith.constant 0 : index
    %get3A_30 = arith.constant 0 : index
    %get3A_31 = vector.load %arg7[%get3A_29, %get3A_30] : memref<1x64xf32, #tpu.memory_space<vmem>>, vector<1x64xf32>
    %add3A_32 = vector.broadcast %get3A_31 : vector<1x64xf32> to vector<1280x64xf32>
    %add3A_33 = arith.addf %dot_general3A_28, %add3A_32 : vector<1280x64xf32>
    %max3A_34 = arith.constant 0.000000e+00 : f32
    %max3A_35 = vector.broadcast %max3A_34 : f32 to vector<1280x64xf32>
    %max3A_36 = arith.maximumf %add3A_33, %max3A_35 : vector<1280x64xf32>
    %get3A_37 = arith.constant 0 : index
    %get3A_38 = arith.constant 0 : index
    %get3A_39 = vector.load %arg8[%get3A_37, %get3A_38] : memref<64x1xf32, #tpu.memory_space<vmem>>, vector<64x1xf32>
    %dot_general3A_40 = arith.constant dense<0.000000e+00> : vector<1280x1xf32>
    %dot_general3A_41 = tpu.matmul %max3A_36, %get3A_39, %dot_general3A_40 {dimension_numbers = #tpu.dot_dimension_numbers<[1], [0], [0], [1], [0, 0, 1, 1], [], []>, transpose_lhs_hint = false} : vector<1280x64xf32>, vector<64x1xf32>, vector<1280x1xf32> -> vector<1280x1xf32>
    %get3A_42 = arith.constant 0 : index
    %get3A_43 = arith.constant 0 : index
    %get3A_44 = vector.load %arg9[%get3A_42, %get3A_43] : memref<1x1xf32, #tpu.memory_space<vmem>>, vector<1x1xf32>
    %add3A_45 = vector.broadcast %get3A_44 : vector<1x1xf32> to vector<1280x1xf32>
    %add3A_46 = arith.addf %dot_general3A_41, %add3A_45 : vector<1280x1xf32>
    %reshape3A = vector.shape_cast %add3A_46 : vector<1280x1xf32> to vector<1x1x1280xf32>
    %swap3A_47 = arith.constant 0 : index
    %swap3A_48 = arith.constant 0 : index
    %swap3A_49 = arith.constant 0 : index
    %swap3A_50 = vector.load %arg11[%swap3A_47, %swap3A_48, %swap3A_49] : memref<1x1x1280xf32, #tpu.memory_space<vmem>>, vector<1x1x1280xf32>
    tpu.vector_store %arg11[%swap3A_47, %swap3A_48, %swap3A_49], %reshape3A {strides = array<i32>} : memref<1x1x1280xf32, #tpu.memory_space<vmem>>, vector<1x1x1280xf32>,
    %reduce_max3A = vector.shape_cast %add3A_46 : vector<1280x1xf32> to vector<1x1280x1xf32>
    %reduce_max3A_51 = arith.constant dense<0xFF800000> : vector<1xf32>
    %reduce_max3A_52 = vector.multi_reduction <maximumf>, %reduce_max3A, %reduce_max3A_51 [1, 2] : vector<1x1280x1xf32> to vector<1xf32>
    %reduce_max3A_53 = vector.shape_cast %reduce_max3A_52 : vector<1xf32> to vector<1x1x1xf32>
    %reduce_max3A_54 = vector.extract %reduce_max3A_53[0, 0, 0] : f32 from vector<1x1x1xf32>
    %reshape3A_55 = vector.broadcast %reduce_max3A_54 : f32 to vector<1x1xf32>
    %eq3A = arith.constant 0 : i32
    %eq3A_56 = arith.cmpi eq, %arg0, %eq3A : i32
    %convert_element_type3A = arith.extui %eq3A_56 : i1 to i32
    %cond3A = arith.constant 0 : i32
    %cond3A_57 = arith.cmpi ne, %convert_element_type3A, %cond3A : i32
    scf.if %cond3A_57 {
      %swap3A_62 = arith.constant 0 : index
      %swap3A_63 = arith.constant 0 : index
      %swap3A_64 = vector.load %arg12[%swap3A_62, %swap3A_63] : memref<1x1xf32, #tpu.memory_space<vmem>>, vector<1x1xf32>
      tpu.vector_store %arg12[%swap3A_62, %swap3A_63], %reshape3A_55 {strides = array<i32>} : memref<1x1xf32, #tpu.memory_space<vmem>>, vector<1x1xf32>,
    } else {
    }
    %gt3A = arith.constant 0 : i32
    %gt3A_58 = arith.cmpi sgt, %arg0, %gt3A : i32
    %convert_element_type3A_59 = arith.extui %gt3A_58 : i1 to i32
    %cond3A_60 = arith.constant 0 : i32
    %cond3A_61 = arith.cmpi ne, %convert_element_type3A_59, %cond3A_60 : i32
    scf.if %cond3A_61 {
      %get3A_62 = arith.constant 0 : index
      %get3A_63 = arith.constant 0 : index
      %get3A_64 = vector.load %arg12[%get3A_62, %get3A_63] : memref<1x1xf32, #tpu.memory_space<vmem>>, vector<1x1xf32>
      %max3A_65 = arith.maximumf %get3A_64, %reshape3A_55 : vector<1x1xf32>
      %swap3A_66 = arith.constant 0 : index
      %swap3A_67 = arith.constant 0 : index
      %swap3A_68 = vector.load %arg12[%swap3A_66, %swap3A_67] : memref<1x1xf32, #tpu.memory_space<vmem>>, vector<1x1xf32>
      tpu.vector_store %arg12[%swap3A_66, %swap3A_67], %max3A_65 {strides = array<i32>} : memref<1x1xf32, #tpu.memory_space<vmem>>, vector<1x1xf32>,
    } else {
    }
    return
  }
  func.func @transform_0(%arg0: i32) -> (i32, i32) {
    %c0_i32 = arith.constant 0 : i32
    %c0_i32_0 = arith.constant 0 : i32
    return %arg0, %c0_i32 : i32, i32
  }
  func.func @transform_1(%arg0: i32) -> (i32, i32) {
    %c0_i32 = arith.constant 0 : i32
    %c0_i32_0 = arith.constant 0 : i32
    %c0_i32_1 = arith.constant 0 : i32
    return %c0_i32, %c0_i32_0 : i32, i32
  }
  func.func @transform_2(%arg0: i32) -> (i32, i32) {
    %c0_i32 = arith.constant 0 : i32
    %c0_i32_0 = arith.constant 0 : i32
    %c0_i32_1 = arith.constant 0 : i32
    return %c0_i32, %c0_i32_0 : i32, i32
  }
  func.func @transform_3(%arg0: i32) -> (i32, i32) {
    %c0_i32 = arith.constant 0 : i32
    %c0_i32_0 = arith.constant 0 : i32
    %c0_i32_1 = arith.constant 0 : i32
    return %c0_i32, %c0_i32_0 : i32, i32
  }
  func.func @transform_4(%arg0: i32) -> (i32, i32) {
    %c0_i32 = arith.constant 0 : i32
    %c0_i32_0 = arith.constant 0 : i32
    %c0_i32_1 = arith.constant 0 : i32
    return %c0_i32, %c0_i32_0 : i32, i32
  }
  func.func @transform_5(%arg0: i32) -> (i32, i32) {
    %c0_i32 = arith.constant 0 : i32
    %c0_i32_0 = arith.constant 0 : i32
    %c0_i32_1 = arith.constant 0 : i32
    return %c0_i32, %c0_i32_0 : i32, i32
  }
  func.func @transform_6(%arg0: i32) -> (i32, i32) {
    %c0_i32 = arith.constant 0 : i32
    %c0_i32_0 = arith.constant 0 : i32
    %c0_i32_1 = arith.constant 0 : i32
    return %c0_i32, %c0_i32_0 : i32, i32
  }
  func.func @transform_7(%arg0: i32) -> (i32, i32) {
    %c0_i32 = arith.constant 0 : i32
    %c0_i32_0 = arith.constant 0 : i32
    %c0_i32_1 = arith.constant 0 : i32
    return %c0_i32, %c0_i32_0 : i32, i32
  }
  func.func @transform_8(%arg0: i32) -> (i32, i32) {
    %c0_i32 = arith.constant 0 : i32
    %c0_i32_0 = arith.constant 0 : i32
    %c0_i32_1 = arith.constant 0 : i32
    return %c0_i32, %c0_i32_0 : i32, i32
  }
  func.func @transform_9(%arg0: i32) -> (i32, i32) {
    %c0_i32 = arith.constant 0 : i32
    %c0_i32_0 = arith.constant 0 : i32
    return %arg0, %c0_i32 : i32, i32
  }
  func.func @transform_10(%arg0: i32) -> (i32, i32, i32) {
    %c0_i32 = arith.constant 0 : i32
    %c0_i32_0 = arith.constant 0 : i32
    %c0_i32_1 = arith.constant 0 : i32
    return %arg0, %c0_i32, %c0_i32_0 : i32, i32, i32
  }
  func.func @transform_11(%arg0: i32) -> (i32, i32) {
    %c0_i32 = arith.constant 0 : i32
    %c0_i32_0 = arith.constant 0 : i32
    %c0_i32_1 = arith.constant 0 : i32
    return %c0_i32, %c0_i32_0 : i32, i32
  }
}

module attributes {stable_mosaic.version = 14 : i64} {
  func.func @_expsum_body(%arg0: i32, %arg1: memref<250x1280xf32, #tpu.memory_space<vmem>>, %arg2: memref<1x1xf32, #tpu.memory_space<vmem>>, %arg3: memref<250x1280xf32, #tpu.memory_space<vmem>>, %arg4: memref<1x1xf32, #tpu.memory_space<vmem>>) attributes {dimension_semantics = [#tpu.dimension_semantics<arbitrary>], iteration_bounds = array<i64: 1>, scalar_prefetch = 0 : i64, scratch_operands = 0 : i64, tpu.core_type = #tpu.core_type<tc>, window_params = [{pipeline_mode = #tpu.pipeline_mode<synchronous>, transform_indices = @transform_0, window_bounds = array<i64: 250, 1280>}, {pipeline_mode = #tpu.pipeline_mode<synchronous>, transform_indices = @transform_1, window_bounds = array<i64: 1, 1>}, {pipeline_mode = #tpu.pipeline_mode<synchronous>, transform_indices = @transform_2, window_bounds = array<i64: 250, 1280>}, {pipeline_mode = #tpu.pipeline_mode<synchronous>, transform_indices = @transform_3, window_bounds = array<i64: 1, 1>}]} {
    %get3A = arith.constant 0 : index
    %get3A_0 = arith.constant 0 : index
    %get3A_1 = vector.load %arg1[%get3A, %get3A_0] : memref<250x1280xf32, #tpu.memory_space<vmem>>, vector<250x1280xf32>
    %get3A_2 = arith.constant 0 : index
    %get3A_3 = arith.constant 0 : index
    %get3A_4 = vector.load %arg2[%get3A_2, %get3A_3] : memref<1x1xf32, #tpu.memory_space<vmem>>, vector<1x1xf32>
    %sub3A = vector.broadcast %get3A_4 : vector<1x1xf32> to vector<250x1280xf32>
    %sub3A_5 = arith.subf %get3A_1, %sub3A : vector<250x1280xf32>
    %exp3A = math.exp %sub3A_5 : vector<250x1280xf32>
    %swap3A = arith.constant 0 : index
    %swap3A_6 = arith.constant 0 : index
    %swap3A_7 = vector.load %arg3[%swap3A, %swap3A_6] : memref<250x1280xf32, #tpu.memory_space<vmem>>, vector<250x1280xf32>
    tpu.vector_store %arg3[%swap3A, %swap3A_6], %exp3A {strides = array<i32>} : memref<250x1280xf32, #tpu.memory_space<vmem>>, vector<250x1280xf32>,
    %reduce_sum3A = vector.shape_cast %exp3A : vector<250x1280xf32> to vector<1x250x1280xf32>
    %reduce_sum3A_8 = arith.constant dense<0.000000e+00> : vector<1xf32>
    %reduce_sum3A_9 = vector.multi_reduction <add>, %reduce_sum3A, %reduce_sum3A_8 [1, 2] : vector<1x250x1280xf32> to vector<1xf32>
    %reduce_sum3A_10 = vector.shape_cast %reduce_sum3A_9 : vector<1xf32> to vector<1x1x1xf32>
    %reduce_sum3A_11 = vector.extract %reduce_sum3A_10[0, 0, 0] : f32 from vector<1x1x1xf32>
    %reshape3A = vector.broadcast %reduce_sum3A_11 : f32 to vector<1x1xf32>
    %eq3A = arith.constant 0 : i32
    %eq3A_12 = arith.cmpi eq, %arg0, %eq3A : i32
    %convert_element_type3A = arith.extui %eq3A_12 : i1 to i32
    %cond3A = arith.constant 0 : i32
    %cond3A_13 = arith.cmpi ne, %convert_element_type3A, %cond3A : i32
    scf.if %cond3A_13 {
      %swap3A_18 = arith.constant 0 : index
      %swap3A_19 = arith.constant 0 : index
      %swap3A_20 = vector.load %arg4[%swap3A_18, %swap3A_19] : memref<1x1xf32, #tpu.memory_space<vmem>>, vector<1x1xf32>
      tpu.vector_store %arg4[%swap3A_18, %swap3A_19], %reshape3A {strides = array<i32>} : memref<1x1xf32, #tpu.memory_space<vmem>>, vector<1x1xf32>,
    } else {
    }
    %gt3A = arith.constant 0 : i32
    %gt3A_14 = arith.cmpi sgt, %arg0, %gt3A : i32
    %convert_element_type3A_15 = arith.extui %gt3A_14 : i1 to i32
    %cond3A_16 = arith.constant 0 : i32
    %cond3A_17 = arith.cmpi ne, %convert_element_type3A_15, %cond3A_16 : i32
    scf.if %cond3A_17 {
      %get3A_18 = arith.constant 0 : index
      %get3A_19 = arith.constant 0 : index
      %get3A_20 = vector.load %arg4[%get3A_18, %get3A_19] : memref<1x1xf32, #tpu.memory_space<vmem>>, vector<1x1xf32>
      %add3A = arith.addf %get3A_20, %reshape3A : vector<1x1xf32>
      %swap3A_21 = arith.constant 0 : index
      %swap3A_22 = arith.constant 0 : index
      %swap3A_23 = vector.load %arg4[%swap3A_21, %swap3A_22] : memref<1x1xf32, #tpu.memory_space<vmem>>, vector<1x1xf32>
      tpu.vector_store %arg4[%swap3A_21, %swap3A_22], %add3A {strides = array<i32>} : memref<1x1xf32, #tpu.memory_space<vmem>>, vector<1x1xf32>,
    } else {
    }
    return
  }
  func.func @transform_0(%arg0: i32) -> (i32, i32) {
    %c0_i32 = arith.constant 0 : i32
    %c0_i32_0 = arith.constant 0 : i32
    %c0_i32_1 = arith.constant 0 : i32
    return %c0_i32, %c0_i32_0 : i32, i32
  }
  func.func @transform_1(%arg0: i32) -> (i32, i32) {
    %c0_i32 = arith.constant 0 : i32
    %c0_i32_0 = arith.constant 0 : i32
    %c0_i32_1 = arith.constant 0 : i32
    return %c0_i32, %c0_i32_0 : i32, i32
  }
  func.func @transform_2(%arg0: i32) -> (i32, i32) {
    %c0_i32 = arith.constant 0 : i32
    %c0_i32_0 = arith.constant 0 : i32
    %c0_i32_1 = arith.constant 0 : i32
    return %c0_i32, %c0_i32_0 : i32, i32
  }
  func.func @transform_3(%arg0: i32) -> (i32, i32) {
    %c0_i32 = arith.constant 0 : i32
    %c0_i32_0 = arith.constant 0 : i32
    %c0_i32_1 = arith.constant 0 : i32
    return %c0_i32, %c0_i32_0 : i32, i32
  }
}

module attributes {stable_mosaic.version = 14 : i64} {
  func.func @_combine_body(%arg0: i32, %arg1: memref<2x400x128xf32, #tpu.memory_space<vmem>>, %arg2: memref<2x400x16xf32, #tpu.memory_space<vmem>>, %arg3: memref<2x400x128xf32, #tpu.memory_space<vmem>>, %arg4: memref<400x128xf32, #tpu.memory_space<vmem>>, %arg5: memref<400x16xf32, #tpu.memory_space<vmem>>, %arg6: memref<400x16xf32, #tpu.memory_space<vmem>>, %arg7: memref<1x16xf32, #tpu.memory_space<vmem>>, %arg8: memref<1x128xf32, #tpu.memory_space<vmem>>, %arg9: memref<1x1xf32, #tpu.memory_space<vmem>>, %arg10: memref<4x128xf32, #tpu.memory_space<vmem>>, %arg11: memref<400x1xi32, #tpu.memory_space<vmem>>, %arg12: memref<128x64xf32, #tpu.memory_space<vmem>>, %arg13: memref<1x64xf32, #tpu.memory_space<vmem>>, %arg14: memref<8x64xf32, #tpu.memory_space<vmem>>, %arg15: memref<8x128xf32, #tpu.memory_space<vmem>>, %arg16: memref<1x8xf32, #tpu.memory_space<vmem>>) attributes {dimension_semantics = [#tpu.dimension_semantics<arbitrary>], iteration_bounds = array<i64: 25>, scalar_prefetch = 0 : i64, scratch_operands = 2 : i64, tpu.core_type = #tpu.core_type<tc>, window_params = [{transform_indices = @transform_0, window_bounds = array<i64: 2, 400, 128>}, {transform_indices = @transform_1, window_bounds = array<i64: 2, 400, 16>}, {transform_indices = @transform_2, window_bounds = array<i64: 2, 400, 128>}, {transform_indices = @transform_3, window_bounds = array<i64: 400, 128>}, {transform_indices = @transform_4, window_bounds = array<i64: 400, 16>}, {transform_indices = @transform_5, window_bounds = array<i64: 400, 16>}, {pipeline_mode = #tpu.pipeline_mode<synchronous>, transform_indices = @transform_6, window_bounds = array<i64: 1, 16>}, {pipeline_mode = #tpu.pipeline_mode<synchronous>, transform_indices = @transform_7, window_bounds = array<i64: 1, 128>}, {pipeline_mode = #tpu.pipeline_mode<synchronous>, transform_indices = @transform_8, window_bounds = array<i64: 1, 1>}, {pipeline_mode = #tpu.pipeline_mode<synchronous>, transform_indices = @transform_9, window_bounds = array<i64: 4, 128>}, {transform_indices = @transform_10, window_bounds = array<i64: 400, 1>}, {pipeline_mode = #tpu.pipeline_mode<synchronous>, transform_indices = @transform_11, window_bounds = array<i64: 128, 64>}, {pipeline_mode = #tpu.pipeline_mode<synchronous>, transform_indices = @transform_12, window_bounds = array<i64: 1, 64>}, {pipeline_mode = #tpu.pipeline_mode<synchronous>, transform_indices = @transform_13, window_bounds = array<i64: 8, 64>}]} {
    %get3A = arith.constant 0 : index
    %get3A_0 = arith.constant 0 : index
    %get3A_1 = vector.load %arg5[%get3A, %get3A_0] : memref<400x16xf32, #tpu.memory_space<vmem>>, vector<400x4xf32>
    %get3A_2 = arith.constant 0 : index
    %get3A_3 = arith.constant 0 : index
    %get3A_4 = vector.load %arg6[%get3A_2, %get3A_3] : memref<400x16xf32, #tpu.memory_space<vmem>>, vector<400x4xf32>
    %get3A_5 = arith.constant 0 : index
    %get3A_6 = arith.constant 0 : index
    %get3A_7 = vector.load %arg7[%get3A_5, %get3A_6] : memref<1x16xf32, #tpu.memory_space<vmem>>, vector<1x4xf32>
    %add3A = vector.broadcast %get3A_7 : vector<1x4xf32> to vector<400x4xf32>
    %add3A_8 = arith.addf %add3A, %get3A_4 : vector<400x4xf32>
    %mul3A = arith.constant 2.000000e-01 : f32
    %mul3A_9 = vector.broadcast %mul3A : f32 to vector<400x4xf32>
    %mul3A_10 = arith.mulf %mul3A_9, %add3A_8 : vector<400x4xf32>
    %max3A = arith.maximumf %add3A_8, %mul3A_10 : vector<400x4xf32>
    %add3A_11 = arith.addf %get3A_1, %get3A_4 : vector<400x4xf32>
    %mul3A_12 = arith.constant 2.000000e-01 : f32
    %mul3A_13 = vector.broadcast %mul3A_12 : f32 to vector<400x4xf32>
    %mul3A_14 = arith.mulf %mul3A_13, %add3A_11 : vector<400x4xf32>
    %max3A_15 = arith.maximumf %add3A_11, %mul3A_14 : vector<400x4xf32>
    %sub3A = arith.subf %max3A_15, %max3A : vector<400x4xf32>
    %exp3A = math.exp %sub3A : vector<400x4xf32>
    %get3A_16 = arith.constant 0 : index
    %get3A_17 = arith.constant 0 : index
    %get3A_18 = arith.constant 0 : index
    %get3A_19 = vector.load %arg2[%get3A_16, %get3A_17, %get3A_18] : memref<2x400x16xf32, #tpu.memory_space<vmem>>, vector<1x400x4xf32>
    %get3A_20 = vector.shape_cast %get3A_19 : vector<1x400x4xf32> to vector<400x4xf32>
    %get3A_21 = arith.constant 1 : index
    %get3A_22 = arith.constant 0 : index
    %get3A_23 = arith.constant 0 : index
    %get3A_24 = vector.load %arg2[%get3A_21, %get3A_22, %get3A_23] : memref<2x400x16xf32, #tpu.memory_space<vmem>>, vector<1x400x4xf32>
    %get3A_25 = vector.shape_cast %get3A_24 : vector<1x400x4xf32> to vector<400x4xf32>
    %add3A_26 = arith.addf %get3A_20, %get3A_25 : vector<400x4xf32>
    %add3A_27 = arith.addf %add3A_26, %exp3A : vector<400x4xf32>
    %get3A_28 = arith.constant 0 : index
    %get3A_29 = arith.constant 0 : index
    %get3A_30 = vector.load %arg10[%get3A_28, %get3A_29] : memref<4x128xf32, #tpu.memory_space<vmem>>, vector<4x128xf32>
    %get3A_31 = arith.constant 0 : index
    %get3A_32 = arith.constant 0 : index
    %get3A_33 = vector.load %arg4[%get3A_31, %get3A_32] : memref<400x128xf32, #tpu.memory_space<vmem>>, vector<400x128xf32>
    %get3A_34 = arith.constant 0 : index
    %get3A_35 = arith.constant 0 : index
    %get3A_36 = arith.constant 0 : index
    %get3A_37 = vector.load %arg1[%get3A_34, %get3A_35, %get3A_36] : memref<2x400x128xf32, #tpu.memory_space<vmem>>, vector<1x400x128xf32>
    %get3A_38 = vector.shape_cast %get3A_37 : vector<1x400x128xf32> to vector<400x128xf32>
    %get3A_39 = arith.constant 1 : index
    %get3A_40 = arith.constant 0 : index
    %get3A_41 = arith.constant 0 : index
    %get3A_42 = vector.load %arg1[%get3A_39, %get3A_40, %get3A_41] : memref<2x400x128xf32, #tpu.memory_space<vmem>>, vector<1x400x128xf32>
    %get3A_43 = vector.shape_cast %get3A_42 : vector<1x400x128xf32> to vector<400x128xf32>
    %add3A_44 = arith.addf %get3A_38, %get3A_43 : vector<400x128xf32>
    %dot_general3A = arith.constant dense<0.000000e+00> : vector<400x128xf32>
    %dot_general3A_45 = tpu.matmul %exp3A, %get3A_30, %dot_general3A {dimension_numbers = #tpu.dot_dimension_numbers<[1], [0], [0], [1], [0, 0, 1, 1], [], []>, transpose_lhs_hint = false} : vector<400x4xf32>, vector<4x128xf32>, vector<400x128xf32> -> vector<400x128xf32>
    %mul3A_46 = arith.mulf %dot_general3A_45, %get3A_33 : vector<400x128xf32>
    %add3A_47 = arith.addf %add3A_44, %mul3A_46 : vector<400x128xf32>
    %dot_general3A_48 = arith.constant dense<0.000000e+00> : vector<400x128xf32>
    %dot_general3A_49 = tpu.matmul %add3A_27, %get3A_30, %dot_general3A_48 {dimension_numbers = #tpu.dot_dimension_numbers<[1], [0], [0], [1], [0, 0, 1, 1], [], []>, transpose_lhs_hint = false} : vector<400x4xf32>, vector<4x128xf32>, vector<400x128xf32> -> vector<400x128xf32>
    %div3A = arith.divf %add3A_47, %dot_general3A_49 : vector<400x128xf32>
    %get3A_50 = arith.constant 0 : index
    %get3A_51 = arith.constant 0 : index
    %get3A_52 = vector.load %arg8[%get3A_50, %get3A_51] : memref<1x128xf32, #tpu.memory_space<vmem>>, vector<1x128xf32>
    %add3A_53 = vector.broadcast %get3A_52 : vector<1x128xf32> to vector<400x128xf32>
    %add3A_54 = arith.addf %div3A, %add3A_53 : vector<400x128xf32>
    %gt3A = arith.constant 0.000000e+00 : f32
    %gt3A_55 = vector.broadcast %gt3A : f32 to vector<400x128xf32>
    %gt3A_56 = arith.cmpf ogt, %add3A_54, %gt3A_55 : vector<400x128xf32>
    %min3A = arith.constant 0.000000e+00 : f32
    %min3A_57 = vector.broadcast %min3A : f32 to vector<400x128xf32>
    %min3A_58 = arith.minimumf %add3A_54, %min3A_57 : vector<400x128xf32>
    %exp3A_59 = math.exp %min3A_58 : vector<400x128xf32>
    %sub3A_60 = arith.constant 1.000000e+00 : f32
    %sub3A_61 = vector.broadcast %sub3A_60 : f32 to vector<400x128xf32>
    %sub3A_62 = arith.subf %exp3A_59, %sub3A_61 : vector<400x128xf32>
    %select_n3A = arith.select %gt3A_56, %add3A_54, %sub3A_62 : vector<400x128xi1>, vector<400x128xf32>
    %get3A_63 = arith.constant 0 : index
    %get3A_64 = arith.constant 0 : index
    %get3A_65 = arith.constant 0 : index
    %get3A_66 = vector.load %arg3[%get3A_63, %get3A_64, %get3A_65] : memref<2x400x128xf32, #tpu.memory_space<vmem>>, vector<1x400x128xf32>
    %get3A_67 = vector.shape_cast %get3A_66 : vector<1x400x128xf32> to vector<400x128xf32>
    %get3A_68 = arith.constant 1 : index
    %get3A_69 = arith.constant 0 : index
    %get3A_70 = arith.constant 0 : index
    %get3A_71 = vector.load %arg3[%get3A_68, %get3A_69, %get3A_70] : memref<2x400x128xf32, #tpu.memory_space<vmem>>, vector<1x400x128xf32>
    %get3A_72 = vector.shape_cast %get3A_71 : vector<1x400x128xf32> to vector<400x128xf32>
    %add3A_73 = arith.addf %get3A_67, %get3A_72 : vector<400x128xf32>
    %get3A_74 = arith.constant 0 : index
    %get3A_75 = arith.constant 0 : index
    %get3A_76 = vector.load %arg9[%get3A_74, %get3A_75] : memref<1x1xf32, #tpu.memory_space<vmem>>, vector<1x1xf32>
    %div3A_77 = vector.broadcast %get3A_76 : vector<1x1xf32> to vector<400x128xf32>
    %div3A_78 = arith.divf %add3A_73, %div3A_77 : vector<400x128xf32>
    %add3A_79 = arith.addf %select_n3A, %div3A_78 : vector<400x128xf32>
    %iota3A = tpu.iota {dimensions = array<i32: 1>} : vector<1x8xi32>
    %iota3A_80 = vector.shape_cast %iota3A : vector<1x8xi32> to vector<8xi32>
    %broadcast_in_dim3A = vector.shape_cast %iota3A_80 : vector<8xi32> to vector<1x8xi32>
    %get3A_81 = arith.constant 0 : index
    %get3A_82 = arith.constant 0 : index
    %get3A_83 = vector.load %arg11[%get3A_81, %get3A_82] : memref<400x1xi32, #tpu.memory_space<vmem>>, vector<400x1xi32>
    %eq3A = vector.broadcast %get3A_83 : vector<400x1xi32> to vector<400x8xi32>
    %eq3A_84 = vector.broadcast %broadcast_in_dim3A : vector<1x8xi32> to vector<400x8xi32>
    %eq3A_85 = arith.cmpi eq, %eq3A, %eq3A_84 : vector<400x8xi32>
    %convert_element_type3A = arith.extui %eq3A_85 : vector<400x8xi1> to vector<400x8xi32>
    %convert_element_type3A_86 = arith.sitofp %convert_element_type3A : vector<400x8xi32> to vector<400x8xf32>
    %dot_general3A_87 = arith.constant dense<0.000000e+00> : vector<8x128xf32>
    %dot_general3A_88 = tpu.matmul %convert_element_type3A_86, %add3A_79, %dot_general3A_87 {dimension_numbers = #tpu.dot_dimension_numbers<[0], [0], [1], [1], [0, 1, 1, 1], [], []>, transpose_lhs_hint = false} : vector<400x8xf32>, vector<400x128xf32>, vector<8x128xf32> -> vector<8x128xf32>
    %reduce_sum3A = arith.constant dense<0.000000e+00> : vector<8xf32>
    %reduce_sum3A_89 = vector.multi_reduction <add>, %convert_element_type3A_86, %reduce_sum3A [0] : vector<400x8xf32> to vector<8xf32>
    %broadcast_in_dim3A_90 = vector.shape_cast %reduce_sum3A_89 : vector<8xf32> to vector<1x8xf32>
    %eq3A_91 = arith.constant 0 : i32
    %eq3A_92 = arith.cmpi eq, %arg0, %eq3A_91 : i32
    %convert_element_type3A_93 = arith.extui %eq3A_92 : i1 to i32
    %cond3A = arith.constant 0 : i32
    %cond3A_94 = arith.cmpi ne, %convert_element_type3A_93, %cond3A : i32
    scf.if %cond3A_94 {
      %swap3A = arith.constant 0 : index
      %swap3A_105 = arith.constant 0 : index
      %swap3A_106 = vector.load %arg15[%swap3A, %swap3A_105] : memref<8x128xf32, #tpu.memory_space<vmem>>, vector<8x128xf32>
      tpu.vector_store %arg15[%swap3A, %swap3A_105], %dot_general3A_88 {strides = array<i32>} : memref<8x128xf32, #tpu.memory_space<vmem>>, vector<8x128xf32>,
      %swap3A_107 = arith.constant 0 : index
      %swap3A_108 = arith.constant 0 : index
      %swap3A_109 = vector.load %arg16[%swap3A_107, %swap3A_108] : memref<1x8xf32, #tpu.memory_space<vmem>>, vector<1x8xf32>
      tpu.vector_store %arg16[%swap3A_107, %swap3A_108], %broadcast_in_dim3A_90 {strides = array<i32>} : memref<1x8xf32, #tpu.memory_space<vmem>>, vector<1x8xf32>,
    } else {
    }
    %gt3A_95 = arith.constant 0 : i32
    %gt3A_96 = arith.cmpi sgt, %arg0, %gt3A_95 : i32
    %convert_element_type3A_97 = arith.extui %gt3A_96 : i1 to i32
    %cond3A_98 = arith.constant 0 : i32
    %cond3A_99 = arith.cmpi ne, %convert_element_type3A_97, %cond3A_98 : i32
    scf.if %cond3A_99 {
      %get3A_105 = arith.constant 0 : index
      %get3A_106 = arith.constant 0 : index
      %get3A_107 = vector.load %arg15[%get3A_105, %get3A_106] : memref<8x128xf32, #tpu.memory_space<vmem>>, vector<8x128xf32>
      %add3A_108 = arith.addf %get3A_107, %dot_general3A_88 : vector<8x128xf32>
      %swap3A = arith.constant 0 : index
      %swap3A_109 = arith.constant 0 : index
      %swap3A_110 = vector.load %arg15[%swap3A, %swap3A_109] : memref<8x128xf32, #tpu.memory_space<vmem>>, vector<8x128xf32>
      tpu.vector_store %arg15[%swap3A, %swap3A_109], %add3A_108 {strides = array<i32>} : memref<8x128xf32, #tpu.memory_space<vmem>>, vector<8x128xf32>,
      %get3A_111 = arith.constant 0 : index
      %get3A_112 = arith.constant 0 : index
      %get3A_113 = vector.load %arg16[%get3A_111, %get3A_112] : memref<1x8xf32, #tpu.memory_space<vmem>>, vector<1x8xf32>
      %add3A_114 = arith.addf %get3A_113, %broadcast_in_dim3A_90 : vector<1x8xf32>
      %swap3A_115 = arith.constant 0 : index
      %swap3A_116 = arith.constant 0 : index
      %swap3A_117 = vector.load %arg16[%swap3A_115, %swap3A_116] : memref<1x8xf32, #tpu.memory_space<vmem>>, vector<1x8xf32>
      tpu.vector_store %arg16[%swap3A_115, %swap3A_116], %add3A_114 {strides = array<i32>} : memref<1x8xf32, #tpu.memory_space<vmem>>, vector<1x8xf32>,
    } else {
    }
    %eq3A_100 = arith.constant 24 : i32
    %eq3A_101 = arith.cmpi eq, %arg0, %eq3A_100 : i32
    %convert_element_type3A_102 = arith.extui %eq3A_101 : i1 to i32
    %cond3A_103 = arith.constant 0 : i32
    %cond3A_104 = arith.cmpi ne, %convert_element_type3A_102, %cond3A_103 : i32
    scf.if %cond3A_104 {
      %get3A_105 = arith.constant 0 : index
      %get3A_106 = arith.constant 0 : index
      %get3A_107 = vector.load %arg16[%get3A_105, %get3A_106] : memref<1x8xf32, #tpu.memory_space<vmem>>, vector<1x8xf32>
      %max3A_108 = arith.constant 1.000000e+00 : f32
      %max3A_109 = vector.broadcast %max3A_108 : f32 to vector<1x8xf32>
      %max3A_110 = arith.maximumf %get3A_107, %max3A_109 : vector<1x8xf32>
      %iota3A_111 = tpu.iota {dimensions = array<i32: 0>} : vector<8x8xi32>
      %iota3A_112 = tpu.iota {dimensions = array<i32: 1>} : vector<8x8xi32>
      %eq3A_113 = arith.cmpi eq, %iota3A_111, %iota3A_112 : vector<8x8xi32>
      %div3A_114 = arith.constant 1.000000e+00 : f32
      %div3A_115 = vector.broadcast %div3A_114 : f32 to vector<1x8xf32>
      %div3A_116 = arith.divf %div3A_115, %max3A_110 : vector<1x8xf32>
      %jit3A = arith.constant 0.000000e+00 : f32
      %broadcast_in_dim3A_117 = vector.shape_cast %div3A_116 : vector<1x8xf32> to vector<1x8xf32>
      %broadcast_in_dim3A_118 = vector.broadcast %broadcast_in_dim3A_117 : vector<1x8xf32> to vector<8x8xf32>
      %broadcast_in_dim3A_119 = vector.broadcast %jit3A : f32 to vector<8x8xf32>
      %select_n3A_120 = arith.select %eq3A_113, %broadcast_in_dim3A_118, %broadcast_in_dim3A_119 : vector<8x8xi1>, vector<8x8xf32>
      %get3A_121 = arith.constant 0 : index
      %get3A_122 = arith.constant 0 : index
      %get3A_123 = vector.load %arg15[%get3A_121, %get3A_122] : memref<8x128xf32, #tpu.memory_space<vmem>>, vector<8x128xf32>
      %dot_general3A_124 = arith.constant dense<0.000000e+00> : vector<8x128xf32>
      %dot_general3A_125 = tpu.matmul %select_n3A_120, %get3A_123, %dot_general3A_124 {dimension_numbers = #tpu.dot_dimension_numbers<[1], [0], [0], [1], [0, 0, 1, 1], [], []>, transpose_lhs_hint = false} : vector<8x8xf32>, vector<8x128xf32>, vector<8x128xf32> -> vector<8x128xf32>
      %get3A_126 = arith.constant 0 : index
      %get3A_127 = arith.constant 0 : index
      %get3A_128 = vector.load %arg12[%get3A_126, %get3A_127] : memref<128x64xf32, #tpu.memory_space<vmem>>, vector<128x64xf32>
      %dot_general3A_129 = arith.constant dense<0.000000e+00> : vector<8x64xf32>
      %dot_general3A_130 = tpu.matmul %dot_general3A_125, %get3A_128, %dot_general3A_129 {dimension_numbers = #tpu.dot_dimension_numbers<[1], [0], [0], [1], [0, 0, 1, 1], [], []>, transpose_lhs_hint = false} : vector<8x128xf32>, vector<128x64xf32>, vector<8x64xf32> -> vector<8x64xf32>
      %get3A_131 = arith.constant 0 : index
      %get3A_132 = arith.constant 0 : index
      %get3A_133 = vector.load %arg13[%get3A_131, %get3A_132] : memref<1x64xf32, #tpu.memory_space<vmem>>, vector<1x64xf32>
      %add3A_134 = vector.broadcast %get3A_133 : vector<1x64xf32> to vector<8x64xf32>
      %add3A_135 = arith.addf %dot_general3A_130, %add3A_134 : vector<8x64xf32>
      %swap3A = arith.constant 0 : index
      %swap3A_136 = arith.constant 0 : index
      %swap3A_137 = vector.load %arg14[%swap3A, %swap3A_136] : memref<8x64xf32, #tpu.memory_space<vmem>>, vector<8x64xf32>
      tpu.vector_store %arg14[%swap3A, %swap3A_136], %add3A_135 {strides = array<i32>} : memref<8x64xf32, #tpu.memory_space<vmem>>, vector<8x64xf32>,
    } else {
    }
    return
  }
  func.func @transform_0(%arg0: i32) -> (i32, i32, i32) {
    %c0_i32 = arith.constant 0 : i32
    %c0_i32_0 = arith.constant 0 : i32
    %c0_i32_1 = arith.constant 0 : i32
    return %c0_i32, %arg0, %c0_i32_0 : i32, i32, i32
  }
  func.func @transform_1(%arg0: i32) -> (i32, i32, i32) {
    %c0_i32 = arith.constant 0 : i32
    %c0_i32_0 = arith.constant 0 : i32
    %c0_i32_1 = arith.constant 0 : i32
    return %c0_i32, %arg0, %c0_i32_0 : i32, i32, i32
  }
  func.func @transform_2(%arg0: i32) -> (i32, i32, i32) {
    %c0_i32 = arith.constant 0 : i32
    %c0_i32_0 = arith.constant 0 : i32
    %c0_i32_1 = arith.constant 0 : i32
    return %c0_i32, %arg0, %c0_i32_0 : i32, i32, i32
  }
  func.func @transform_3(%arg0: i32) -> (i32, i32) {
    %c0_i32 = arith.constant 0 : i32
    %c0_i32_0 = arith.constant 0 : i32
    return %arg0, %c0_i32 : i32, i32
  }
  func.func @transform_4(%arg0: i32) -> (i32, i32) {
    %c0_i32 = arith.constant 0 : i32
    %c0_i32_0 = arith.constant 0 : i32
    return %arg0, %c0_i32 : i32, i32
  }
  func.func @transform_5(%arg0: i32) -> (i32, i32) {
    %c0_i32 = arith.constant 0 : i32
    %c0_i32_0 = arith.constant 0 : i32
    return %arg0, %c0_i32 : i32, i32
  }
  func.func @transform_6(%arg0: i32) -> (i32, i32) {
    %c0_i32 = arith.constant 0 : i32
    %c0_i32_0 = arith.constant 0 : i32
    %c0_i32_1 = arith.constant 0 : i32
    return %c0_i32, %c0_i32_0 : i32, i32
  }
  func.func @transform_7(%arg0: i32) -> (i32, i32) {
    %c0_i32 = arith.constant 0 : i32
    %c0_i32_0 = arith.constant 0 : i32
    %c0_i32_1 = arith.constant 0 : i32
    return %c0_i32, %c0_i32_0 : i32, i32
  }
  func.func @transform_8(%arg0: i32) -> (i32, i32) {
    %c0_i32 = arith.constant 0 : i32
    %c0_i32_0 = arith.constant 0 : i32
    %c0_i32_1 = arith.constant 0 : i32
    return %c0_i32, %c0_i32_0 : i32, i32
  }
  func.func @transform_9(%arg0: i32) -> (i32, i32) {
    %c0_i32 = arith.constant 0 : i32
    %c0_i32_0 = arith.constant 0 : i32
    %c0_i32_1 = arith.constant 0 : i32
    return %c0_i32, %c0_i32_0 : i32, i32
  }
  func.func @transform_10(%arg0: i32) -> (i32, i32) {
    %c0_i32 = arith.constant 0 : i32
    %c0_i32_0 = arith.constant 0 : i32
    return %arg0, %c0_i32 : i32, i32
  }
  func.func @transform_11(%arg0: i32) -> (i32, i32) {
    %c0_i32 = arith.constant 0 : i32
    %c0_i32_0 = arith.constant 0 : i32
    %c0_i32_1 = arith.constant 0 : i32
    return %c0_i32, %c0_i32_0 : i32, i32
  }
  func.func @transform_12(%arg0: i32) -> (i32, i32) {
    %c0_i32 = arith.constant 0 : i32
    %c0_i32_0 = arith.constant 0 : i32
    %c0_i32_1 = arith.constant 0 : i32
    return %c0_i32, %c0_i32_0 : i32, i32
  }
  func.func @transform_13(%arg0: i32) -> (i32, i32) {
    %c0_i32 = arith.constant 0 : i32
    %c0_i32_0 = arith.constant 0 : i32
    %c0_i32_1 = arith.constant 0 : i32
    return %c0_i32, %c0_i32_0 : i32, i32
  }
}

</mosaic_0001>

<sc_bundles>
// kernel: kernel.11.cloned.1.call-start
scs
__scs_entry_jumppad:
0x0: {  	(pc) =	sbr.rel $0x88, $3  }
0x1: {  	(tag) =	ssettag $0x0;
	lr =	simm.s32 $0x1  }
0x2: {  	[smem:$0x3F8F] =	sst lr;
	_ =	strace $0xD0000000  }
0x3: {  	_ = 	snop  }
0x4: {  	_ = 	snop  }
0x5: {  	_ = 	snop  }
0x6: {  	_ = 	snop  }
0x7: {  	_ = 	snop  }
__scs_overlays_trampoline_lowered:
0x8: {  	[smem:$0x3F9E] =	sst s0  }
0x9: {  	[smem:$0x3F9F] =	sst s1  }
0xa: {  	[smem:$0x3FA0] =	sst s2  }
0xb: {  	[smem:$0x3FA1] =	sst s3  }
0xc: {  	[smem:$0x3FA2] =	sst s4  }
0xd: {  	[smem:$0x3FA3] =	sst s5  }
0xe: {  	[smem:$0x3FA4] =	sst s6  }
0xf: {  	[smem:$0x3FA5] =	sst s7  }
0x10: {  	[smem:$0x3FA6] =	sst s8  }
0x11: {  	[smem:$0x3FA7] =	sst s9;
	s0 =	simm.s32 @!p0 $0x0  }
0x12: {  	s1 =	sld [smem:$0x3F8D];
	s0 =	simm.s32 @p0 $0x1  }
0x13: {  	[smem:$0x3FA8] =	sst s0;
	s0 =	simm.s32 @!p1 $0x0  }
0x14: {  	s2 =	sld [smem:$0x3F8C];
	s0 =	simm.s32 @p1 $0x1  }
0x15: {  	[smem:$0x3FA9] =	sst s0;
	s0 =	simm.s32 @!p2 $0x0  }
0x16: {  	s3 =	sld [smem:$0x3FDB];
	s0 =	simm.s32 @p2 $0x1  }
0x17: {  	s4 =	simm.s32 $0x1BF5;
	[smem:$0x3FAB] =	sst s0  }
0x18: {  	s0 =	sld [smem:$0x3F8E];
	_ =	swait.ge [sflag:s4], $0x0  }
0x19: {  	s7 =	sld [smem:$0x3F8F]  }
0x1a: {  	s8 =	sadd.s32 $0xFFFFE003, lr  }
0x1b: {  	s9 =	sadd.s32 $0xFFFFFEF7, lr;
	s5 =	simm.s32 $0xFFFFFFFF;
	p2 =	slt.u32 s8, $0xFFFFF086  }
0x1c: {  	p1 =	slt.u32 s9, $0xF7A;
	s5 =	simm.s32 @!p2 $0x0  }
0x1d: {  	s5 =	simm.s32 @p1 $0x1;
	p0 =	seq.s32 s7, s2  }
0x1e: {  	s7 =	smul.u32 @!p0 $0xF7A, s2;
	p2 =	seq.s32 @!p0 s5, $0x0  }
0x1f: {  	s9 =	smul.u32 $0xF7A, s1;
	s8 =	simm.s32 @!p0 $0x1BF5;
	p2 =	por !p2, p0  }
0x20: {  	[sflag:s8] =	ssyncset.s32 @!p0 $0xFFFFF086;
	s6 =	sadd.s32 @!p0 s3, s7;
	s7 =	simm.s32 @!p0 $0x108  }
0x21: {  	s3 =	sadd.s32 s3, s9;
	s6 =	sadd.s32 @!p0 $0x88, s6;
	s7 =	simm.s32 @p2 $0x1082  }
0x22: {  	[simem:s7], [sflag:s8] =	dma.local @!p0 [hbm:s6], $0xF7A  }
0x23: {  	s9 =	sor.u32 $0xD0000000, s2;
	s6 =	simm.s32 $0x108;
	_ =	swait.ge @!p0 [sflag:s8], $0x0  }
0x24: {  	s3 =	sadd.s32 $0x88, s3;
	s6 =	simm.s32 @!p1 $0x1082;
	[sflag:s4] =	ssyncset.s32 $0xFFFFF086  }
0x25: {  	[simem:s6], [sflag:s4] =	dma.local [hbm:s3], $0xF7A  }
0x26: {  	[smem:$0x3F8F] =	sst s1;
	(tag) =	ssettag s2;
	_ =	strace s9  }
0x27: {  	s1 =	sld [smem:$0x3F9F]  }
0x28: {  	s2 =	sld [smem:$0x3FA0]  }
0x29: {  	s4 =	sld [smem:$0x3FA2]  }
0x2a: {  	p0 =	seq.s32 s5, $0x0;
	s5 =	sld [smem:$0x3FA3]  }
0x2b: {  	s6 =	sld [smem:$0x3FA4]  }
0x2c: {  	s7 =	sld [smem:$0x3FA5]  }
0x2d: {  	s3 =	simm.s32 $0x108;
	s8 =	sld [smem:$0x3FA6]  }
0x2e: {  	s3 =	simm.s32 @!p0 $0x1082;
	s9 =	sld [smem:$0x3FA7]  }
0x2f: {  	lr =	sadd.s32 s0, s3;
	s0 =	sld [smem:$0x3F9E]  }
0x30: {  	s3 =	sld [smem:$0x3FA1]  }
0x31: {  	[smem:$0x3FAA] =	sst s10  }
0x32: {  	s10 =	sld [smem:$0x3FA8];
	_ =	sdelay $0x3  }
0x33: {  	p0 =	seq.s32 s10, $0x1;
	s10 =	sld [smem:$0x3FAA];
	_ =	sdelay $0x3  }
0x34: {  	[smem:$0x3FAA] =	sst s10  }
0x35: {  	s10 =	sld [smem:$0x3FA9];
	_ =	sdelay $0x3  }
0x36: {  	p1 =	seq.s32 s10, $0x1;
	s10 =	sld [smem:$0x3FAA];
	_ =	sdelay $0x3  }
0x37: {  	[smem:$0x3FAA] =	sst s10  }
0x38: {  	s10 =	sld [smem:$0x3FAB]  }
0x39: {  	_ = 	snop;
	(pc) =	sbr.ind lr, $3  }
0x3a: {  	_ = 	snop  }
0x3b: {  	_ = 	snop  }
0x3c: {  	p2 =	seq.s32 s10, $0x1;
	s10 =	sld [smem:$0x3FAA]  }
0x3d: {  	_ =	shalt  }
0x3e: {  	_ =	shalt  }
0x3f: {  	_ =	shalt  }
0x40: {  	_ =	shalt  }
0x41: {  	_ =	shalt  }
0x42: {  	_ =	shalt  }
0x43: {  	_ =	shalt  }
0x44: {  	_ =	shalt  }
0x45: {  	_ =	shalt  }
0x46: {  	_ =	shalt  }
0x47: {  	_ =	shalt  }
0x48: {  	_ =	shalt  }
0x49: {  	_ =	shalt  }
0x4a: {  	_ =	shalt  }
0x4b: {  	_ =	shalt  }
0x4c: {  	_ =	shalt  }
0x4d: {  	_ =	shalt  }
0x4e: {  	_ =	shalt  }
0x4f: {  	_ =	shalt  }
0x50: {  	_ =	shalt  }
0x51: {  	_ =	shalt  }
0x52: {  	_ =	shalt  }
0x53: {  	_ =	shalt  }
0x54: {  	_ =	shalt  }
0x55: {  	_ =	shalt  }
0x56: {  	_ =	shalt  }
0x57: {  	_ =	shalt  }
0x58: {  	_ =	shalt  }
0x59: {  	_ =	shalt  }
0x5a: {  	_ =	shalt  }
0x5b: {  	_ =	shalt  }
0x5c: {  	_ =	shalt  }
0x5d: {  	_ =	shalt  }
0x5e: {  	_ =	shalt  }
0x5f: {  	_ =	shalt  }
0x60: {  	_ =	shalt  }
0x61: {  	_ =	shalt  }
0x62: {  	_ =	shalt  }
0x63: {  	_ =	shalt  }
0x64: {  	_ =	shalt  }
0x65: {  	_ =	shalt  }
0x66: {  	_ =	shalt  }
0x67: {  	_ =	shalt  }
0x68: {  	_ =	shalt  }
0x69: {  	_ =	shalt  }
0x6a: {  	_ =	shalt  }
0x6b: {  	_ =	shalt  }
0x6c: {  	_ =	shalt  }
0x6d: {  	_ =	shalt  }
0x6e: {  	_ =	shalt  }
0x6f: {  	_ =	shalt  }
0x70: {  	_ =	shalt  }
0x71: {  	_ =	shalt  }
0x72: {  	_ =	shalt  }
0x73: {  	_ =	shalt  }
0x74: {  	_ =	shalt  }
0x75: {  	_ =	shalt  }
0x76: {  	_ =	shalt  }
0x77: {  	_ =	shalt  }
0x78: {  	_ =	shalt  }
0x79: {  	_ =	shalt  }
0x7a: {  	_ =	shalt  }
0x7b: {  	_ =	shalt  }
0x7c: {  	_ =	shalt  }
0x7d: {  	_ =	shalt  }
0x7e: {  	_ =	shalt  }
0x7f: {  	_ =	shalt  }
0x80: {  	_ =	shalt  }
0x81: {  	_ =	shalt  }
0x82: {  	_ =	shalt  }
0x83: {  	_ =	shalt  }
0x84: {  	_ =	shalt  }
0x85: {  	_ =	shalt  }
0x86: {  	_ =	shalt  }
0x87: {  	_ =	shalt  }
.Lfunc_end0:
.L_simem_size_0:
called_computation.1_lowered:
.L_overlay_start_0:
0x88: {  	s2 =	sld [smem:$0x3FD9]  }
0x89: {  	s3 =	sld [smem:$0x3FFE];
	_ =	sdelay $0x1  }
0x8a: {  	s1 =	srdreg.scid  }
0x8b: {  	s0 =	sand.u32 $0x1, s1  }
0x8c: {  	s17 =	sshll.u32 s0, $0xA;
	s2 =	sadd.s32 s3, s2  }
0x8d: {  	s2 =	sadd.s32 s2, s17  }
0x8e: {  	[smem:$0x3FB6] =	sst s2  }
0x8f: {  	_ = 	snop  }
0x90: {  	(tm) =	ssettm $0x1  }
0x91: {  	s18 =	sld [smem:$0x3FFB];
	_ =	sdelay $0x3  }
0x92: {  	_ =	strace s18  }
0x93: {  	s2 =	sld [smem:$0x3FFC];
	_ =	sdelay $0x3  }
0x94: {  	_ =	strace s2  }
0x95: {  	s2 =	sld [smem:$0x3FFD];
	_ =	sdelay $0x3  }
0x96: {  	_ =	strace s2  }
0x97: {  	_ =	strace $0x8FFFFFFF  }
0x98: {  	s19 =	sld [smem:$0x3FDB];
	_ =	sdelay $0x1  }
0x99: {  	s20 =	simm.s32 $_scs_section_size  }
0x9a: {  	s4 =	simm.s32 $_size__tile_overlayer_lowered;
	s5 =	simm.s32 $_tile_overlayer_lowered  }
0x9b: {  	s6 =	simm.s32 $0x1BFF;
	s21 =	sshll.u32 s5, $0x1;
	s3 =	sadd.s32 s20, s19  }
0x9c: {  	s22 =	simm.s32 $0x0;
	s4 =	sshll.u32 s4, $0x1;
	s5 =	sadd.s32 s21, s3  }
0x9d: {  	[timem:s22], [sflag:s6] =	dma.local [hbm:s5], s4  }
0x9e: {  	_ =	swait.ge [sflag:s6], s4  }
0x9f: {  	s4 =	ssub.s32 $0x0, s4;
	[sflag:s6] =	ssyncset.done $0x0  }
0xa0: {  	[sflag:s6] =	ssyncadd.s32 s4;
	_ =	sdelay $0x1  }
0xa1: {  	s23 =	simm.s32 $0x1B8B  }
0xa2: {  	_ =	swait.ge [sflag:s23], $0x1  }
0xa3: {  	[sflag:s23] =	ssyncset.done $0x0  }
0xa4: {  	[sflag:s23] =	ssyncadd.s32 $0xFFFFFFFF  }
0xa5: {  	s4 =	sld [smem:$0x0]  }
0xa6: {  	s5 =	sand.u32 $0xFFFFFFFE, s1  }
0xa7: {  	p0 =	sne.s32 s1, s5  }
0xa8: {  	s5 =	sshll.u32 @p0 s5, $0xE  }
0xa9: {  	s5 =	sadd.s32 @p0 $0x11B8D, s5;
	s6 =	sshll.u32 @p0 s4, $0x11  }
0xaa: {  	s5 =	sor.u32 @p0 s6, s5  }
0xab: {  	[sflag:s5] =	ssyncadd.remote.s32 @p0 $0x1;
	_ =	sdelay $0x1  }
0xac: {  	s5 =	simm.s32 @p0 $0x1B8D  }
0xad: {  	_ =	swait.eq @p0 [sflag:s5], $0x1  }
0xae: {  	[sflag:s5] =	ssyncadd.s32 @p0 $0xFFFFFFFF  }
0xaf: {  	s6 =	sshll.u32 @!p0 s1, $0xE  }
0xb0: {  	s6 =	sor.u32 @!p0 $0x4000, s6;
	s5 =	simm.s32 @!p0 $0x1B8D  }
0xb1: {  	s4 =	sshll.u32 @!p0 s4, $0x11;
	s6 =	sadd.s32 @!p0 $0x11B8D, s6;
	_ =	swait.eq @!p0 [sflag:s5], $0x1  }
0xb2: {  	s4 =	sor.u32 @!p0 s4, s6;
	[sflag:s5] =	ssyncadd.s32 @!p0 $0xFFFFFFFF  }
0xb3: {  	s25 =	simm.s32 $0x1B8E;
	s24 =	sld [smem:$0x3FFE];
	[sflag:s4] =	ssyncadd.remote.s32 @!p0 $0x1  }
0xb4: {  	s26 =	simm.s32 $execute0_lowered;
	[smem:$0x3FD2] =	sst s25  }
0xb5: {  	s5 =	sshll.u32 s26, $0x1;
	_ =	strace $0x80000049;
	[dreg:$0x1] =	wrdreg $0xFFFFFFFF  }
0xb6: {  	s28 =	simm.s32 $_size_execute0_lowered;
	s3 =	sadd.s32 s3, s5;
	[dreg:$0x0] =	wrdreg $0x0  }
0xb7: {  	s5 =	sshll.u32 s28, $0x1;
	[dreg:$0x2] =	wrdreg s3  }
0xb8: {  	[dreg:$0x3] =	wrdreg s5  }
0xb9: {  	[dreg:$0x4] =	wrdreg $0xC0  }
0xba: {  	_ =	task [dreg:s22], $0x5FFFF  }
0xbb: {  	[dreg:$0x1] =	wrdreg $0xFFFFFFFF  }
0xbc: {  	[dreg:$0x0] =	wrdreg $0x60  }
0xbd: {  	[dreg:$0x2] =	wrdreg s24  }
0xbe: {  	[dreg:$0x3] =	wrdreg $0x51400  }
0xbf: {  	[dreg:$0x4] =	wrdreg $0xA  }
0xc0: {  	_ =	task.clear_ibuf [dreg:s22], $0x5FFFF;
	_ =	strace $0x90000049  }
0xc1: {  	s29 =	simm.s32 $0xA;
	_ =	strace $0x8000004B  }
0xc2: {  	_ =	swait.ge [sflag:s29], $0x1  }
0xc3: {  	[sflag:s29] =	ssyncadd.s32 $0xFFFFFFFF  }
0xc4: {  	_ =	strace $0x9000004B  }
0xc5: {  	_ =	sfence  }
0xc6: {  	s30 =	sld [smem:$0x0];
	_ =	sdelay $0x2  }
0xc7: {  	s31 =	sshll.u32 s1, $0xD;
	s1 =	sshrl.u32 s1, $0x2  }
0xc8: {  	s4 =	sand.u32 $0x4000, s31;
	s1 =	sadd.s32 s1, s30  }
0xc9: {  	s0 =	sor.u32 s4, s0;
	s1 =	sshll.u32 s1, $0x11  }
0xca: {  	s0 =	sor.u32 s1, s0  }
0xcb: {  	s0 =	sadd.s32 $0x8F2B, s0  }
0xcc: {  	[sflag:s0] =	ssyncadd.remote.s32 $0x1  }
0xcd: {  	_ =	sfence.sel $0xFFFF  }
0xce: {  	[dreg:$0x0] =	wrdreg $0xFFFFFFFF;
	(pc) =	sbr.abs _section_cstart, $3  }
0xcf: {  	[dreg:$0x1] =	wrdreg $0xFFFFFFFF  }
0xd0: {  	_ =	task.clear_ibuf [dreg:s22], $0x2FFFF;
	_ =	strace $0x9FFFFFFF  }
0xd1: {  	(tm) =	ssettm $0x7FFFFFFF  }
tec
execute0_lowered:
.L_overlay_start_1:
0x0: {  	(tag) =	ssettag $0x1  }
0x1: {  	s0 =	rddreg [dreg:$0x0]  }
0x2: {  	s1 =	rddreg [dreg:$0x1]  }
0x3: {  	s2 =	simm.s32 $0x0;
	s3 =	srdreg.scid;
	s10 =	stileid.u32  }
0x4: {  	s28 =	simm.s32 $0x28F0;
	s29 =	simm.s32 $0x50F0;
	s30 =	simm.s32 $0x2  }
0x5: {  	s31 =	simm.s32 $0x3;
	[smem:$0x7FF] =	sst s2;
	s8 =	smul.u32 $0x13880, s10  }
0x6: {  	s3 =	sand.u32 $0x1, s3;
	s4 =	sadd.s32 $0x5D2E00, s0;
	s21 =	smul.u32 $0x4E200, s10  }
0x7: {  	s5 =	sadd.s32 $0x8EC00, s0;
	s6 =	sadd.s32 $0xF0C00, s0;
	s7 =	smul.u32 $0x138800, s3  }
0x8: {  	_ =	strace $0x8000004A;
	s9 =	sshll.u32 s3, $0x4;
	s3 =	ssub.s32 $0x2, s3  }
0x9: {  	s9 =	sor.u32 s10, s9;
	s23 =	sshrl.u32 s3, $0x1;
	s7 =	sadd.s32 s8, s7  }
0xa: {  	s8 =	sshrl.u32 s21, $0x2;
	s3 =	ssub.s32 s3, s23;
	s23 =	simm.s32 $0x5  }
0xb: {  	s22 =	sshrl.u32 s7, $0x3;
	s7 =	smul.u32 $0x2710, s9;
	s8 =	sadd.s32 s8, s1  }
0xc: {  	s9 =	smul.u32 $0x27100, s9;
	s15 =	smax.u32 s3, $0x1;
	s0 =	sadd.s32 s22, s0  }
0xd: {  	s24 =	sadd.s32 $0x11800, s8;
	s16 =	sadd.s32 $0x2800, s8;
	s17 =	sadd.s32 $0x5000, s8  }
0xe: {  	s18 =	sadd.s32 $0x7800, s8;
	s19 =	sadd.s32 $0xA000, s8;
	s20 =	sadd.s32 $0xC800, s8  }
0xf: {  	s21 =	sadd.s32 $0xF000, s8;
	s22 =	simm.s32 $0x50;
	s11 =	sshrl.u32 s7, $0x3  }
.Ltmp0:
0x10: {  	[dreg:$0x3] =	wrdreg s24;
	s9 =	sadd.s32 s4, s9;
	(pc) =	sbr.rel .LBB2_1-.Ltmp0, $4  }
0x11: {  	s13 =	sadd.s32 $0xA0, s7;
	s0 =	sadd.s32 $0xFAA00, s0;
	[dreg:$0x5] =	wrdreg s9  }
0x12: {  	s24 =	simm.s32 $0x2850;
	s25 =	sadd.s32 s5, s11;
	[dreg:$0x7] =	wrdreg s0  }
0x13: {  	s26 =	sadd.s32 s6, s11;
	s0 =	simm.s32 $0x0;
	[dreg:$0x4] =	wrdreg s25  }
0x14: {  	v0 =	vimm.f32 $0.0e+00;
	[dreg:$0x6] =	wrdreg s26;
	s25 =	simm.s32 $0x1;
	s26 =	simm.s32 $0x28A0  }
.LBB2_13:
0x15: {  	_ =	swait.ge [sflag:s31], $0x2800  }
0x16: {  	s3 =	stileid.u32;
	[sflag:s31] =	ssyncset.done $0x0  }
0x17: {  	s9 =	sshrl.u32 s8, $0x3;
	s0 =	sadd.s32 $0x1, s0;
	[sflag:s31] =	ssyncadd.s32 $0xFFFFD800  }
0x18: {  	s3 =	sshll.u32 s3, $0x6;
	p0 =	sne.s32 s0, s15;
	[bflag:$0x0] =	sbarrier.arrive $0xFFFF  }
.Ltmp1:
0x19: {  	s3 =	sor.u32 $0x1C05, s3;
	s10 =	rddreg [dreg:$0x7];
	(pc) =	sbr.rel @!p0 .LBB2_14-.Ltmp1, $4  }
0x1a: {  	[hbm:s10], [sflag:s3] =	dma.local [spmem:s9], $0x2710  }
0x1b: {  	_ =	swait.ge [sflag:s23], $0x2710  }
0x1c: {  	[sflag:s23] =	ssyncset.done $0x0  }
0x1d: {  	[sflag:s23] =	ssyncadd.s32 $0xFFFFD8F0  }
.LBB2_1:
0x1e: {  	s3 =	simm.s32 $0x0;
	s9 =	simm.s32 $0x200  }
.LBB2_2:
0x1f: {  	p0 =	sne.s32 s9, $0x9E00;
	[tilespmem:s3+$0xC0] =	vst v0  }
0x20: {  	[tilespmem:s3+$0x50] =	vst v0  }
0x21: {  	[tilespmem:s3+$0x60] =	vst v0  }
.Ltmp2:
0x22: {  	[tilespmem:s3+$0x70] =	vst v0;
	(pc) =	sbr.rel @p0 .LBB2_2-.Ltmp2, $4  }
0x23: {  	[tilespmem:s3+$0x80] =	vst v0  }
0x24: {  	[tilespmem:s3+$0x90] =	vst v0  }
0x25: {  	[tilespmem:s3+$0xA0] =	vst v0  }
0x26: {  	[tilespmem:s3+$0xB0] =	vst v0;
	s3 =	sshra.s32 s9, $0x2;
	s9 =	sadd.s32 $0x200, s9  }
0x27: {  	[tilespmem:s3+$0xC0] =	vst v0  }
0x28: {  	[tilespmem:s3+$0x50] =	vst v0  }
0x29: {  	[tilespmem:s3+$0x60] =	vst v0  }
0x2a: {  	[tilespmem:s3+$0x70] =	vst v0  }
0x2b: {  	[tilespmem:s3+$0x80] =	vst v0  }
0x2c: {  	[tilespmem:s3+$0x90] =	vst v0  }
0x2d: {  	[tilespmem:s3+$0xA0] =	vst v0  }
0x2e: {  	[tilespmem:s3+$0xB0] =	vst v0  }
0x2f: {  	[spmem:s8] =	stream.linear.scatter [tilespmem:s22], [sflag:$0x5], $0x2800, $0x38;
	[tilespmem:$0x189C0] =	vst v63  }
0x30: {  	_ =	swait.ge [sflag:s23], $0x2800  }
0x31: {  	[sflag:s23] =	ssyncset.done $0x0  }
0x32: {  	[sflag:s23] =	ssyncadd.s32 $0xFFFFD800  }
0x33: {  	[spmem:s16] =	stream.linear.scatter [tilespmem:s22], [sflag:$0x5], $0x2800, $0x38;
	[tilespmem:$0x189C0] =	vst v63  }
0x34: {  	_ =	swait.ge [sflag:s23], $0x2800  }
0x35: {  	[sflag:s23] =	ssyncset.done $0x0  }
0x36: {  	[sflag:s23] =	ssyncadd.s32 $0xFFFFD800  }
0x37: {  	[spmem:s17] =	stream.linear.scatter [tilespmem:s22], [sflag:$0x5], $0x2800, $0x38;
	[tilespmem:$0x189C0] =	vst v63  }
0x38: {  	_ =	swait.ge [sflag:s23], $0x2800  }
0x39: {  	[sflag:s23] =	ssyncset.done $0x0  }
0x3a: {  	[sflag:s23] =	ssyncadd.s32 $0xFFFFD800  }
0x3b: {  	[spmem:s18] =	stream.linear.scatter [tilespmem:s22], [sflag:$0x5], $0x2800, $0x38;
	[tilespmem:$0x189C0] =	vst v63  }
0x3c: {  	_ =	swait.ge [sflag:s23], $0x2800  }
0x3d: {  	[sflag:s23] =	ssyncset.done $0x0  }
0x3e: {  	[sflag:s23] =	ssyncadd.s32 $0xFFFFD800  }
0x3f: {  	[spmem:s19] =	stream.linear.scatter [tilespmem:s22], [sflag:$0x5], $0x2800, $0x38;
	[tilespmem:$0x189C0] =	vst v63  }
0x40: {  	_ =	swait.ge [sflag:s23], $0x2800  }
0x41: {  	[sflag:s23] =	ssyncset.done $0x0  }
0x42: {  	[sflag:s23] =	ssyncadd.s32 $0xFFFFD800  }
0x43: {  	[spmem:s20] =	stream.linear.scatter [tilespmem:s22], [sflag:$0x5], $0x2800, $0x38;
	[tilespmem:$0x189C0] =	vst v63  }
0x44: {  	_ =	swait.ge [sflag:s23], $0x2800  }
0x45: {  	[sflag:s23] =	ssyncset.done $0x0  }
0x46: {  	[sflag:s23] =	ssyncadd.s32 $0xFFFFD800  }
0x47: {  	[spmem:s21] =	stream.linear.scatter [tilespmem:s22], [sflag:$0x5], $0x2800, $0x38;
	[tilespmem:$0x189C0] =	vst v63  }
0x48: {  	_ =	swait.ge [sflag:s23], $0x2800  }
0x49: {  	[sflag:s23] =	ssyncset.done $0x0  }
0x4a: {  	s11 =	rddreg [dreg:$0x3];
	[sflag:s23] =	ssyncadd.s32 $0xFFFFD800  }
0x4b: {  	[spmem:s11] =	stream.linear.scatter [tilespmem:s22], [sflag:$0x5], $0x2080, $0x38;
	[tilespmem:$0x189C0] =	vst v63  }
0x4c: {  	_ =	swait.ge [sflag:s23], $0x2080  }
0x4d: {  	[sflag:s23] =	ssyncset.done $0x0  }
0x4e: {  	[sflag:s23] =	ssyncadd.s32 $0xFFFFDF80  }
0x4f: {  	[bflag:$0x0] =	sbarrier.arrive $0xFFFF  }
0x50: {  	s3 =	simm.s32 $0x0;
	s9 =	rddreg [dreg:$0x4]  }
0x51: {  	[tilespmem:s3], [sflag:$0x1] =	stream.linear.gather [hbm4b:s9+s3], $0x50, $0x38;
	[tilespmem:$0x189C0] =	vst v63  }
.Ltmp3:
0x52: {  	_ = 	snop;
	(pc) =	sbr.rel .LBB2_4-.Ltmp3, $4  }
0x53: {  	s12 =	rddreg [dreg:$0x5]  }
0x54: {  	[tilespmem:s22], [sflag:$0x1] =	stream.linear.gather [hbm4b:s12+s3], $0x2800, $0x38;
	[tilespmem:$0x189C0] =	vst v63  }
0x55: {  	s14 =	rddreg [dreg:$0x6]  }
0x56: {  	[tilespmem:s24], [sflag:$0x1] =	stream.linear.gather [hbm4b:s14+s3], $0x50, $0x38;
	[tilespmem:$0x189C0] =	vst v63  }
.LBB2_12:
0x57: {  	s3 =	sadd.s32 $0x1, s3  }
0x58: {  	p0 =	sne.s32 s3, $0x3F  }
.Ltmp4:
0x59: {  	_ = 	snop;
	(pc) =	sbr.rel @!p0 .LBB2_13-.Ltmp4, $1  }
0x5a: {  	_ =	sdelay $0x3  }
.LBB2_4:
0x5b: {  	_ =	swait.ge [sflag:s25], $0x50  }
0x5c: {  	[sflag:s25] =	ssyncset.done $0x0  }
0x5d: {  	[sflag:s25] =	ssyncadd.s32 $0xFFFFFFB0  }
0x5e: {  	p1 =	seq.s32 s3, $0x0;
	_ =	swait.ge [sflag:s25], $0x2800  }
0x5f: {  	s9 =	sshllo.u32 @!p1 s3, $0x1;
	[sflag:s25] =	ssyncset.done $0x0  }
0x60: {  	p0 =	sgt.u32 @!p1 s9, $0x7C;
	[sflag:s25] =	ssyncadd.s32 $0xFFFFD800  }
0x61: {  	p2 =	por p1, !p0;
	_ =	swait.ge [sflag:s25], $0x50  }
.Ltmp5:
0x62: {  	[sflag:s25] =	ssyncset.done $0x0;
	(pc) =	sbr.rel @!p2 .LBB2_6-.Ltmp5, $4  }
0x63: {  	s10 =	simm.s32 @!p1 $0x4;
	[sflag:s25] =	ssyncadd.s32 $0xFFFFFFB0  }
0x64: {  	_ =	swait.ge @!p1 [sflag:s10], $0x2800  }
0x65: {  	[sflag:s10] =	ssyncset.done @!p1 $0x0  }
0x66: {  	p0 =	por @!p1 $0x0, $0x0;
	[sflag:s10] =	ssyncadd.s32 @!p1 $0xFFFFD800  }
0x67: {  	s9 =	simm.s32 @p1 $0x1  }
0x68: {  	s9 =	smul.u32 $0x50, s9;
	_ =	sdelay $0x1  }
0x69: {  	s9 =	sadd.s32 s7, s9  }
0x6a: {  	s10 =	sshrl.u32 s9, $0x3;
	s9 =	sshll.u32 s9, $0x4  }
0x6b: {  	s11 =	sadd.s32 s5, s10;
	s9 =	sand.u32 $0x1FFFFF00, s9  }
0x6c: {  	[tilespmem:s26], [sflag:$0x2] =	stream.linear.gather [hbm4b:s11+s2], $0x50, $0x38;
	[tilespmem:$0x189C0] =	vst v63  }
0x6d: {  	s9 =	sadd.s32 s4, s9  }
0x6e: {  	[tilespmem:s28], [sflag:$0x2] =	stream.linear.gather [hbm4b:s9+s2], $0x2800, $0x38;
	[tilespmem:$0x189C0] =	vst v63  }
0x6f: {  	p0 =	por $0x1, $0x1;
	s14 =	sadd.s32 s6, s10  }
0x70: {  	[tilespmem:s29], [sflag:$0x2] =	stream.linear.gather [hbm4b:s14+s2], $0x50, $0x38;
	[tilespmem:$0x189C0] =	vst v63  }
.LBB2_6:
0x71: {  	s9 =	simm.s32 $0x0  }
0x72: {  	v1 =	vmov s9  }
0x73: {  	v1 =	vand.u32 $0xFFFFFFFE, v1  }
0x74: {  	v2 =	vbroadcast v1, $0x0;
	_ =	sdelay $0x3  }
0x75: {  	s9 =	simm.s32 $0xD0  }
0x76: {  	v5 =	vld [tilespmem:s9+$0xFFFFFFF0]  }
0x77: {  	v6 =	vld.idx.msk [tilespmem:v2+s24+$0x0], $0xffff  }
0x78: {  	v7 =	vld [tilespmem:s9+$0xFFFFFF80]  }
0x79: {  	v8 =	vld [tilespmem:s9+$0xFFFFFFA0]  }
0x7a: {  	v4 =	vld [tilespmem:s9+$0xFFFFFFB0]  }
0x7b: {  	v3 =	vld [tilespmem:s9+$0xFFFFFFD0]  }
0x7c: {  	v9 =	vld [tilespmem:s9+$0xFFFFFFE0];
	v5 =	vmul.f32 v5, v6  }
0x7d: {  	v10 =	vld [tilespmem:s9+$0xFFFFFF90];
	v7 =	vmul.f32 v7, v6  }
0x7e: {  	v11 =	vld [tilespmem:s9+$0xFFFFFFC0];
	v8 =	vmul.f32 v8, v6;
	[tilespmem:s9+$0xFFFFFFF0] =	vst v5  }
0x7f: {  	v4 =	vmul.f32 v4, v6;
	[tilespmem:s9+$0xFFFFFF80] =	vst v7  }
0x80: {  	s10 =	simm.s32 $0x1;
	v3 =	vmul.f32 v3, v6;
	[tilespmem:s9+$0xFFFFFFA0] =	vst v8  }
0x81: {  	v5 =	vmul.f32 v9, v6;
	[tilespmem:s9+$0xFFFFFFB0] =	vst v4;
	v7 =	vmov s10  }
0x82: {  	v1 =	vld [tilespmem:s9+$0x0];
	v4 =	vmul.f32 v10, v6;
	[tilespmem:s9+$0xFFFFFFD0] =	vst v3  }
0x83: {  	v2 =	vld [tilespmem:s9+$0x10];
	v3 =	vmul.f32 v11, v6;
	[tilespmem:s9+$0xFFFFFFE0] =	vst v5  }
0x84: {  	[tilespmem:s9+$0xFFFFFF90] =	vst v4;
	v5 =	vld [tilespmem:s9+$0x20]  }
0x85: {  	[tilespmem:s9+$0xFFFFFFC0] =	vst v3;
	v4 =	vld [tilespmem:s9+$0x70]  }
0x86: {  	s11 =	simm.s32 $0xD0;
	s10 =	simm.s32 $0x3;
	v3 =	vld.idx.msk [tilespmem:v7+s24+$0x0], $0xffff  }
.LBB2_7:
0x87: {  	p1 =	sne.s32 s10, $0x4F  }
0x88: {  	v6 =	vld [tilespmem:s9+$0x50];
	s11 =	sadd.s32 $0x100, s11;
	s12 =	smov.u32 s10;
	s10 =	sadd.s32 $0x2, s10  }
0x89: {  	v7 =	vld [tilespmem:s9+$0x30]  }
0x8a: {  	v8 =	vld [tilespmem:s9+$0x40]  }
0x8b: {  	v9 =	vld [tilespmem:s9+$0x60];
	_ =	sdelay $0x1  }
0x8c: {  	v1 =	vmul.f32 v1, v3;
	v2 =	vmul.f32 v2, v3  }
0x8d: {  	s14 =	sadd.s32 $0xFFFFFFFF, s12;
	v5 =	vmul.f32 v5, v3;
	v7 =	vmul.f32 v7, v3  }
0x8e: {  	v10 =	vmov s14;
	v6 =	vmul.f32 v6, v3;
	[tilespmem:s9+$0x0] =	vst v1;
	v8 =	vmul.f32 v8, v3  }
0x8f: {  	v10 =	vand.u32 $0xFFFFFFFE, v10;
	v1 =	vld [tilespmem:s11+$0x0];
	[tilespmem:s9+$0x20] =	vst v5;
	v5 =	vmul.f32 v9, v3;
	v3 =	vmul.f32 v4, v3  }
0x90: {  	v4 =	vbroadcast v10, $0x0;
	[tilespmem:s9+$0x10] =	vst v2  }
0x91: {  	[tilespmem:s9+$0x30] =	vst v7  }
0x92: {  	v7 =	vld [tilespmem:s11+$0xFFFFFFD0];
	[tilespmem:s9+$0x70] =	vst v3  }
0x93: {  	v3 =	vld [tilespmem:s11+$0xFFFFFFB0];
	[tilespmem:s9+$0x50] =	vst v6  }
0x94: {  	v6 =	vld [tilespmem:s11+$0xFFFFFFE0];
	[tilespmem:s9+$0x60] =	vst v5  }
0x95: {  	v5 =	vld [tilespmem:s11+$0xFFFFFFF0];
	[tilespmem:s9+$0x40] =	vst v8;
	s9 =	smov.u32 s11  }
0x96: {  	v4 =	vld.idx.msk [tilespmem:v4+s24+$0x0], $0xffff  }
0x97: {  	v8 =	vld [tilespmem:s11+$0xFFFFFF80]  }
0x98: {  	v9 =	vld [tilespmem:s11+$0xFFFFFFA0]  }
0x99: {  	v10 =	vld [tilespmem:s11+$0xFFFFFF90]  }
0x9a: {  	v11 =	vld [tilespmem:s11+$0xFFFFFFC0]  }
0x9b: {  	v2 =	vld [tilespmem:s11+$0x10]  }
0x9c: {  	v5 =	vmul.f32 v5, v4;
	v8 =	vmul.f32 v8, v4  }
0x9d: {  	v6 =	vmul.f32 v6, v4;
	v9 =	vmul.f32 v9, v4  }
0x9e: {  	v3 =	vmul.f32 v3, v4;
	v10 =	vmul.f32 v10, v4;
	[tilespmem:s11+$0xFFFFFFF0] =	vst v5  }
0x9f: {  	[tilespmem:s11+$0xFFFFFF80] =	vst v8;
	v8 =	vmul.f32 v11, v4;
	v4 =	vmul.f32 v7, v4  }
0xa0: {  	[tilespmem:s11+$0xFFFFFFA0] =	vst v9  }
0xa1: {  	[tilespmem:s11+$0xFFFFFFB0] =	vst v3;
	v3 =	vmov s12  }
.Ltmp6:
0xa2: {  	[tilespmem:s11+$0xFFFFFFD0] =	vst v4;
	(pc) =	sbr.rel @p1 .LBB2_7-.Ltmp6, $4  }
0xa3: {  	[tilespmem:s11+$0xFFFFFFE0] =	vst v6  }
0xa4: {  	[tilespmem:s11+$0xFFFFFF90] =	vst v10;
	v5 =	vld [tilespmem:s11+$0x20]  }
0xa5: {  	[tilespmem:s11+$0xFFFFFFC0] =	vst v8;
	v4 =	vld [tilespmem:s11+$0x70]  }
0xa6: {  	v3 =	vld.idx.msk [tilespmem:v3+s24+$0x0], $0xffff  }
0xa7: {  	_ =	sdelay $0x2  }
0xa8: {  	v6 =	vld [tilespmem:s9+$0x30]  }
0xa9: {  	v7 =	vld [tilespmem:s9+$0x50];
	v1 =	vmul.f32 v1, v3  }
0xaa: {  	v8 =	vld [tilespmem:s9+$0x60];
	v5 =	vmul.f32 v5, v3  }
0xab: {  	v9 =	vld [tilespmem:s9+$0x40];
	v2 =	vmul.f32 v2, v3;
	[tilespmem:s9+$0x0] =	vst v1  }
0xac: {  	v4 =	vmul.f32 v4, v3;
	[tilespmem:s9+$0x20] =	vst v5  }
0xad: {  	v1 =	vmul.f32 v6, v3;
	[tilespmem:s9+$0x10] =	vst v2  }
0xae: {  	v2 =	vmul.f32 v7, v3;
	[tilespmem:s9+$0x70] =	vst v4  }
.Ltmp7:
0xaf: {  	[tilespmem:s9+$0x30] =	vst v1;
	v1 =	vmul.f32 v8, v3;
	(pc) =	sbr.rel @!p0 .LBB2_12-.Ltmp7, $4  }
0xb0: {  	v3 =	vmul.f32 v9, v3;
	[tilespmem:s9+$0x50] =	vst v2  }
0xb1: {  	[tilespmem:s9+$0x60] =	vst v1  }
0xb2: {  	[tilespmem:s9+$0x40] =	vst v3  }
0xb3: {  	[spmem:s1] =	stream.indirect.scatter.add.f32 [tilespmem:s22], [sflag:$0x3], $0x80, s2, s22, $0xb8;
	[tilespmem:$0x189C0] =	vst v63  }
0xb4: {  	_ =	swait.ge [sflag:s30], $0x50  }
0xb5: {  	[sflag:s30] =	ssyncset.done $0x0  }
0xb6: {  	[sflag:s30] =	ssyncadd.s32 $0xFFFFFFB0  }
0xb7: {  	_ =	swait.ge [sflag:s30], $0x2800  }
0xb8: {  	[sflag:s30] =	ssyncset.done $0x0  }
0xb9: {  	[sflag:s30] =	ssyncadd.s32 $0xFFFFD800  }
0xba: {  	p0 =	seq.s32 s3, $0x3E;
	_ =	swait.ge [sflag:s30], $0x50  }
0xbb: {  	s9 =	smul.u32 @!p0 $0xA0, s3;
	[sflag:s30] =	ssyncset.done $0x0  }
0xbc: {  	s14 =	simm.s32 $0x0;
	[sflag:s30] =	ssyncadd.s32 $0xFFFFFFB0  }
0xbd: {  	s12 =	simm.s32 @!p0 $0x0;
	s9 =	sadd.s32 @!p0 s9, s13;
	_ =	swait.ge [sflag:s31], $0x2800  }
0xbe: {  	s10 =	sshrl.u32 @!p0 s9, $0x3;
	s9 =	sshll.u32 @!p0 s9, $0x4;
	[sflag:s31] =	ssyncset.done $0x0  }
0xbf: {  	v1 =	vmov s14;
	s11 =	sadd.s32 @!p0 s5, s10;
	s9 =	sand.u32 @!p0 $0x1FFFFF00, s9;
	[sflag:s31] =	ssyncadd.s32 $0xFFFFD800  }
0xc0: {  	v1 =	vand.u32 $0xFFFFFFFE, v1;
	[tilespmem:s12], [sflag:$0x1] =	stream.linear.gather @!p0 [hbm4b:s11+s12], $0x50, $0x38;
	[tilespmem:$0x189C0] =	vst v63  }
0xc1: {  	v2 =	vbroadcast v1, $0x0;
	s9 =	sadd.s32 @!p0 s4, s9;
	s11 =	simm.s32 @!p0 $0x50  }
0xc2: {  	[tilespmem:s11], [sflag:$0x1] =	stream.linear.gather @!p0 [hbm4b:s9+s12], $0x2800, $0x38;
	[tilespmem:$0x189C0] =	vst v63  }
0xc3: {  	s9 =	sadd.s32 @!p0 s6, s10;
	s10 =	simm.s32 @!p0 $0x2850  }
0xc4: {  	[tilespmem:s10], [sflag:$0x1] =	stream.linear.gather @!p0 [hbm4b:s9+s12], $0x50, $0x38;
	[tilespmem:$0x189C0] =	vst v63  }
0xc5: {  	s9 =	simm.s32 $0x2970  }
0xc6: {  	v5 =	vld [tilespmem:s9+$0xFFFFFFF0]  }
0xc7: {  	v6 =	vld.idx.msk [tilespmem:v2+s29+$0x0], $0xffff  }
0xc8: {  	v7 =	vld [tilespmem:s9+$0xFFFFFF80]  }
0xc9: {  	v8 =	vld [tilespmem:s9+$0xFFFFFFA0]  }
0xca: {  	v4 =	vld [tilespmem:s9+$0xFFFFFFB0]  }
0xcb: {  	v3 =	vld [tilespmem:s9+$0xFFFFFFD0]  }
0xcc: {  	v9 =	vld [tilespmem:s9+$0xFFFFFFE0];
	v5 =	vmul.f32 v5, v6  }
0xcd: {  	v10 =	vld [tilespmem:s9+$0xFFFFFF90];
	v7 =	vmul.f32 v7, v6  }
0xce: {  	v11 =	vld [tilespmem:s9+$0xFFFFFFC0];
	v8 =	vmul.f32 v8, v6;
	[tilespmem:s9+$0xFFFFFFF0] =	vst v5  }
0xcf: {  	v4 =	vmul.f32 v4, v6;
	[tilespmem:s9+$0xFFFFFF80] =	vst v7  }
0xd0: {  	s14 =	simm.s32 $0x1;
	v3 =	vmul.f32 v3, v6;
	[tilespmem:s9+$0xFFFFFFA0] =	vst v8  }
0xd1: {  	v5 =	vmul.f32 v9, v6;
	[tilespmem:s9+$0xFFFFFFB0] =	vst v4;
	v7 =	vmov s14  }
0xd2: {  	v1 =	vld [tilespmem:s9+$0x0];
	v4 =	vmul.f32 v10, v6;
	[tilespmem:s9+$0xFFFFFFD0] =	vst v3  }
0xd3: {  	v2 =	vld [tilespmem:s9+$0x10];
	v3 =	vmul.f32 v11, v6;
	[tilespmem:s9+$0xFFFFFFE0] =	vst v5  }
0xd4: {  	[tilespmem:s9+$0xFFFFFF90] =	vst v4;
	v5 =	vld [tilespmem:s9+$0x20]  }
0xd5: {  	[tilespmem:s9+$0xFFFFFFC0] =	vst v3;
	v4 =	vld [tilespmem:s9+$0x70]  }
0xd6: {  	s11 =	simm.s32 $0x2970;
	s10 =	simm.s32 $0x3;
	v3 =	vld.idx.msk [tilespmem:v7+s29+$0x0], $0xffff  }
.LBB2_10:
0xd7: {  	p0 =	sne.s32 s10, $0x4F  }
0xd8: {  	v6 =	vld [tilespmem:s9+$0x50];
	s11 =	sadd.s32 $0x100, s11;
	s12 =	smov.u32 s10;
	s10 =	sadd.s32 $0x2, s10  }
0xd9: {  	v7 =	vld [tilespmem:s9+$0x30]  }
0xda: {  	v8 =	vld [tilespmem:s9+$0x40]  }
0xdb: {  	v9 =	vld [tilespmem:s9+$0x60];
	_ =	sdelay $0x1  }
0xdc: {  	v1 =	vmul.f32 v1, v3;
	v2 =	vmul.f32 v2, v3  }
0xdd: {  	s14 =	sadd.s32 $0xFFFFFFFF, s12;
	v5 =	vmul.f32 v5, v3;
	v7 =	vmul.f32 v7, v3  }
0xde: {  	v10 =	vmov s14;
	v6 =	vmul.f32 v6, v3;
	[tilespmem:s9+$0x0] =	vst v1;
	v8 =	vmul.f32 v8, v3  }
0xdf: {  	v10 =	vand.u32 $0xFFFFFFFE, v10;
	v1 =	vld [tilespmem:s11+$0x0];
	[tilespmem:s9+$0x20] =	vst v5;
	v5 =	vmul.f32 v9, v3;
	v3 =	vmul.f32 v4, v3  }
0xe0: {  	v4 =	vbroadcast v10, $0x0;
	[tilespmem:s9+$0x10] =	vst v2  }
0xe1: {  	[tilespmem:s9+$0x30] =	vst v7  }
0xe2: {  	v7 =	vld [tilespmem:s11+$0xFFFFFFD0];
	[tilespmem:s9+$0x70] =	vst v3  }
0xe3: {  	v3 =	vld [tilespmem:s11+$0xFFFFFFB0];
	[tilespmem:s9+$0x50] =	vst v6  }
0xe4: {  	v6 =	vld [tilespmem:s11+$0xFFFFFFE0];
	[tilespmem:s9+$0x60] =	vst v5  }
0xe5: {  	v5 =	vld [tilespmem:s11+$0xFFFFFFF0];
	[tilespmem:s9+$0x40] =	vst v8;
	s9 =	smov.u32 s11  }
0xe6: {  	v4 =	vld.idx.msk [tilespmem:v4+s29+$0x0], $0xffff  }
0xe7: {  	v8 =	vld [tilespmem:s11+$0xFFFFFF80]  }
0xe8: {  	v9 =	vld [tilespmem:s11+$0xFFFFFFA0]  }
0xe9: {  	v10 =	vld [tilespmem:s11+$0xFFFFFF90]  }
0xea: {  	v11 =	vld [tilespmem:s11+$0xFFFFFFC0]  }
0xeb: {  	v2 =	vld [tilespmem:s11+$0x10]  }
0xec: {  	v5 =	vmul.f32 v5, v4;
	v8 =	vmul.f32 v8, v4  }
0xed: {  	v6 =	vmul.f32 v6, v4;
	v9 =	vmul.f32 v9, v4  }
0xee: {  	v3 =	vmul.f32 v3, v4;
	v10 =	vmul.f32 v10, v4;
	[tilespmem:s11+$0xFFFFFFF0] =	vst v5  }
0xef: {  	[tilespmem:s11+$0xFFFFFF80] =	vst v8;
	v8 =	vmul.f32 v11, v4;
	v4 =	vmul.f32 v7, v4  }
0xf0: {  	[tilespmem:s11+$0xFFFFFFA0] =	vst v9  }
0xf1: {  	[tilespmem:s11+$0xFFFFFFB0] =	vst v3;
	v3 =	vmov s12  }
.Ltmp8:
0xf2: {  	[tilespmem:s11+$0xFFFFFFD0] =	vst v4;
	(pc) =	sbr.rel @p0 .LBB2_10-.Ltmp8, $4  }
0xf3: {  	[tilespmem:s11+$0xFFFFFFE0] =	vst v6  }
0xf4: {  	[tilespmem:s11+$0xFFFFFF90] =	vst v10;
	v5 =	vld [tilespmem:s11+$0x20]  }
0xf5: {  	[tilespmem:s11+$0xFFFFFFC0] =	vst v8;
	v4 =	vld [tilespmem:s11+$0x70]  }
0xf6: {  	v3 =	vld.idx.msk [tilespmem:v3+s29+$0x0], $0xffff  }
0xf7: {  	_ =	sdelay $0x2  }
0xf8: {  	v6 =	vld [tilespmem:s9+$0x30]  }
0xf9: {  	v7 =	vld [tilespmem:s9+$0x50];
	v1 =	vmul.f32 v1, v3  }
0xfa: {  	v8 =	vld [tilespmem:s9+$0x60];
	v5 =	vmul.f32 v5, v3  }
0xfb: {  	v9 =	vld [tilespmem:s9+$0x40];
	v2 =	vmul.f32 v2, v3;
	[tilespmem:s9+$0x0] =	vst v1  }
0xfc: {  	v4 =	vmul.f32 v4, v3;
	[tilespmem:s9+$0x20] =	vst v5  }
0xfd: {  	v1 =	vmul.f32 v6, v3;
	[tilespmem:s9+$0x10] =	vst v2  }
0xfe: {  	v2 =	vmul.f32 v7, v3;
	[tilespmem:s9+$0x70] =	vst v4  }
.Ltmp9:
0xff: {  	[tilespmem:s9+$0x30] =	vst v1;
	v1 =	vmul.f32 v8, v3;
	(pc) =	sbr.rel .LBB2_12-.Ltmp9, $4  }
0x100: {  	v3 =	vmul.f32 v9, v3;
	[tilespmem:s9+$0x50] =	vst v2  }
0x101: {  	[tilespmem:s9+$0x60] =	vst v1  }
0x102: {  	[tilespmem:s9+$0x40] =	vst v3  }
0x103: {  	[spmem:s1] =	stream.indirect.scatter.add.f32 [tilespmem:s28], [sflag:$0x4], $0x80, s26, s22, $0xb8;
	[tilespmem:$0x189C0] =	vst v63  }
.LBB2_14:
0x104: {  	_ =	sfence.sel $0x180000  }
0x105: {  	[bflag:$0x0] =	sbarrier.arrive $0xFFFF  }
0x106: {  	_ =	strace $0x9000004A  }
0x107: {  	s0 =	stileid.u32;
	[bflag:$0x2] =	sbarrier.arrive $0xFFFF  }
0x108: {  	p0 =	sne.s32 s0, $0x0;
	s0 =	rddreg [dreg:$0x2]  }
0x109: {  	s0 =	sadd.s32 @!p0 $0x100000, s0  }
0x10a: {  	[sflag:s0] =	ssyncadd.tile.s32 @!p0 $0x1;
	_ =	shalt  }
.Lfunc_end2:
_tile_overlayer_lowered:
.L_overlay_start_2:
0x10b: {  	(tag) =	ssettag $0x2  }
0x10c: {  	s0 =	rddreg [dreg:$0x0];
	s2 =	stileid.u32  }
0x10d: {  	s1 =	rddreg [dreg:$0x1];
	p0 =	sne.s32 s2, $0x0  }
0x10e: {  	s3 =	rddreg [dreg:$0x2];
	[bflag:$0x3] =	sbarrier.arrive $0xFFFF;
	s2 =	simm.s32 @!p0 $0x1C05  }
0x10f: {  	[timem:s3], [sflag:s2] =	dma.local @!p0 [hbm:s0], s1  }
0x110: {  	s0 =	simm.s32 @!p0 $0x5  }
0x111: {  	_ =	swait.ge @!p0 [sflag:s0], s1  }
0x112: {  	s1 =	ssub.s32 @!p0 $0x0, s1;
	[sflag:s0] =	ssyncset.done @!p0 $0x0  }
0x113: {  	[sflag:s0] =	ssyncadd.s32 @!p0 s1  }
0x114: {  	[bflag:$0x3] =	sbarrier.arrive $0xFFFF  }
0x115: {  	_ =	shalt  }

// kernel: kernel.8.cloned.1.call-start
scs
__scs_entry_jumppad:
0x0: {  	(pc) =	sbr.rel $0x88, $3  }
0x1: {  	(tag) =	ssettag $0x0;
	lr =	simm.s32 $0x1  }
0x2: {  	[smem:$0x3F8F] =	sst lr;
	_ =	strace $0xD0000000  }
0x3: {  	_ = 	snop  }
0x4: {  	_ = 	snop  }
0x5: {  	_ = 	snop  }
0x6: {  	_ = 	snop  }
0x7: {  	_ = 	snop  }
__scs_overlays_trampoline_lowered:
0x8: {  	[smem:$0x3F9E] =	sst s0  }
0x9: {  	[smem:$0x3F9F] =	sst s1  }
0xa: {  	[smem:$0x3FA0] =	sst s2  }
0xb: {  	[smem:$0x3FA1] =	sst s3  }
0xc: {  	[smem:$0x3FA2] =	sst s4  }
0xd: {  	[smem:$0x3FA3] =	sst s5  }
0xe: {  	[smem:$0x3FA4] =	sst s6  }
0xf: {  	[smem:$0x3FA5] =	sst s7  }
0x10: {  	[smem:$0x3FA6] =	sst s8  }
0x11: {  	[smem:$0x3FA7] =	sst s9;
	s0 =	simm.s32 @!p0 $0x0  }
0x12: {  	s1 =	sld [smem:$0x3F8D];
	s0 =	simm.s32 @p0 $0x1  }
0x13: {  	[smem:$0x3FA8] =	sst s0;
	s0 =	simm.s32 @!p1 $0x0  }
0x14: {  	s2 =	sld [smem:$0x3F8C];
	s0 =	simm.s32 @p1 $0x1  }
0x15: {  	[smem:$0x3FA9] =	sst s0;
	s0 =	simm.s32 @!p2 $0x0  }
0x16: {  	s3 =	sld [smem:$0x3FDB];
	s0 =	simm.s32 @p2 $0x1  }
0x17: {  	s4 =	simm.s32 $0x1BF5;
	[smem:$0x3FAB] =	sst s0  }
0x18: {  	s0 =	sld [smem:$0x3F8E];
	_ =	swait.ge [sflag:s4], $0x0  }
0x19: {  	s7 =	sld [smem:$0x3F8F]  }
0x1a: {  	s8 =	sadd.s32 $0xFFFFE003, lr  }
0x1b: {  	s9 =	sadd.s32 $0xFFFFFEF7, lr;
	s5 =	simm.s32 $0xFFFFFFFF;
	p2 =	slt.u32 s8, $0xFFFFF086  }
0x1c: {  	p1 =	slt.u32 s9, $0xF7A;
	s5 =	simm.s32 @!p2 $0x0  }
0x1d: {  	s5 =	simm.s32 @p1 $0x1;
	p0 =	seq.s32 s7, s2  }
0x1e: {  	s7 =	smul.u32 @!p0 $0xF7A, s2;
	p2 =	seq.s32 @!p0 s5, $0x0  }
0x1f: {  	s9 =	smul.u32 $0xF7A, s1;
	s8 =	simm.s32 @!p0 $0x1BF5;
	p2 =	por !p2, p0  }
0x20: {  	[sflag:s8] =	ssyncset.s32 @!p0 $0xFFFFF086;
	s6 =	sadd.s32 @!p0 s3, s7;
	s7 =	simm.s32 @!p0 $0x108  }
0x21: {  	s3 =	sadd.s32 s3, s9;
	s6 =	sadd.s32 @!p0 $0x88, s6;
	s7 =	simm.s32 @p2 $0x1082  }
0x22: {  	[simem:s7], [sflag:s8] =	dma.local @!p0 [hbm:s6], $0xF7A  }
0x23: {  	s9 =	sor.u32 $0xD0000000, s2;
	s6 =	simm.s32 $0x108;
	_ =	swait.ge @!p0 [sflag:s8], $0x0  }
0x24: {  	s3 =	sadd.s32 $0x88, s3;
	s6 =	simm.s32 @!p1 $0x1082;
	[sflag:s4] =	ssyncset.s32 $0xFFFFF086  }
0x25: {  	[simem:s6], [sflag:s4] =	dma.local [hbm:s3], $0xF7A  }
0x26: {  	[smem:$0x3F8F] =	sst s1;
	(tag) =	ssettag s2;
	_ =	strace s9  }
0x27: {  	s1 =	sld [smem:$0x3F9F]  }
0x28: {  	s2 =	sld [smem:$0x3FA0]  }
0x29: {  	s4 =	sld [smem:$0x3FA2]  }
0x2a: {  	p0 =	seq.s32 s5, $0x0;
	s5 =	sld [smem:$0x3FA3]  }
0x2b: {  	s6 =	sld [smem:$0x3FA4]  }
0x2c: {  	s7 =	sld [smem:$0x3FA5]  }
0x2d: {  	s3 =	simm.s32 $0x108;
	s8 =	sld [smem:$0x3FA6]  }
0x2e: {  	s3 =	simm.s32 @!p0 $0x1082;
	s9 =	sld [smem:$0x3FA7]  }
0x2f: {  	lr =	sadd.s32 s0, s3;
	s0 =	sld [smem:$0x3F9E]  }
0x30: {  	s3 =	sld [smem:$0x3FA1]  }
0x31: {  	[smem:$0x3FAA] =	sst s10  }
0x32: {  	s10 =	sld [smem:$0x3FA8];
	_ =	sdelay $0x3  }
0x33: {  	p0 =	seq.s32 s10, $0x1;
	s10 =	sld [smem:$0x3FAA];
	_ =	sdelay $0x3  }
0x34: {  	[smem:$0x3FAA] =	sst s10  }
0x35: {  	s10 =	sld [smem:$0x3FA9];
	_ =	sdelay $0x3  }
0x36: {  	p1 =	seq.s32 s10, $0x1;
	s10 =	sld [smem:$0x3FAA];
	_ =	sdelay $0x3  }
0x37: {  	[smem:$0x3FAA] =	sst s10  }
0x38: {  	s10 =	sld [smem:$0x3FAB]  }
0x39: {  	_ = 	snop;
	(pc) =	sbr.ind lr, $3  }
0x3a: {  	_ = 	snop  }
0x3b: {  	_ = 	snop  }
0x3c: {  	p2 =	seq.s32 s10, $0x1;
	s10 =	sld [smem:$0x3FAA]  }
0x3d: {  	_ =	shalt  }
0x3e: {  	_ =	shalt  }
0x3f: {  	_ =	shalt  }
0x40: {  	_ =	shalt  }
0x41: {  	_ =	shalt  }
0x42: {  	_ =	shalt  }
0x43: {  	_ =	shalt  }
0x44: {  	_ =	shalt  }
0x45: {  	_ =	shalt  }
0x46: {  	_ =	shalt  }
0x47: {  	_ =	shalt  }
0x48: {  	_ =	shalt  }
0x49: {  	_ =	shalt  }
0x4a: {  	_ =	shalt  }
0x4b: {  	_ =	shalt  }
0x4c: {  	_ =	shalt  }
0x4d: {  	_ =	shalt  }
0x4e: {  	_ =	shalt  }
0x4f: {  	_ =	shalt  }
0x50: {  	_ =	shalt  }
0x51: {  	_ =	shalt  }
0x52: {  	_ =	shalt  }
0x53: {  	_ =	shalt  }
0x54: {  	_ =	shalt  }
0x55: {  	_ =	shalt  }
0x56: {  	_ =	shalt  }
0x57: {  	_ =	shalt  }
0x58: {  	_ =	shalt  }
0x59: {  	_ =	shalt  }
0x5a: {  	_ =	shalt  }
0x5b: {  	_ =	shalt  }
0x5c: {  	_ =	shalt  }
0x5d: {  	_ =	shalt  }
0x5e: {  	_ =	shalt  }
0x5f: {  	_ =	shalt  }
0x60: {  	_ =	shalt  }
0x61: {  	_ =	shalt  }
0x62: {  	_ =	shalt  }
0x63: {  	_ =	shalt  }
0x64: {  	_ =	shalt  }
0x65: {  	_ =	shalt  }
0x66: {  	_ =	shalt  }
0x67: {  	_ =	shalt  }
0x68: {  	_ =	shalt  }
0x69: {  	_ =	shalt  }
0x6a: {  	_ =	shalt  }
0x6b: {  	_ =	shalt  }
0x6c: {  	_ =	shalt  }
0x6d: {  	_ =	shalt  }
0x6e: {  	_ =	shalt  }
0x6f: {  	_ =	shalt  }
0x70: {  	_ =	shalt  }
0x71: {  	_ =	shalt  }
0x72: {  	_ =	shalt  }
0x73: {  	_ =	shalt  }
0x74: {  	_ =	shalt  }
0x75: {  	_ =	shalt  }
0x76: {  	_ =	shalt  }
0x77: {  	_ =	shalt  }
0x78: {  	_ =	shalt  }
0x79: {  	_ =	shalt  }
0x7a: {  	_ =	shalt  }
0x7b: {  	_ =	shalt  }
0x7c: {  	_ =	shalt  }
0x7d: {  	_ =	shalt  }
0x7e: {  	_ =	shalt  }
0x7f: {  	_ =	shalt  }
0x80: {  	_ =	shalt  }
0x81: {  	_ =	shalt  }
0x82: {  	_ =	shalt  }
0x83: {  	_ =	shalt  }
0x84: {  	_ =	shalt  }
0x85: {  	_ =	shalt  }
0x86: {  	_ =	shalt  }
0x87: {  	_ =	shalt  }
.Lfunc_end0:
.L_simem_size_0:
called_computation_lowered:
.L_overlay_start_0:
0x88: {  	s2 =	sld [smem:$0x3FD9]  }
0x89: {  	s3 =	sld [smem:$0x3FFE];
	_ =	sdelay $0x1  }
0x8a: {  	s1 =	srdreg.scid  }
0x8b: {  	s0 =	sand.u32 $0x1, s1  }
0x8c: {  	s16 =	sshll.u32 s0, $0xA;
	s2 =	sadd.s32 s3, s2  }
0x8d: {  	s2 =	sadd.s32 s2, s16  }
0x8e: {  	[smem:$0x3FB6] =	sst s2  }
0x8f: {  	_ = 	snop  }
0x90: {  	(tm) =	ssettm $0x1  }
0x91: {  	s17 =	sld [smem:$0x3FFB];
	_ =	sdelay $0x3  }
0x92: {  	_ =	strace s17  }
0x93: {  	s2 =	sld [smem:$0x3FFC];
	_ =	sdelay $0x3  }
0x94: {  	_ =	strace s2  }
0x95: {  	s2 =	sld [smem:$0x3FFD];
	_ =	sdelay $0x3  }
0x96: {  	_ =	strace s2  }
0x97: {  	_ =	strace $0x8FFFFFFF  }
0x98: {  	s18 =	sld [smem:$0x3FDB];
	_ =	sdelay $0x1  }
0x99: {  	s19 =	simm.s32 $_scs_section_size  }
0x9a: {  	s4 =	simm.s32 $_size__tile_overlayer_lowered;
	s5 =	simm.s32 $_tile_overlayer_lowered  }
0x9b: {  	s22 =	simm.s32 $0x1BFF;
	s21 =	sshll.u32 s5, $0x1;
	s2 =	sadd.s32 s19, s18  }
0x9c: {  	s6 =	simm.s32 $0x0;
	s20 =	sshll.u32 s4, $0x1;
	s4 =	sadd.s32 s21, s2  }
0x9d: {  	[timem:s6], [sflag:s22] =	dma.local [hbm:s4], s20  }
0x9e: {  	_ =	swait.ge [sflag:s22], s20  }
0x9f: {  	s3 =	ssub.s32 $0x0, s20;
	[sflag:s22] =	ssyncset.done $0x0  }
0xa0: {  	[sflag:s22] =	ssyncadd.s32 s3;
	_ =	sdelay $0x1  }
0xa1: {  	s23 =	simm.s32 $0x1B8B  }
0xa2: {  	_ =	swait.ge [sflag:s23], $0x1  }
0xa3: {  	[sflag:s23] =	ssyncset.done $0x0  }
0xa4: {  	s25 =	simm.s32 $0x1B8E;
	s24 =	sld [smem:$0x3FFE];
	[sflag:s23] =	ssyncadd.s32 $0xFFFFFFFF  }
0xa5: {  	s26 =	simm.s32 $execute0_lowered;
	[smem:$0x3FD2] =	sst s25  }
0xa6: {  	s4 =	sshll.u32 s26, $0x1;
	_ =	strace $0x80000046;
	[dreg:$0x1] =	wrdreg $0xFFFFFFFF  }
0xa7: {  	s28 =	simm.s32 $_size_execute0_lowered;
	s2 =	sadd.s32 s2, s4;
	[dreg:$0x0] =	wrdreg $0x0  }
0xa8: {  	s4 =	sshll.u32 s28, $0x1;
	[dreg:$0x2] =	wrdreg s2  }
0xa9: {  	[dreg:$0x3] =	wrdreg s4  }
0xaa: {  	[dreg:$0x4] =	wrdreg $0xC0  }
0xab: {  	_ =	task [dreg:s6], $0x5FFFF  }
0xac: {  	[dreg:$0x1] =	wrdreg $0xFFFFFFFF  }
0xad: {  	[dreg:$0x0] =	wrdreg $0x60  }
0xae: {  	[dreg:$0x2] =	wrdreg s24  }
0xaf: {  	[dreg:$0x3] =	wrdreg $0x6FF00  }
0xb0: {  	[dreg:$0x4] =	wrdreg $0x1A8700  }
0xb1: {  	[dreg:$0x5] =	wrdreg $0x9  }
0xb2: {  	_ =	task.clear_ibuf [dreg:s6], $0x6FFFF;
	_ =	strace $0x90000046  }
0xb3: {  	s29 =	simm.s32 $0x9;
	_ =	strace $0x80000048  }
0xb4: {  	_ =	swait.ge [sflag:s29], $0x1  }
0xb5: {  	[sflag:s29] =	ssyncadd.s32 $0xFFFFFFFF  }
0xb6: {  	_ =	strace $0x90000048  }
0xb7: {  	_ =	sfence  }
0xb8: {  	s30 =	sld [smem:$0x0];
	_ =	sdelay $0x2  }
0xb9: {  	s31 =	sshll.u32 s1, $0xD;
	s1 =	sshrl.u32 s1, $0x2  }
0xba: {  	s3 =	sand.u32 $0x4000, s31;
	s1 =	sadd.s32 s1, s30  }
0xbb: {  	s0 =	sor.u32 s3, s0;
	s1 =	sshll.u32 s1, $0x11  }
0xbc: {  	s0 =	sor.u32 s1, s0  }
0xbd: {  	s0 =	sadd.s32 $0x8F2B, s0  }
0xbe: {  	[sflag:s0] =	ssyncadd.remote.s32 $0x1  }
0xbf: {  	_ =	sfence.sel $0xFFFF  }
0xc0: {  	[dreg:$0x0] =	wrdreg $0xFFFFFFFF;
	(pc) =	sbr.abs _section_cstart, $3  }
0xc1: {  	[dreg:$0x1] =	wrdreg $0xFFFFFFFF  }
0xc2: {  	_ =	task.clear_ibuf [dreg:s6], $0x2FFFF;
	_ =	strace $0x9FFFFFFF  }
0xc3: {  	(tm) =	ssettm $0x7FFFFFFF  }
tec
execute0_lowered:
.L_overlay_start_1:
0x0: {  	(tag) =	ssettag $0x1  }
0x1: {  	s0 =	rddreg [dreg:$0x0]  }
0x2: {  	s1 =	rddreg [dreg:$0x1]  }
0x3: {  	s2 =	rddreg [dreg:$0x2];
	s18 =	simm.s32 $0x0  }
0x4: {  	s3 =	srdreg.scid;
	s15 =	stileid.u32;
	s29 =	simm.s32 $0x60E0  }
0x5: {  	s30 =	simm.s32 $0x65E0;
	[smem:$0x7FF] =	sst s18;
	s9 =	smul.u32 $0x13880, s15  }
0x6: {  	s3 =	sand.u32 $0x1, s3;
	s5 =	sadd.s32 $0x5600, s0;
	s11 =	smul.u32 $0x2710, s15  }
0x7: {  	s6 =	sadd.s32 $0x8EC00, s0;
	s7 =	sadd.s32 $0x84E00, s0;
	s21 =	smul.u32 $0x4E200, s15  }
0x8: {  	s8 =	sadd.s32 $0x58C00, s0;
	s12 =	sadd.s32 $0x2C800, s0;
	s22 =	smul.u32 $0x9C40, s15  }
0x9: {  	s28 =	simm.s32 $0x5;
	s4 =	smul.u32 $0x138800, s3;
	_ =	strace $0x80000047  }
0xa: {  	s10 =	smul.u32 $0x27100, s3;
	[dreg:$0x5] =	wrdreg s12;
	s13 =	sshll.u32 s3, $0x4  }
0xb: {  	s3 =	ssub.s32 $0x2, s3;
	s12 =	smul.u32 $0x271, s15;
	s23 =	sshrl.u32 s21, $0x2  }
0xc: {  	s25 =	sshrl.u32 s22, $0x2;
	s4 =	sadd.s32 s9, s4;
	s9 =	sadd.s32 $0x2CA00, s0  }
0xd: {  	s10 =	sadd.s32 s11, s10;
	s11 =	sor.u32 s15, s13;
	s13 =	sshrl.u32 s3, $0x1  }
0xe: {  	s14 =	sadd.s32 $0x230, s12;
	s24 =	sadd.s32 s23, s1;
	s26 =	sadd.s32 s25, s2  }
0xf: {  	s31 =	sadd.s32 $0x50, s12;
	s4 =	sshrl.u32 s4, $0x3;
	s10 =	sshrl.u32 s10, $0x3  }
0x10: {  	s11 =	smul.u32 $0x2710, s11;
	s3 =	ssub.s32 s3, s13;
	[dreg:$0xe] =	wrdreg s24  }
0x11: {  	s16 =	sshll.u32 s14, $0x7;
	[dreg:$0x10] =	wrdreg s26;
	s24 =	sadd.s32 $0x1E0, s12  }
0x12: {  	s4 =	sadd.s32 s4, s0;
	s0 =	sadd.s32 s10, s0;
	s10 =	sshll.u32 s14, $0x4  }
0x13: {  	s13 =	sadd.s32 s16, s1;
	s3 =	smax.u32 s3, $0x1;
	s16 =	sadd.s32 $0x140, s12  }
0x14: {  	s26 =	sshll.u32 s24, $0x7;
	s14 =	sshrl.u32 s11, $0x3;
	[dreg:$0x6] =	wrdreg s13  }
0x15: {  	s10 =	sadd.s32 s10, s2;
	s4 =	sadd.s32 $0xA2800, s4;
	[dreg:$0x11] =	wrdreg s3  }
0x16: {  	s0 =	sadd.s32 $0x98A00, s0;
	s13 =	sadd.s32 $0xF0, s12;
	[dreg:$0x7] =	wrdreg s10  }
0x17: {  	s21 =	sshll.u32 s16, $0x4;
	s17 =	sadd.s32 s6, s14;
	[dreg:$0xd] =	wrdreg s4  }
0x18: {  	s19 =	sadd.s32 s7, s14;
	s20 =	sadd.s32 $0xA, s14;
	[dreg:$0xf] =	wrdreg s0  }
0x19: {  	s4 =	sshll.u32 s31, $0x7;
	s0 =	sshll.u32 s31, $0x4;
	[dreg:$0x8] =	wrdreg s17  }
0x1a: {  	s15 =	sshll.u32 s13, $0x4;
	s31 =	sadd.s32 s26, s1;
	[dreg:$0x9] =	wrdreg s19  }
0x1b: {  	s26 =	simm.s32 $0x3;
	s14 =	sadd.s32 s6, s20;
	[dreg:$0x1c] =	wrdreg s31  }
0x1c: {  	s10 =	sadd.s32 s7, s20;
	s17 =	sadd.s32 $0xA0, s11;
	[dreg:$0xa] =	wrdreg s14  }
0x1d: {  	s11 =	sadd.s32 $0xF0, s11;
	s3 =	sadd.s32 s4, s1;
	[dreg:$0xb] =	wrdreg s10  }
0x1e: {  	s0 =	sadd.s32 s0, s2;
	s19 =	sshll.u32 s16, $0x7;
	[dreg:$0xc] =	wrdreg s11  }
0x1f: {  	s20 =	sadd.s32 $0x190, s12;
	s16 =	simm.s32 $0x50;
	[dreg:$0x12] =	wrdreg s3  }
0x20: {  	[dreg:$0x13] =	wrdreg s0;
	s10 =	sadd.s32 $0xA0, s12;
	s14 =	sshll.u32 s13, $0x7  }
0x21: {  	s22 =	sshll.u32 s20, $0x7;
	s25 =	sshll.u32 s20, $0x4;
	s13 =	simm.s32 $0xF0  }
0x22: {  	s12 =	simm.s32 $0x4;
	s11 =	sshll.u32 s10, $0x7;
	s23 =	sadd.s32 s22, s1  }
0x23: {  	s0 =	sshll.u32 s10, $0x4;
	s3 =	sadd.s32 s11, s1;
	[dreg:$0x1a] =	wrdreg s23  }
0x24: {  	s10 =	simm.s32 $0x6AE0;
	s0 =	sadd.s32 s0, s2;
	[dreg:$0x14] =	wrdreg s3  }
0x25: {  	s23 =	simm.s32 $0x37F0;
	[dreg:$0x15] =	wrdreg s0;
	s0 =	sadd.s32 s14, s1  }
0x26: {  	s11 =	simm.s32 $0x7;
	s3 =	sadd.s32 s25, s2;
	[dreg:$0x16] =	wrdreg s0  }
0x27: {  	s14 =	simm.s32 $0x9;
	s0 =	sadd.s32 s15, s2;
	[dreg:$0x1b] =	wrdreg s3  }
.Ltmp0:
0x28: {  	[dreg:$0x17] =	wrdreg s0;
	s0 =	sadd.s32 s19, s1;
	(pc) =	sbr.rel .LBB2_1-.Ltmp0, $4  }
0x29: {  	s25 =	simm.s32 $0x2;
	[dreg:$0x18] =	wrdreg s0;
	s0 =	sadd.s32 s21, s2  }
0x2a: {  	s15 =	simm.s32 $0x32F0;
	[dreg:$0x19] =	wrdreg s0;
	s0 =	sshll.u32 s24, $0x4  }
0x2b: {  	v2 =	vlaneseq.u32;
	s3 =	simm.s32 $0x6;
	s19 =	simm.s32 $0x28F0;
	s0 =	sadd.s32 s0, s2  }
0x2c: {  	v0 =	vimm.f32 $0.0e+00;
	v1 =	vshrl.u32 v2, $0x2;
	v2 =	vand.u32 $0x3, v2;
	s21 =	simm.s32 $0x2DF0;
	[dreg:$0x1d] =	wrdreg s0;
	s0 =	simm.s32 $0xA0  }
.LBB2_15:
0x2d: {  	_ =	swait.ge [sflag:s12], $0x2800  }
0x2e: {  	[sflag:s12] =	ssyncset.done $0x0  }
0x2f: {  	[sflag:s12] =	ssyncadd.s32 $0xFFFFD800  }
0x30: {  	_ =	swait.ge [sflag:s12], $0x500  }
0x31: {  	[sflag:s12] =	ssyncset.done $0x0  }
0x32: {  	[sflag:s12] =	ssyncadd.s32 $0xFFFFFB00  }
0x33: {  	s4 =	stileid.u32;
	[bflag:$0x0] =	sbarrier.arrive $0xFFFF  }
0x34: {  	s4 =	sshll.u32 s4, $0x6;
	s18 =	rddreg [dreg:$0xe]  }
0x35: {  	s4 =	sor.u32 $0x1C09, s4;
	s20 =	rddreg [dreg:$0xd];
	s18 =	sshrl.u32 s18, $0x3  }
0x36: {  	[hbm:s20], [sflag:s4] =	dma.local [spmem:s18], $0x2710  }
0x37: {  	_ =	swait.ge [sflag:s14], $0x2710  }
0x38: {  	[sflag:s14] =	ssyncset.done $0x0;
	s20 =	rddreg [dreg:$0x10]  }
0x39: {  	s22 =	rddreg [dreg:$0xf];
	[sflag:s14] =	ssyncadd.s32 $0xFFFFD8F0;
	s18 =	sshrl.u32 s20, $0x3  }
0x3a: {  	[hbm:s22], [sflag:s4] =	dma.local [spmem:s18], $0x4E2  }
0x3b: {  	_ =	swait.ge [sflag:s14], $0x4E2  }
0x3c: {  	s24 =	rddreg [dreg:$0x4]  }
0x3d: {  	s31 =	rddreg [dreg:$0x11];
	s18 =	sadd.s32 $0x1, s24  }
0x3e: {  	p0 =	sne.s32 s18, s31  }
.Ltmp1:
0x3f: {  	_ = 	snop;
	(pc) =	sbr.rel @!p0 .LBB2_16-.Ltmp1, $3  }
0x40: {  	_ =	sdelay $0x1  }
0x41: {  	[sflag:s14] =	ssyncset.done $0x0  }
0x42: {  	[sflag:s14] =	ssyncadd.s32 $0xFFFFFB1E  }
.LBB2_1:
0x43: {  	s4 =	simm.s32 $0x130  }
0x44: {  	[tilespmem:s4+$0x20] =	vst v0  }
0x45: {  	[tilespmem:s4+$0x10] =	vst v0  }
0x46: {  	[tilespmem:s4+$0x0] =	vst v0  }
0x47: {  	[tilespmem:s4+$0xFFFFFFF0] =	vst v0  }
0x48: {  	[tilespmem:s4+$0xFFFFFFE0] =	vst v0  }
0x49: {  	[tilespmem:s4+$0xFFFFFFD0] =	vst v0  }
0x4a: {  	[tilespmem:s4+$0xFFFFFFC0] =	vst v0  }
0x4b: {  	[dreg:$0x4] =	wrdreg s18;
	s22 =	simm.s32 $0x0;
	s18 =	simm.s32 $0x40;
	[tilespmem:s4+$0x30] =	vst v0  }
.LBB2_2:
0x4c: {  	p0 =	sne.s32 s18, $0x13C0;
	[tilespmem:s22+$0x6AE0] =	vst v0  }
0x4d: {  	s4 =	sadd.s32 $0x80, s4;
	[tilespmem:s22+$0x32F0] =	vst v0  }
0x4e: {  	[tilespmem:s4+$0x20] =	vst v0  }
0x4f: {  	[tilespmem:s4+$0x10] =	vst v0  }
0x50: {  	[tilespmem:s4+$0x0] =	vst v0  }
.Ltmp2:
0x51: {  	[tilespmem:s4+$0xFFFFFFF0] =	vst v0;
	(pc) =	sbr.rel @p0 .LBB2_2-.Ltmp2, $4  }
0x52: {  	[tilespmem:s4+$0xFFFFFFE0] =	vst v0  }
0x53: {  	[tilespmem:s4+$0xFFFFFFD0] =	vst v0  }
0x54: {  	[tilespmem:s4+$0xFFFFFFC0] =	vst v0  }
0x55: {  	s22 =	sshra.s32 s18, $0x2;
	s18 =	sadd.s32 $0x40, s18;
	[tilespmem:s4+$0x30] =	vst v0  }
0x56: {  	[tilespmem:s22+$0x6AE0] =	vst v0  }
0x57: {  	[tilespmem:s22+$0x32F0] =	vst v0;
	s4 =	rddreg [dreg:$0xe]  }
0x58: {  	[spmem:s4] =	stream.linear.scatter [tilespmem:s13], [sflag:$0x9], $0x2800, $0x38;
	[tilespmem:$0x1CF80] =	vst v63  }
0x59: {  	_ =	swait.ge [sflag:s14], $0x2800  }
0x5a: {  	[sflag:s14] =	ssyncset.done $0x0  }
0x5b: {  	s24 =	rddreg [dreg:$0x10];
	[sflag:s14] =	ssyncadd.s32 $0xFFFFD800  }
0x5c: {  	[spmem:s24] =	stream.linear.scatter [tilespmem:s15], [sflag:$0x9], $0x500, $0x38;
	[tilespmem:$0x1CF80] =	vst v63  }
0x5d: {  	_ =	swait.ge [sflag:s14], $0x500  }
0x5e: {  	[sflag:s14] =	ssyncset.done $0x0  }
0x5f: {  	s31 =	rddreg [dreg:$0x12];
	[sflag:s14] =	ssyncadd.s32 $0xFFFFFB00  }
0x60: {  	[spmem:s31] =	stream.linear.scatter [tilespmem:s13], [sflag:$0x9], $0x2800, $0x38;
	[tilespmem:$0x1CF80] =	vst v63  }
0x61: {  	_ =	swait.ge [sflag:s14], $0x2800  }
0x62: {  	[sflag:s14] =	ssyncset.done $0x0  }
0x63: {  	s18 =	rddreg [dreg:$0x13];
	[sflag:s14] =	ssyncadd.s32 $0xFFFFD800  }
0x64: {  	[spmem:s18] =	stream.linear.scatter [tilespmem:s15], [sflag:$0x9], $0x500, $0x38;
	[tilespmem:$0x1CF80] =	vst v63  }
0x65: {  	_ =	swait.ge [sflag:s14], $0x500  }
0x66: {  	[sflag:s14] =	ssyncset.done $0x0  }
0x67: {  	s20 =	rddreg [dreg:$0x14];
	[sflag:s14] =	ssyncadd.s32 $0xFFFFFB00  }
0x68: {  	[spmem:s20] =	stream.linear.scatter [tilespmem:s13], [sflag:$0x9], $0x2800, $0x38;
	[tilespmem:$0x1CF80] =	vst v63  }
0x69: {  	_ =	swait.ge [sflag:s14], $0x2800  }
0x6a: {  	[sflag:s14] =	ssyncset.done $0x0  }
0x6b: {  	s22 =	rddreg [dreg:$0x15];
	[sflag:s14] =	ssyncadd.s32 $0xFFFFD800  }
0x6c: {  	[spmem:s22] =	stream.linear.scatter [tilespmem:s15], [sflag:$0x9], $0x500, $0x38;
	[tilespmem:$0x1CF80] =	vst v63  }
0x6d: {  	_ =	swait.ge [sflag:s14], $0x500  }
0x6e: {  	[sflag:s14] =	ssyncset.done $0x0  }
0x6f: {  	s24 =	rddreg [dreg:$0x16];
	[sflag:s14] =	ssyncadd.s32 $0xFFFFFB00  }
0x70: {  	[spmem:s24] =	stream.linear.scatter [tilespmem:s13], [sflag:$0x9], $0x2800, $0x38;
	[tilespmem:$0x1CF80] =	vst v63  }
0x71: {  	_ =	swait.ge [sflag:s14], $0x2800  }
0x72: {  	[sflag:s14] =	ssyncset.done $0x0  }
0x73: {  	s31 =	rddreg [dreg:$0x17];
	[sflag:s14] =	ssyncadd.s32 $0xFFFFD800  }
0x74: {  	[spmem:s31] =	stream.linear.scatter [tilespmem:s15], [sflag:$0x9], $0x500, $0x38;
	[tilespmem:$0x1CF80] =	vst v63  }
0x75: {  	_ =	swait.ge [sflag:s14], $0x500  }
0x76: {  	[sflag:s14] =	ssyncset.done $0x0  }
0x77: {  	s18 =	rddreg [dreg:$0x18];
	[sflag:s14] =	ssyncadd.s32 $0xFFFFFB00  }
0x78: {  	[spmem:s18] =	stream.linear.scatter [tilespmem:s13], [sflag:$0x9], $0x2800, $0x38;
	[tilespmem:$0x1CF80] =	vst v63  }
0x79: {  	_ =	swait.ge [sflag:s14], $0x2800  }
0x7a: {  	[sflag:s14] =	ssyncset.done $0x0  }
0x7b: {  	s20 =	rddreg [dreg:$0x19];
	[sflag:s14] =	ssyncadd.s32 $0xFFFFD800  }
0x7c: {  	[spmem:s20] =	stream.linear.scatter [tilespmem:s15], [sflag:$0x9], $0x500, $0x38;
	[tilespmem:$0x1CF80] =	vst v63  }
0x7d: {  	_ =	swait.ge [sflag:s14], $0x500  }
0x7e: {  	[sflag:s14] =	ssyncset.done $0x0  }
0x7f: {  	s22 =	rddreg [dreg:$0x1a];
	[sflag:s14] =	ssyncadd.s32 $0xFFFFFB00  }
0x80: {  	[spmem:s22] =	stream.linear.scatter [tilespmem:s13], [sflag:$0x9], $0x2800, $0x38;
	[tilespmem:$0x1CF80] =	vst v63  }
0x81: {  	_ =	swait.ge [sflag:s14], $0x2800  }
0x82: {  	[sflag:s14] =	ssyncset.done $0x0  }
0x83: {  	s24 =	rddreg [dreg:$0x1b];
	[sflag:s14] =	ssyncadd.s32 $0xFFFFD800  }
0x84: {  	[spmem:s24] =	stream.linear.scatter [tilespmem:s15], [sflag:$0x9], $0x500, $0x38;
	[tilespmem:$0x1CF80] =	vst v63  }
0x85: {  	_ =	swait.ge [sflag:s14], $0x500  }
0x86: {  	[sflag:s14] =	ssyncset.done $0x0  }
0x87: {  	s31 =	rddreg [dreg:$0x1c];
	[sflag:s14] =	ssyncadd.s32 $0xFFFFFB00  }
0x88: {  	[spmem:s31] =	stream.linear.scatter [tilespmem:s13], [sflag:$0x9], $0x2800, $0x38;
	[tilespmem:$0x1CF80] =	vst v63  }
0x89: {  	_ =	swait.ge [sflag:s14], $0x2800  }
0x8a: {  	[sflag:s14] =	ssyncset.done $0x0  }
0x8b: {  	s18 =	rddreg [dreg:$0x1d];
	[sflag:s14] =	ssyncadd.s32 $0xFFFFD800  }
0x8c: {  	[spmem:s18] =	stream.linear.scatter [tilespmem:s15], [sflag:$0x9], $0x500, $0x38;
	[tilespmem:$0x1CF80] =	vst v63  }
0x8d: {  	_ =	swait.ge [sflag:s14], $0x500  }
0x8e: {  	[sflag:s14] =	ssyncset.done $0x0  }
0x8f: {  	s20 =	rddreg [dreg:$0x6];
	[sflag:s14] =	ssyncadd.s32 $0xFFFFFB00  }
0x90: {  	[spmem:s20] =	stream.linear.scatter [tilespmem:s13], [sflag:$0x9], $0x2080, $0x38;
	[tilespmem:$0x1CF80] =	vst v63  }
0x91: {  	_ =	swait.ge [sflag:s14], $0x2080  }
0x92: {  	[sflag:s14] =	ssyncset.done $0x0  }
0x93: {  	s22 =	rddreg [dreg:$0x7];
	[sflag:s14] =	ssyncadd.s32 $0xFFFFDF80  }
0x94: {  	[spmem:s22] =	stream.linear.scatter [tilespmem:s15], [sflag:$0x9], $0x410, $0x38;
	[tilespmem:$0x1CF80] =	vst v63  }
0x95: {  	_ =	swait.ge [sflag:s14], $0x410  }
0x96: {  	s18 =	simm.s32 $0x6FE0;
	[sflag:s14] =	ssyncset.done $0x0  }
0x97: {  	s22 =	simm.s32 $0x0;
	s24 =	rddreg [dreg:$0x5];
	[sflag:s14] =	ssyncadd.s32 $0xFFFFFBF0  }
0x98: {  	[tilespmem:s18], [sflag:$0x9] =	stream.linear.gather [hbm4b:s24+s22], $0x10, $0x38;
	[tilespmem:$0x1CF80] =	vst v63  }
0x99: {  	_ =	swait.ge [sflag:s14], $0x10  }
0x9a: {  	[sflag:s14] =	ssyncset.done $0x0  }
0x9b: {  	[sflag:s14] =	ssyncadd.s32 $0xFFFFFFF0  }
0x9c: {  	[bflag:$0x0] =	sbarrier.arrive $0xFFFF  }
0x9d: {  	s31 =	rddreg [dreg:$0x8]  }
0x9e: {  	v3 =	vld [tilespmem:$0x6FE0];
	[tilespmem:s22], [sflag:$0x9] =	stream.linear.gather [hbm4b:s31+s22], $0x50, $0x38  }
0x9f: {  	_ =	swait.ge [sflag:s14], $0x50  }
0xa0: {  	[sflag:s14] =	ssyncset.done $0x0  }
0xa1: {  	s18 =	rddreg [dreg:$0x9];
	[sflag:s14] =	ssyncadd.s32 $0xFFFFFFB0  }
0xa2: {  	[tilespmem:s16], [sflag:$0x9] =	stream.linear.gather [hbm4b:s18+s22], $0x50, $0x38;
	[tilespmem:$0x1CF80] =	vst v63  }
0xa3: {  	_ =	swait.ge [sflag:s14], $0x50  }
0xa4: {  	[sflag:s14] =	ssyncset.done $0x0  }
0xa5: {  	[sflag:s14] =	ssyncadd.s32 $0xFFFFFFB0  }
0xa6: {  	[tilespmem:s19], [sflag:$0x2] =	stream.indirect.gather [hbm4b:s8+s16], $0x10, s22, s16, $0xb8;
	[tilespmem:$0x1CF80] =	vst v63  }
0xa7: {  	_ = 	snop  }
0xa8: {  	[tilespmem:s21], [sflag:$0x2] =	stream.indirect.gather [hbm4b:s9+s16], $0x10, s16, s16, $0xb8;
	[tilespmem:$0x1CF80] =	vst v63  }
0xa9: {  	_ = 	snop  }
0xaa: {  	[tilespmem:s13], [sflag:$0x3] =	stream.indirect.gather [hbm4b:s5+s16], $0x80, s22, s16, $0xb8;
	[tilespmem:$0x1CF80] =	vst v63  }
.Ltmp3:
0xab: {  	_ = 	snop;
	(pc) =	sbr.rel .LBB2_4-.Ltmp3, $4  }
0xac: {  	s20 =	rddreg [dreg:$0xa]  }
0xad: {  	[tilespmem:s23], [sflag:$0x5] =	stream.linear.gather [hbm4b:s20+s22], $0x50, $0x38;
	[tilespmem:$0x1CF80] =	vst v63  }
0xae: {  	s31 =	simm.s32 $0x3840;
	s24 =	rddreg [dreg:$0xb]  }
0xaf: {  	[tilespmem:s31], [sflag:$0x5] =	stream.linear.gather [hbm4b:s24+s22], $0x50, $0x38;
	[tilespmem:$0x1CF80] =	vst v63  }
.LBB2_14:
0xb0: {  	s22 =	sadd.s32 $0x1, s22  }
0xb1: {  	p0 =	sne.s32 s22, $0x3F  }
.Ltmp4:
0xb2: {  	_ = 	snop;
	(pc) =	sbr.rel @!p0 .LBB2_15-.Ltmp4, $1  }
0xb3: {  	_ =	sdelay $0x3  }
.LBB2_4:
0xb4: {  	_ =	swait.ge [sflag:s25], $0x500;
	v4 =	vshll.u32 v1, $0x4  }
0xb5: {  	[sflag:s25] =	ssyncset.done $0x0;
	v4 =	vor.u32 v2, v4  }
0xb6: {  	[sflag:s25] =	ssyncadd.s32 $0xFFFFFB00  }
0xb7: {  	_ =	swait.ge [sflag:s25], $0x500  }
0xb8: {  	[sflag:s25] =	ssyncset.done $0x0  }
0xb9: {  	[sflag:s25] =	ssyncadd.s32 $0xFFFFFB00  }
0xba: {  	v5 =	vld.idx.msk [tilespmem:v4+s19+$0x0], $0xffff  }
0xbb: {  	v6 =	vld.idx.msk [tilespmem:v4+s21+$0x0], $0xffff;
	_ =	sdelay $0x4  }
0xbc: {  	v5 =	vadd.f32 v6, v5;
	v6 =	vadd.f32 v6, v3;
	_ =	sdelay $0x1  }
0xbd: {  	v7 =	vmul.f32 $2.000000030e-01, v5;
	v8 =	vmul.f32 $2.000000030e-01, v6;
	_ =	sdelay $0x1  }
0xbe: {  	v5 =	vmax.f32 v5, v7;
	v6 =	vmax.f32 v6, v8  }
0xbf: {  	v5 =	vsub.f32 v5, v6;
	_ =	sdelay $0x1  }
0xc0: {  	v6 =	vmul.f32 $1.442695020e+00, v5;
	_ =	sdelay $0x1  }
0xc1: {  	(erf) = vpow2.f32 v6;
	_ =	sdelay $0x3  }
0xc2: {  	v5 =	vadd.s32 $0x4, v1  }
0xc3: {  	v7 =	vshll.u32 v5, $0x4;
	v6 =	vmov v4  }
0xc4: {  	s4 =	simm.s32 $0x12;
	v7 =	vor.u32 v2, v7  }
.LBB2_5:
0xc5: {  	p0 =	sne.s32 s4, $0x1;
	_ =	sdelay $0x1  }
0xc6: {  	v8 =	vpop (erf)  }
0xc7: {  	[tilespmem:v6+s15+$0x0] =	vst.idx.msk $0xffff, v8;
	v6 =	vmov v7  }
0xc8: {  	v8 =	vld.idx.msk [tilespmem:v7+s19+$0x0], $0xffff  }
0xc9: {  	v7 =	vld.idx.msk [tilespmem:v7+s21+$0x0], $0xffff;
	_ =	sdelay $0x5  }
0xca: {  	v8 =	vadd.f32 v7, v8;
	v7 =	vadd.f32 v7, v3;
	_ =	sdelay $0x1  }
0xcb: {  	v9 =	vmul.f32 $2.000000030e-01, v8;
	v10 =	vmul.f32 $2.000000030e-01, v7;
	_ =	sdelay $0x1  }
0xcc: {  	v8 =	vmax.f32 v8, v9;
	v7 =	vmax.f32 v7, v10  }
0xcd: {  	v7 =	vsub.f32 v8, v7;
	_ =	sdelay $0x1  }
0xce: {  	v7 =	vmul.f32 $1.442695020e+00, v7;
	_ =	sdelay $0x1  }
0xcf: {  	(erf) = vpow2.f32 v7;
	_ =	sdelay $0x1  }
.Ltmp5:
0xd0: {  	(pc) =	sbr.rel @p0 .LBB2_5-.Ltmp5, $4  }
0xd1: {  	_ = 	snop  }
0xd2: {  	v5 =	vadd.s32 $0x4, v5  }
0xd3: {  	v7 =	vshll.u32 v5, $0x4  }
0xd4: {  	s4 =	sadd.s32 $0xFFFFFFFF, s4;
	v7 =	vor.u32 v2, v7  }
0xd5: {  	_ =	sdelay $0x2  }
0xd6: {  	v5 =	vpop (erf)  }
0xd7: {  	[tilespmem:v6+s15+$0x0] =	vst.idx.msk $0xffff, v5  }
0xd8: {  	v5 =	vld.idx.msk [tilespmem:v7+s19+$0x0], $0xffff  }
0xd9: {  	v6 =	vld.idx.msk [tilespmem:v7+s21+$0x0], $0xffff;
	_ =	sdelay $0x4  }
0xda: {  	v5 =	vadd.f32 v6, v5;
	v6 =	vadd.f32 v6, v3;
	_ =	sdelay $0x1  }
0xdb: {  	v8 =	vmul.f32 $2.000000030e-01, v5;
	v9 =	vmul.f32 $2.000000030e-01, v6;
	_ =	sdelay $0x1  }
0xdc: {  	v5 =	vmax.f32 v5, v8;
	v6 =	vmax.f32 v6, v9  }
0xdd: {  	v5 =	vsub.f32 v5, v6;
	_ =	sdelay $0x1  }
0xde: {  	v5 =	vmul.f32 $1.442695020e+00, v5;
	_ =	sdelay $0x1  }
0xdf: {  	(erf) = vpow2.f32 v5;
	_ =	sdelay $0x8  }
0xe0: {  	v5 =	vpop (erf)  }
0xe1: {  	[tilespmem:v7+s15+$0x0] =	vst.idx.msk $0xffff, v5  }
0xe2: {  	_ =	swait.ge [sflag:s26], $0x2800  }
0xe3: {  	p0 =	seq.s32 s22, $0x0;
	[sflag:s26] =	ssyncset.done $0x0  }
0xe4: {  	s4 =	simm.s32 @!p0 $0x8;
	[sflag:s26] =	ssyncadd.s32 $0xFFFFD800  }
0xe5: {  	_ =	swait.ge @!p0 [sflag:s4], $0x2800  }
0xe6: {  	[sflag:s4] =	ssyncset.done @!p0 $0x0  }
0xe7: {  	[sflag:s4] =	ssyncadd.s32 @!p0 $0xFFFFD800  }
0xe8: {  	_ =	swait.ge @!p0 [sflag:s4], $0x500  }
0xe9: {  	p1 =	sgt.u32 @!p0 s22, $0x3D;
	[sflag:s4] =	ssyncset.done @!p0 $0x0  }
0xea: {  	p1 =	por p0, !p1;
	[sflag:s4] =	ssyncadd.s32 @!p0 $0xFFFFFB00  }
0xeb: {  	_ =	swait.ge @p1 [sflag:s28], $0x50  }
0xec: {  	[sflag:s28] =	ssyncset.done @p1 $0x0  }
0xed: {  	[sflag:s28] =	ssyncadd.s32 @p1 $0xFFFFFFB0  }
0xee: {  	_ =	swait.ge @p1 [sflag:s28], $0x50  }
0xef: {  	[sflag:s28] =	ssyncset.done @p1 $0x0  }
0xf0: {  	s31 =	simm.s32 $0x0;
	[sflag:s28] =	ssyncadd.s32 @p1 $0xFFFFFFB0  }
0xf1: {  	v5 =	vmov s31;
	[tilespmem:s29], [sflag:$0x6] =	stream.indirect.gather @p1 [hbm4b:s8+s16], $0x10, s23, s16, $0xb8;
	[tilespmem:$0x1CF80] =	vst v63  }
0xf2: {  	s4 =	simm.s32 @p1 $0x3840  }
0xf3: {  	[tilespmem:s30], [sflag:$0x6] =	stream.indirect.gather @p1 [hbm4b:s9+s16], $0x10, s4, s16, $0xb8;
	[tilespmem:$0x1CF80] =	vst v63  }
0xf4: {  	s4 =	simm.s32 @p1 $0x38E0  }
0xf5: {  	[tilespmem:s4], [sflag:$0x7] =	stream.indirect.gather @p1 [hbm4b:s5+s16], $0x80, s23, s16, $0xb8;
	[tilespmem:$0x1CF80] =	vst v63  }
0xf6: {  	s4 =	simm.s32 $0x170;
	v6 =	vld.idx.msk [tilespmem:v5+s15+$0x0], $0xffff  }
0xf7: {  	v7 =	vld [tilespmem:s4+$0xFFFFFF80]  }
0xf8: {  	v8 =	vld [tilespmem:s4+$0xFFFFFF90];
	_ =	sdelay $0x2  }
0xf9: {  	v59 =	vor.u32 $0x1, v5  }
0xfa: {  	v7 =	vmul.f32 v7, v6  }
0xfb: {  	v6 =	vmul.f32 v8, v6  }
0xfc: {  	[tilespmem:s4+$0xFFFFFF80] =	vst v7  }
0xfd: {  	[tilespmem:s4+$0xFFFFFF90] =	vst v6;
	v7 =	vld [tilespmem:s4+$0xFFFFFFA0]  }
0xfe: {  	v6 =	vld.idx.msk [tilespmem:v59+s15+$0x0], $0xffff  }
0xff: {  	v8 =	vld [tilespmem:s4+$0xFFFFFFB0];
	_ =	sdelay $0x2  }
0x100: {  	v60 =	vor.u32 $0x2, v5  }
0x101: {  	v7 =	vmul.f32 v7, v6  }
0x102: {  	v6 =	vmul.f32 v8, v6  }
0x103: {  	[tilespmem:s4+$0xFFFFFFA0] =	vst v7  }
0x104: {  	[tilespmem:s4+$0xFFFFFFB0] =	vst v6;
	v7 =	vld [tilespmem:s4+$0xFFFFFFC0]  }
0x105: {  	v6 =	vld.idx.msk [tilespmem:v60+s15+$0x0], $0xffff  }
0x106: {  	v8 =	vld [tilespmem:s4+$0xFFFFFFD0];
	_ =	sdelay $0x2  }
0x107: {  	v5 =	vor.u32 $0x3, v5  }
0x108: {  	v7 =	vmul.f32 v7, v6  }
0x109: {  	v6 =	vmul.f32 v8, v6  }
0x10a: {  	[tilespmem:s4+$0xFFFFFFC0] =	vst v7  }
0x10b: {  	[tilespmem:s4+$0xFFFFFFD0] =	vst v6;
	v6 =	vld [tilespmem:s4+$0xFFFFFFE0]  }
0x10c: {  	v5 =	vld.idx.msk [tilespmem:v5+s15+$0x0], $0xffff  }
0x10d: {  	v7 =	vld [tilespmem:s4+$0xFFFFFFF0];
	_ =	sdelay $0x1  }
0x10e: {  	s18 =	simm.s32 $0x10  }
0x10f: {  	v8 =	vmov s18  }
0x110: {  	v6 =	vmul.f32 v6, v5  }
0x111: {  	v5 =	vmul.f32 v7, v5  }
0x112: {  	[tilespmem:s4+$0xFFFFFFE0] =	vst v6  }
0x113: {  	[tilespmem:s4+$0xFFFFFFF0] =	vst v5;
	v6 =	vld [tilespmem:s4+$0x0]  }
0x114: {  	v5 =	vld.idx.msk [tilespmem:v8+s15+$0x0], $0xffff  }
0x115: {  	v7 =	vld [tilespmem:s4+$0x10];
	_ =	sdelay $0x2  }
0x116: {  	v61 =	vor.u32 $0x1, v8  }
0x117: {  	v6 =	vmul.f32 v6, v5  }
0x118: {  	v5 =	vmul.f32 v7, v5  }
0x119: {  	[tilespmem:s4+$0x0] =	vst v6  }
0x11a: {  	[tilespmem:s4+$0x10] =	vst v5;
	v6 =	vld [tilespmem:s4+$0x20]  }
0x11b: {  	v5 =	vld.idx.msk [tilespmem:v61+s15+$0x0], $0xffff  }
0x11c: {  	v7 =	vld [tilespmem:s4+$0x30];
	_ =	sdelay $0x2  }
0x11d: {  	v62 =	vor.u32 $0x2, v8  }
0x11e: {  	v6 =	vmul.f32 v6, v5  }
0x11f: {  	v7 =	vmul.f32 v7, v5  }
0x120: {  	[tilespmem:s4+$0x20] =	vst v6  }
0x121: {  	[tilespmem:s4+$0x30] =	vst v7;
	v6 =	vld [tilespmem:s4+$0x40]  }
0x122: {  	v7 =	vld.idx.msk [tilespmem:v62+s15+$0x0], $0xffff  }
0x123: {  	v63 =	vld [tilespmem:s4+$0x50];
	_ =	sdelay $0x2  }
0x124: {  	v8 =	vor.u32 $0x3, v8  }
0x125: {  	v10 =	vmul.f32 v6, v7  }
0x126: {  	v7 =	vmul.f32 v63, v7  }
0x127: {  	v5 =	vld [tilespmem:s4+$0x60];
	[tilespmem:s4+$0x40] =	vst v10  }
0x128: {  	p0 =	por @!p0 $0x0, $0x0;
	v6 =	vld [tilespmem:s4+$0x70];
	[tilespmem:s4+$0x50] =	vst v7  }
0x129: {  	s24 =	simm.s32 $0x170;
	p0 =	por @p1 $0x1, $0x1;
	s18 =	simm.s32 $0x3;
	v7 =	vld.idx.msk [tilespmem:v8+s15+$0x0], $0xffff  }
.LBB2_7:
0x12a: {  	p1 =	sne.s32 s18, $0x4F  }
0x12b: {  	s4 =	sadd.s32 $0x100, s4;
	s31 =	smov.u32 s18;
	s18 =	sadd.s32 $0x2, s18  }
0x12c: {  	_ = 	snop  }
0x12d: {  	s31 =	sshll.u32 s31, $0x4  }
0x12e: {  	s20 =	sadd.s32 $0xFFFFFFF0, s31  }
0x12f: {  	v8 =	vmov s20  }
0x130: {  	v5 =	vmul.f32 v5, v7;
	v6 =	vmul.f32 v6, v7;
	_ =	sdelay $0x1  }
0x131: {  	[tilespmem:s24+$0x60] =	vst v5  }
0x132: {  	v7 =	vld [tilespmem:s4+$0xFFFFFF90];
	[tilespmem:s24+$0x70] =	vst v6;
	s24 =	smov.u32 s4  }
0x133: {  	v9 =	vld.idx.msk [tilespmem:v8+s15+$0x0], $0xffff  }
0x134: {  	v10 =	vld [tilespmem:s4+$0xFFFFFF80]  }
0x135: {  	v6 =	vld [tilespmem:s4+$0x70]  }
0x136: {  	v5 =	vld [tilespmem:s4+$0x60]  }
0x137: {  	v11 =	vor.u32 $0x1, v8;
	_ =	sdelay $0x1  }
0x138: {  	v7 =	vmul.f32 v7, v9;
	v10 =	vmul.f32 v10, v9;
	_ =	sdelay $0x1  }
0x139: {  	[tilespmem:s4+$0xFFFFFF80] =	vst v10  }
0x13a: {  	[tilespmem:s4+$0xFFFFFF90] =	vst v7;
	v7 =	vld [tilespmem:s4+$0xFFFFFFB0]  }
0x13b: {  	v9 =	vld.idx.msk [tilespmem:v11+s15+$0x0], $0xffff  }
0x13c: {  	v10 =	vld [tilespmem:s4+$0xFFFFFFA0];
	_ =	sdelay $0x1  }
0x13d: {  	v11 =	vor.u32 $0x2, v8;
	_ =	sdelay $0x2  }
0x13e: {  	v7 =	vmul.f32 v7, v9;
	v10 =	vmul.f32 v10, v9;
	_ =	sdelay $0x1  }
0x13f: {  	[tilespmem:s4+$0xFFFFFFA0] =	vst v10  }
0x140: {  	[tilespmem:s4+$0xFFFFFFB0] =	vst v7;
	v7 =	vld [tilespmem:s4+$0xFFFFFFD0]  }
0x141: {  	v9 =	vld.idx.msk [tilespmem:v11+s15+$0x0], $0xffff  }
0x142: {  	v10 =	vld [tilespmem:s4+$0xFFFFFFC0]  }
0x143: {  	v8 =	vor.u32 $0x3, v8;
	_ =	sdelay $0x3  }
0x144: {  	v7 =	vmul.f32 v7, v9;
	v10 =	vmul.f32 v10, v9;
	_ =	sdelay $0x1  }
0x145: {  	[tilespmem:s4+$0xFFFFFFC0] =	vst v10;
	v9 =	vld [tilespmem:s4+$0xFFFFFFF0]  }
0x146: {  	[tilespmem:s4+$0xFFFFFFD0] =	vst v7  }
0x147: {  	v7 =	vld.idx.msk [tilespmem:v8+s15+$0x0], $0xffff  }
0x148: {  	v10 =	vmov s31;
	v8 =	vld [tilespmem:s4+$0xFFFFFFE0];
	_ =	sdelay $0x4  }
0x149: {  	v8 =	vmul.f32 v8, v7;
	v7 =	vmul.f32 v9, v7;
	_ =	sdelay $0x1  }
0x14a: {  	[tilespmem:s4+$0xFFFFFFE0] =	vst v8  }
0x14b: {  	[tilespmem:s4+$0xFFFFFFF0] =	vst v7;
	v7 =	vld [tilespmem:s4+$0x10]  }
0x14c: {  	v9 =	vor.u32 $0x1, v10;
	v8 =	vld.idx.msk [tilespmem:v10+s15+$0x0], $0xffff  }
0x14d: {  	v11 =	vld [tilespmem:s4+$0x0];
	_ =	sdelay $0x4  }
0x14e: {  	v7 =	vmul.f32 v7, v8;
	v11 =	vmul.f32 v11, v8;
	_ =	sdelay $0x1  }
0x14f: {  	[tilespmem:s4+$0x0] =	vst v11  }
0x150: {  	v8 =	vor.u32 $0x2, v10;
	[tilespmem:s4+$0x10] =	vst v7;
	v7 =	vld [tilespmem:s4+$0x30]  }
0x151: {  	v9 =	vld.idx.msk [tilespmem:v9+s15+$0x0], $0xffff  }
0x152: {  	v11 =	vld [tilespmem:s4+$0x20];
	_ =	sdelay $0x4  }
0x153: {  	v7 =	vmul.f32 v7, v9;
	v11 =	vmul.f32 v11, v9;
	_ =	sdelay $0x1  }
0x154: {  	v9 =	vor.u32 $0x3, v10;
	[tilespmem:s4+$0x20] =	vst v11  }
0x155: {  	[tilespmem:s4+$0x30] =	vst v7;
	v7 =	vld [tilespmem:s4+$0x50]  }
0x156: {  	v8 =	vld.idx.msk [tilespmem:v8+s15+$0x0], $0xffff  }
0x157: {  	v10 =	vld [tilespmem:s4+$0x40];
	_ =	sdelay $0x4  }
.Ltmp6:
0x158: {  	v7 =	vmul.f32 v7, v8;
	v10 =	vmul.f32 v10, v8;
	(pc) =	sbr.rel @p1 .LBB2_7-.Ltmp6, $4  }
0x159: {  	_ = 	snop  }
0x15a: {  	[tilespmem:s4+$0x40] =	vst v10  }
0x15b: {  	[tilespmem:s4+$0x50] =	vst v7  }
0x15c: {  	v7 =	vld.idx.msk [tilespmem:v9+s15+$0x0], $0xffff  }
0x15d: {  	_ =	sdelay $0x3  }
0x15e: {  	v5 =	vmul.f32 v5, v7  }
0x15f: {  	v6 =	vmul.f32 v6, v7  }
0x160: {  	[tilespmem:s24+$0x60] =	vst v5  }
0x161: {  	[tilespmem:s24+$0x70] =	vst v6  }
0x162: {  	v5 =	vld [tilespmem:$0x50]  }
0x163: {  	v6 =	vld [tilespmem:$0x60]  }
0x164: {  	v7 =	vld [tilespmem:$0x70]  }
0x165: {  	v8 =	vld [tilespmem:$0x80]  }
0x166: {  	v9 =	vld [tilespmem:$0x90]  }
0x167: {  	[tilespmem:$0xA0] =	vst v5  }
0x168: {  	[tilespmem:$0xB0] =	vst v6  }
0x169: {  	[tilespmem:$0xC0] =	vst v7  }
0x16a: {  	p1 =	seq.s32 s22, $0x3E;
	[tilespmem:$0xD0] =	vst v8  }
0x16b: {  	s4 =	smul.u32 @!p1 $0xA0, s22;
	[tilespmem:$0xE0] =	vst v9  }
0x16c: {  	[spmem:s1] =	stream.indirect.scatter.add.f32 [tilespmem:s13], [sflag:$0x4], $0x80, s0, s16, $0xb8;
	[tilespmem:$0x1CF80] =	vst v63  }
0x16d: {  	s4 =	sadd.s32 @!p1 s4, s17  }
0x16e: {  	[spmem:s2] =	stream.indirect.scatter.add.f32 [tilespmem:s15], [sflag:$0x4], $0x10, s0, s16, $0xb8;
	[tilespmem:$0x1CF80] =	vst v63  }
.Ltmp7:
0x16f: {  	s4 =	sshrl.u32 @!p1 s4, $0x3;
	(pc) =	sbr.rel @!p0 .LBB2_14-.Ltmp7, $4  }
0x170: {  	s20 =	simm.s32 @!p1 $0x0;
	s18 =	sadd.s32 @!p1 s6, s4  }
0x171: {  	[tilespmem:s20], [sflag:$0x1] =	stream.linear.gather @!p1 [hbm4b:s18+s20], $0x50, $0x38;
	[tilespmem:$0x1CF80] =	vst v63  }
0x172: {  	s4 =	sadd.s32 @!p1 s7, s4;
	s18 =	simm.s32 @!p1 $0x50  }
0x173: {  	[tilespmem:s18], [sflag:$0x1] =	stream.linear.gather @!p1 [hbm4b:s4+s20], $0x50, $0x38;
	[tilespmem:$0x1CF80] =	vst v63  }
0x174: {  	_ =	swait.ge [sflag:s3], $0x500  }
0x175: {  	[sflag:s3] =	ssyncset.done $0x0  }
0x176: {  	[sflag:s3] =	ssyncadd.s32 $0xFFFFFB00  }
0x177: {  	_ =	swait.ge [sflag:s3], $0x500  }
0x178: {  	[sflag:s3] =	ssyncset.done $0x0  }
0x179: {  	[sflag:s3] =	ssyncadd.s32 $0xFFFFFB00  }
0x17a: {  	v5 =	vld.idx.msk [tilespmem:v4+s29+$0x0], $0xffff  }
0x17b: {  	v6 =	vld.idx.msk [tilespmem:v4+s30+$0x0], $0xffff;
	_ =	sdelay $0x4  }
0x17c: {  	v5 =	vadd.f32 v6, v5;
	v6 =	vadd.f32 v6, v3;
	_ =	sdelay $0x1  }
0x17d: {  	v7 =	vmul.f32 $2.000000030e-01, v5;
	v8 =	vmul.f32 $2.000000030e-01, v6;
	_ =	sdelay $0x1  }
0x17e: {  	v5 =	vmax.f32 v5, v7;
	v6 =	vmax.f32 v6, v8  }
0x17f: {  	v5 =	vsub.f32 v5, v6;
	_ =	sdelay $0x1  }
0x180: {  	v6 =	vmul.f32 $1.442695020e+00, v5;
	_ =	sdelay $0x1  }
0x181: {  	(erf) = vpow2.f32 v6;
	_ =	sdelay $0x3  }
0x182: {  	v5 =	vadd.s32 $0x4, v1  }
0x183: {  	v7 =	vshll.u32 v5, $0x4  }
0x184: {  	s4 =	simm.s32 $0x12;
	v6 =	vor.u32 v2, v7  }
.LBB2_10:
0x185: {  	p0 =	sne.s32 s4, $0x1;
	_ =	sdelay $0x1  }
0x186: {  	v7 =	vpop (erf)  }
0x187: {  	[tilespmem:v4+s10+$0x0] =	vst.idx.msk $0xffff, v7;
	v4 =	vmov v6  }
0x188: {  	v7 =	vld.idx.msk [tilespmem:v6+s29+$0x0], $0xffff  }
0x189: {  	v6 =	vld.idx.msk [tilespmem:v6+s30+$0x0], $0xffff;
	_ =	sdelay $0x5  }
0x18a: {  	v7 =	vadd.f32 v6, v7;
	v6 =	vadd.f32 v6, v3;
	_ =	sdelay $0x1  }
0x18b: {  	v8 =	vmul.f32 $2.000000030e-01, v7;
	v9 =	vmul.f32 $2.000000030e-01, v6;
	_ =	sdelay $0x1  }
0x18c: {  	v7 =	vmax.f32 v7, v8;
	v6 =	vmax.f32 v6, v9  }
0x18d: {  	v6 =	vsub.f32 v7, v6;
	_ =	sdelay $0x1  }
0x18e: {  	v6 =	vmul.f32 $1.442695020e+00, v6;
	_ =	sdelay $0x1  }
0x18f: {  	(erf) = vpow2.f32 v6;
	_ =	sdelay $0x1  }
.Ltmp8:
0x190: {  	(pc) =	sbr.rel @p0 .LBB2_10-.Ltmp8, $4  }
0x191: {  	_ = 	snop  }
0x192: {  	v5 =	vadd.s32 $0x4, v5  }
0x193: {  	v6 =	vshll.u32 v5, $0x4  }
0x194: {  	s4 =	sadd.s32 $0xFFFFFFFF, s4;
	v6 =	vor.u32 v2, v6  }
0x195: {  	_ =	sdelay $0x2  }
0x196: {  	v5 =	vpop (erf)  }
0x197: {  	[tilespmem:v4+s10+$0x0] =	vst.idx.msk $0xffff, v5  }
0x198: {  	v4 =	vld.idx.msk [tilespmem:v6+s29+$0x0], $0xffff  }
0x199: {  	v5 =	vld.idx.msk [tilespmem:v6+s30+$0x0], $0xffff;
	_ =	sdelay $0x4  }
0x19a: {  	v4 =	vadd.f32 v5, v4;
	v5 =	vadd.f32 v5, v3;
	_ =	sdelay $0x1  }
0x19b: {  	v7 =	vmul.f32 $2.000000030e-01, v4;
	v8 =	vmul.f32 $2.000000030e-01, v5;
	_ =	sdelay $0x1  }
0x19c: {  	v4 =	vmax.f32 v4, v7;
	v5 =	vmax.f32 v5, v8  }
0x19d: {  	v4 =	vsub.f32 v4, v5;
	_ =	sdelay $0x1  }
0x19e: {  	v4 =	vmul.f32 $1.442695020e+00, v4;
	_ =	sdelay $0x1  }
0x19f: {  	(erf) = vpow2.f32 v4;
	_ =	sdelay $0x8  }
0x1a0: {  	v4 =	vpop (erf)  }
0x1a1: {  	[tilespmem:v6+s10+$0x0] =	vst.idx.msk $0xffff, v4  }
0x1a2: {  	_ =	swait.ge [sflag:s11], $0x2800  }
0x1a3: {  	[sflag:s11] =	ssyncset.done $0x0  }
0x1a4: {  	[sflag:s11] =	ssyncadd.s32 $0xFFFFD800  }
0x1a5: {  	_ =	swait.ge [sflag:s12], $0x2800  }
0x1a6: {  	[sflag:s12] =	ssyncset.done $0x0  }
0x1a7: {  	[sflag:s12] =	ssyncadd.s32 $0xFFFFD800  }
0x1a8: {  	_ =	swait.ge [sflag:s12], $0x500  }
0x1a9: {  	[sflag:s12] =	ssyncset.done $0x0  }
0x1aa: {  	s4 =	simm.s32 @!p1 $0x1;
	[sflag:s12] =	ssyncadd.s32 $0xFFFFFB00  }
0x1ab: {  	_ =	swait.ge @!p1 [sflag:s4], $0x50  }
0x1ac: {  	[sflag:s4] =	ssyncset.done @!p1 $0x0  }
0x1ad: {  	[sflag:s4] =	ssyncadd.s32 @!p1 $0xFFFFFFB0  }
0x1ae: {  	_ =	swait.ge @!p1 [sflag:s4], $0x50  }
0x1af: {  	s18 =	simm.s32 @!p1 $0x0;
	s20 =	simm.s32 @!p1 $0x28F0;
	[sflag:s4] =	ssyncset.done @!p1 $0x0  }
0x1b0: {  	s24 =	simm.s32 $0x0;
	[sflag:s4] =	ssyncadd.s32 @!p1 $0xFFFFFFB0;
	s4 =	simm.s32 @!p1 $0x50  }
0x1b1: {  	v4 =	vmov s24;
	[tilespmem:s20], [sflag:$0x2] =	stream.indirect.gather @!p1 [hbm4b:s8+s4], $0x10, s18, s4, $0xb8;
	[tilespmem:$0x1CF80] =	vst v63  }
0x1b2: {  	s20 =	simm.s32 @!p1 $0x2DF0  }
0x1b3: {  	[tilespmem:s20], [sflag:$0x2] =	stream.indirect.gather @!p1 [hbm4b:s9+s4], $0x10, s4, s4, $0xb8;
	[tilespmem:$0x1CF80] =	vst v63  }
0x1b4: {  	s20 =	simm.s32 @!p1 $0xF0  }
0x1b5: {  	[tilespmem:s20], [sflag:$0x3] =	stream.indirect.gather @!p1 [hbm4b:s5+s4], $0x80, s18, s4, $0xb8;
	[tilespmem:$0x1CF80] =	vst v63  }
0x1b6: {  	s4 =	simm.s32 $0x3960;
	v5 =	vld.idx.msk [tilespmem:v4+s10+$0x0], $0xffff  }
0x1b7: {  	v6 =	vld [tilespmem:s4+$0xFFFFFF80]  }
0x1b8: {  	v7 =	vld [tilespmem:s4+$0xFFFFFF90];
	_ =	sdelay $0x2  }
0x1b9: {  	v8 =	vor.u32 $0x1, v4  }
0x1ba: {  	v6 =	vmul.f32 v6, v5  }
0x1bb: {  	v5 =	vmul.f32 v7, v5  }
0x1bc: {  	[tilespmem:s4+$0xFFFFFF80] =	vst v6  }
0x1bd: {  	[tilespmem:s4+$0xFFFFFF90] =	vst v5;
	v6 =	vld [tilespmem:s4+$0xFFFFFFA0]  }
0x1be: {  	v5 =	vld.idx.msk [tilespmem:v8+s10+$0x0], $0xffff  }
0x1bf: {  	v7 =	vld [tilespmem:s4+$0xFFFFFFB0];
	_ =	sdelay $0x2  }
0x1c0: {  	v8 =	vor.u32 $0x2, v4  }
0x1c1: {  	v6 =	vmul.f32 v6, v5  }
0x1c2: {  	v5 =	vmul.f32 v7, v5  }
0x1c3: {  	[tilespmem:s4+$0xFFFFFFA0] =	vst v6  }
0x1c4: {  	[tilespmem:s4+$0xFFFFFFB0] =	vst v5;
	v6 =	vld [tilespmem:s4+$0xFFFFFFC0]  }
0x1c5: {  	v5 =	vld.idx.msk [tilespmem:v8+s10+$0x0], $0xffff  }
0x1c6: {  	v7 =	vld [tilespmem:s4+$0xFFFFFFD0];
	_ =	sdelay $0x2  }
0x1c7: {  	v4 =	vor.u32 $0x3, v4  }
0x1c8: {  	v6 =	vmul.f32 v6, v5  }
0x1c9: {  	v5 =	vmul.f32 v7, v5  }
0x1ca: {  	[tilespmem:s4+$0xFFFFFFC0] =	vst v6  }
0x1cb: {  	[tilespmem:s4+$0xFFFFFFD0] =	vst v5;
	v5 =	vld [tilespmem:s4+$0xFFFFFFE0]  }
0x1cc: {  	v4 =	vld.idx.msk [tilespmem:v4+s10+$0x0], $0xffff  }
0x1cd: {  	v6 =	vld [tilespmem:s4+$0xFFFFFFF0];
	_ =	sdelay $0x1  }
0x1ce: {  	s31 =	simm.s32 $0x10  }
0x1cf: {  	v7 =	vmov s31  }
0x1d0: {  	v5 =	vmul.f32 v5, v4  }
0x1d1: {  	v4 =	vmul.f32 v6, v4  }
0x1d2: {  	[tilespmem:s4+$0xFFFFFFE0] =	vst v5  }
0x1d3: {  	[tilespmem:s4+$0xFFFFFFF0] =	vst v4;
	v5 =	vld [tilespmem:s4+$0x0]  }
0x1d4: {  	v4 =	vld.idx.msk [tilespmem:v7+s10+$0x0], $0xffff  }
0x1d5: {  	v6 =	vld [tilespmem:s4+$0x10];
	_ =	sdelay $0x2  }
0x1d6: {  	v8 =	vor.u32 $0x1, v7  }
0x1d7: {  	v5 =	vmul.f32 v5, v4  }
0x1d8: {  	v4 =	vmul.f32 v6, v4  }
0x1d9: {  	[tilespmem:s4+$0x0] =	vst v5  }
0x1da: {  	[tilespmem:s4+$0x10] =	vst v4;
	v5 =	vld [tilespmem:s4+$0x20]  }
0x1db: {  	v4 =	vld.idx.msk [tilespmem:v8+s10+$0x0], $0xffff  }
0x1dc: {  	v6 =	vld [tilespmem:s4+$0x30];
	_ =	sdelay $0x2  }
0x1dd: {  	v8 =	vor.u32 $0x2, v7  }
0x1de: {  	v5 =	vmul.f32 v5, v4  }
0x1df: {  	v6 =	vmul.f32 v6, v4  }
0x1e0: {  	[tilespmem:s4+$0x20] =	vst v5  }
0x1e1: {  	[tilespmem:s4+$0x30] =	vst v6;
	v5 =	vld [tilespmem:s4+$0x40]  }
0x1e2: {  	v6 =	vld.idx.msk [tilespmem:v8+s10+$0x0], $0xffff  }
0x1e3: {  	v8 =	vld [tilespmem:s4+$0x50];
	_ =	sdelay $0x2  }
0x1e4: {  	v7 =	vor.u32 $0x3, v7  }
0x1e5: {  	v9 =	vmul.f32 v5, v6  }
0x1e6: {  	v6 =	vmul.f32 v8, v6  }
0x1e7: {  	v4 =	vld [tilespmem:s4+$0x60];
	[tilespmem:s4+$0x40] =	vst v9  }
0x1e8: {  	v5 =	vld [tilespmem:s4+$0x70];
	[tilespmem:s4+$0x50] =	vst v6  }
0x1e9: {  	s24 =	simm.s32 $0x3960;
	s18 =	simm.s32 $0x3;
	v6 =	vld.idx.msk [tilespmem:v7+s10+$0x0], $0xffff  }
.LBB2_12:
0x1ea: {  	p0 =	sne.s32 s18, $0x4F  }
0x1eb: {  	s4 =	sadd.s32 $0x100, s4;
	s20 =	smov.u32 s18;
	s18 =	sadd.s32 $0x2, s18  }
0x1ec: {  	_ = 	snop  }
0x1ed: {  	s31 =	sshll.u32 s20, $0x4  }
0x1ee: {  	s20 =	sadd.s32 $0xFFFFFFF0, s31  }
0x1ef: {  	v7 =	vmov s20  }
0x1f0: {  	v4 =	vmul.f32 v4, v6;
	v5 =	vmul.f32 v5, v6;
	_ =	sdelay $0x1  }
0x1f1: {  	[tilespmem:s24+$0x60] =	vst v4  }
0x1f2: {  	v6 =	vld [tilespmem:s4+$0xFFFFFF90];
	[tilespmem:s24+$0x70] =	vst v5;
	s24 =	smov.u32 s4  }
0x1f3: {  	v8 =	vld.idx.msk [tilespmem:v7+s10+$0x0], $0xffff  }
0x1f4: {  	v9 =	vld [tilespmem:s4+$0xFFFFFF80]  }
0x1f5: {  	v5 =	vld [tilespmem:s4+$0x70]  }
0x1f6: {  	v4 =	vld [tilespmem:s4+$0x60]  }
0x1f7: {  	v10 =	vor.u32 $0x1, v7;
	_ =	sdelay $0x1  }
0x1f8: {  	v6 =	vmul.f32 v6, v8;
	v9 =	vmul.f32 v9, v8;
	_ =	sdelay $0x1  }
0x1f9: {  	[tilespmem:s4+$0xFFFFFF80] =	vst v9  }
0x1fa: {  	[tilespmem:s4+$0xFFFFFF90] =	vst v6;
	v6 =	vld [tilespmem:s4+$0xFFFFFFB0]  }
0x1fb: {  	v8 =	vld.idx.msk [tilespmem:v10+s10+$0x0], $0xffff  }
0x1fc: {  	v9 =	vld [tilespmem:s4+$0xFFFFFFA0];
	_ =	sdelay $0x1  }
0x1fd: {  	v10 =	vor.u32 $0x2, v7;
	_ =	sdelay $0x2  }
0x1fe: {  	v6 =	vmul.f32 v6, v8;
	v9 =	vmul.f32 v9, v8;
	_ =	sdelay $0x1  }
0x1ff: {  	[tilespmem:s4+$0xFFFFFFA0] =	vst v9  }
0x200: {  	[tilespmem:s4+$0xFFFFFFB0] =	vst v6;
	v6 =	vld [tilespmem:s4+$0xFFFFFFD0]  }
0x201: {  	v8 =	vld.idx.msk [tilespmem:v10+s10+$0x0], $0xffff  }
0x202: {  	v9 =	vld [tilespmem:s4+$0xFFFFFFC0]  }
0x203: {  	v7 =	vor.u32 $0x3, v7;
	_ =	sdelay $0x3  }
0x204: {  	v6 =	vmul.f32 v6, v8;
	v9 =	vmul.f32 v9, v8;
	_ =	sdelay $0x1  }
0x205: {  	[tilespmem:s4+$0xFFFFFFC0] =	vst v9;
	v8 =	vld [tilespmem:s4+$0xFFFFFFF0]  }
0x206: {  	[tilespmem:s4+$0xFFFFFFD0] =	vst v6  }
0x207: {  	v6 =	vld.idx.msk [tilespmem:v7+s10+$0x0], $0xffff  }
0x208: {  	v9 =	vmov s31;
	v7 =	vld [tilespmem:s4+$0xFFFFFFE0];
	_ =	sdelay $0x4  }
0x209: {  	v7 =	vmul.f32 v7, v6;
	v6 =	vmul.f32 v8, v6;
	_ =	sdelay $0x1  }
0x20a: {  	[tilespmem:s4+$0xFFFFFFE0] =	vst v7  }
0x20b: {  	[tilespmem:s4+$0xFFFFFFF0] =	vst v6;
	v6 =	vld [tilespmem:s4+$0x10]  }
0x20c: {  	v8 =	vor.u32 $0x1, v9;
	v7 =	vld.idx.msk [tilespmem:v9+s10+$0x0], $0xffff  }
0x20d: {  	v10 =	vld [tilespmem:s4+$0x0];
	_ =	sdelay $0x4  }
0x20e: {  	v6 =	vmul.f32 v6, v7;
	v10 =	vmul.f32 v10, v7;
	_ =	sdelay $0x1  }
0x20f: {  	[tilespmem:s4+$0x0] =	vst v10  }
0x210: {  	v7 =	vor.u32 $0x2, v9;
	[tilespmem:s4+$0x10] =	vst v6;
	v6 =	vld [tilespmem:s4+$0x30]  }
0x211: {  	v8 =	vld.idx.msk [tilespmem:v8+s10+$0x0], $0xffff  }
0x212: {  	v10 =	vld [tilespmem:s4+$0x20];
	_ =	sdelay $0x4  }
0x213: {  	v6 =	vmul.f32 v6, v8;
	v10 =	vmul.f32 v10, v8;
	_ =	sdelay $0x1  }
0x214: {  	v8 =	vor.u32 $0x3, v9;
	[tilespmem:s4+$0x20] =	vst v10  }
0x215: {  	[tilespmem:s4+$0x30] =	vst v6;
	v6 =	vld [tilespmem:s4+$0x50]  }
0x216: {  	v7 =	vld.idx.msk [tilespmem:v7+s10+$0x0], $0xffff  }
0x217: {  	v9 =	vld [tilespmem:s4+$0x40];
	_ =	sdelay $0x4  }
.Ltmp9:
0x218: {  	v6 =	vmul.f32 v6, v7;
	v9 =	vmul.f32 v9, v7;
	(pc) =	sbr.rel @p0 .LBB2_12-.Ltmp9, $4  }
0x219: {  	_ = 	snop  }
0x21a: {  	[tilespmem:s4+$0x40] =	vst v9  }
0x21b: {  	[tilespmem:s4+$0x50] =	vst v6  }
0x21c: {  	v6 =	vld.idx.msk [tilespmem:v8+s10+$0x0], $0xffff  }
0x21d: {  	_ =	sdelay $0x3  }
0x21e: {  	v4 =	vmul.f32 v4, v6  }
0x21f: {  	v5 =	vmul.f32 v5, v6  }
0x220: {  	[tilespmem:s24+$0x60] =	vst v4  }
0x221: {  	[tilespmem:s24+$0x70] =	vst v5  }
0x222: {  	v4 =	vld [tilespmem:$0x3840]  }
0x223: {  	v5 =	vld [tilespmem:$0x3850]  }
0x224: {  	v63 =	vld [tilespmem:$0x3860]  }
0x225: {  	v7 =	vld [tilespmem:$0x3870]  }
0x226: {  	v8 =	vld [tilespmem:$0x3880]  }
0x227: {  	[tilespmem:$0x3890] =	vst v4  }
0x228: {  	[tilespmem:$0x38A0] =	vst v5  }
0x229: {  	[tilespmem:$0x38B0] =	vst v63  }
0x22a: {  	[tilespmem:$0x38C0] =	vst v7  }
0x22b: {  	s4 =	simm.s32 $0x38E0;
	s18 =	simm.s32 $0x3890;
	p0 =	sgt.u32 s22, $0x3C;
	[tilespmem:$0x38D0] =	vst v8  }
0x22c: {  	[spmem:s1] =	stream.indirect.scatter.add.f32 [tilespmem:s4], [sflag:$0x8], $0x80, s18, s16, $0xb8;
	[tilespmem:$0x1CF80] =	vst v63  }
0x22d: {  	s4 =	smul.u32 @!p0 $0xA0, s22  }
0x22e: {  	[spmem:s2] =	stream.indirect.scatter.add.f32 [tilespmem:s10], [sflag:$0x8], $0x10, s18, s16, $0xb8;
	[tilespmem:$0x1CF80] =	vst v63  }
0x22f: {  	s18 =	rddreg [dreg:$0xc]  }
0x230: {  	s4 =	sadd.s32 @!p0 s4, s18  }
.Ltmp10:
0x231: {  	s4 =	sshrl.u32 @!p0 s4, $0x3;
	(pc) =	sbr.rel .LBB2_14-.Ltmp10, $4  }
0x232: {  	s20 =	simm.s32 @!p0 $0x0;
	s24 =	simm.s32 @!p0 $0x37F0;
	s18 =	sadd.s32 @!p0 s6, s4  }
0x233: {  	[tilespmem:s24], [sflag:$0x5] =	stream.linear.gather @!p0 [hbm4b:s18+s20], $0x50, $0x38;
	[tilespmem:$0x1CF80] =	vst v63  }
0x234: {  	s4 =	sadd.s32 @!p0 s7, s4;
	s18 =	simm.s32 @!p0 $0x3840  }
0x235: {  	[tilespmem:s18], [sflag:$0x5] =	stream.linear.gather @!p0 [hbm4b:s4+s20], $0x50, $0x38;
	[tilespmem:$0x1CF80] =	vst v63  }
.LBB2_16:
0x236: {  	_ =	sfence.sel $0x180000  }
0x237: {  	[bflag:$0x0] =	sbarrier.arrive $0xFFFF  }
0x238: {  	_ =	strace $0x90000047  }
0x239: {  	s0 =	stileid.u32;
	[bflag:$0x2] =	sbarrier.arrive $0xFFFF  }
0x23a: {  	p0 =	sne.s32 s0, $0x0;
	s0 =	rddreg [dreg:$0x3]  }
0x23b: {  	s0 =	sadd.s32 @!p0 $0x100000, s0  }
0x23c: {  	[sflag:s0] =	ssyncadd.tile.s32 @!p0 $0x1;
	_ =	shalt  }
.Lfunc_end2:
_tile_overlayer_lowered:
.L_overlay_start_2:
0x23d: {  	(tag) =	ssettag $0x2  }
0x23e: {  	s0 =	rddreg [dreg:$0x0];
	s2 =	stileid.u32  }
0x23f: {  	s1 =	rddreg [dreg:$0x1];
	p0 =	sne.s32 s2, $0x0  }
0x240: {  	s3 =	rddreg [dreg:$0x2];
	[bflag:$0x3] =	sbarrier.arrive $0xFFFF;
	s2 =	simm.s32 @!p0 $0x1C09  }
0x241: {  	[timem:s3], [sflag:s2] =	dma.local @!p0 [hbm:s0], s1  }
0x242: {  	s0 =	simm.s32 @!p0 $0x9  }
0x243: {  	_ =	swait.ge @!p0 [sflag:s0], s1  }
0x244: {  	s1 =	ssub.s32 @!p0 $0x0, s1;
	[sflag:s0] =	ssyncset.done @!p0 $0x0  }
0x245: {  	[sflag:s0] =	ssyncadd.s32 @!p0 s1  }
0x246: {  	[bflag:$0x3] =	sbarrier.arrive $0xFFFF  }
0x247: {  	_ =	shalt  }

</sc_bundles>
